<compile_context>
chip_gen: v7x
topology: tpu7x:2x2x1
jax: 0.10.2.dev20260603
libtpu: 0.0.44.dev20260713+nightly
codegen_flags: <defaults>
</compile_context>

<pallas_src>
import functools

import jax
import jax.numpy as jnp
from jax import lax
from jax.experimental import pallas as pl
from jax.experimental.pallas import tpu as pltpu
from jax.experimental.pallas import tpu_sc as plsc

_NC = 2
_NS = 16
_NW = _NC * _NS


def kernel(idx, logits_table):
    B, L = idx.shape
    V, D = logits_table.shape
    b_per_w = B // _NW

    Dp = 1024
    idx_i32 = idx.reshape(_NW, b_per_w, L).astype(jnp.int32)
    table_p = jnp.pad(logits_table, ((0, 0), (0, Dp - D)))

    mesh = plsc.VectorSubcoreMesh(core_axis_name="c", subcore_axis_name="s")

    @functools.partial(
        pl.kernel,
        mesh=mesh,
        out_type=jax.ShapeDtypeStruct((B, L, Dp), jnp.float32),
        scratch_types=[
            pltpu.VMEM((b_per_w, L), jnp.int32),
            pltpu.VMEM((L, Dp), jnp.float32),
            pltpu.VMEM((L, Dp), jnp.float32),
            pltpu.SemaphoreType.DMA,
            pltpu.SemaphoreType.DMA,
            pltpu.SemaphoreType.DMA,
            pltpu.SemaphoreType.DMA,
        ],
    )
    def gather_rows(idx_hbm, table_hbm, out_hbm, idx_v, buf0, buf1,
                    gsem0, gsem1, ssem0, ssem1):
        sid = lax.axis_index("s")
        wid = sid * _NC + lax.axis_index("c")
        base = wid * b_per_w
        pltpu.sync_copy(idx_hbm.at[wid], idx_v)
        bufs = (buf0, buf1)
        gsems = (gsem0, gsem1)
        ssems = (ssem0, ssem1)
        gathers = [None] * b_per_w
        scatters = [None] * b_per_w
        for g in range(b_per_w):
            if g >= 2:
                scatters[g - 2].wait()
            gathers[g] = pltpu.async_copy(
                table_hbm.at[idx_v.at[g]], bufs[g % 2], gsems[g % 2]
            )
            if g >= 1:
                gathers[g - 1].wait()
                scatters[g - 1] = pltpu.async_copy(
                    bufs[(g - 1) % 2],
                    out_hbm.at[base + g - 1],
                    ssems[(g - 1) % 2],
                )
        gathers[b_per_w - 1].wait()
        scatters[b_per_w - 1] = pltpu.async_copy(
            bufs[(b_per_w - 1) % 2],
            out_hbm.at[base + b_per_w - 1],
            ssems[(b_per_w - 1) % 2],
        )
        scatters[b_per_w - 2].wait()
        scatters[b_per_w - 1].wait()

    out = gather_rows(idx_i32, table_p)
    return out[:, :, :D]

# --- scband reference (transcript-rebuilt; emitter-appended) ---
"""Pipeline reference for scband-bigram-39341900431509 (READ-ONLY COPY).

The authoritative reference and input builder live on the scoring server;
editing this copy changes nothing except your own understanding.
"""

import jax, jax.numpy as jnp
import numpy as np

VOCAB = 1000
B, L = 1024, 20

def setup_inputs(seed: int = 0) -> dict:
    key = jax.random.key(seed)
    idx = jax.random.randint(jax.random.fold_in(key, 0), (B, L), 0, VOCAB)
    # learned parameter: [vocab, vocab] logits table (nn.Parameter in the torch module,
    # initialized to zeros there; use small random values so outputs are non-trivial)
    logits_table = jax.random.normal(jax.random.fold_in(key, 1), (VOCAB, VOCAB), dtype=jnp.float32) * 0.02
    return {"idx": idx, "logits_table": logits_table}

def reference(idx, logits_table):
    # Bigram forward (targets=None path): pure row-gather from the logits table.
    # logits = self.logits[idx] -> shape [B, L, vocab]
    logits = jnp.take(logits_table, idx, axis=0)
    return logits

if __name__ == "__main__":
    import jax
    _d = setup_inputs()
    print(jax.jit(kernel)(*tuple(_d.values())))

</pallas_src>

<mosaic_0001>
#map = affine_map<(d0, d1) -> (0, 0, 0)>
#map1 = affine_map<(d0, d1) -> (0, 0)>
module attributes {stable_mosaic.version = 14 : i64} {
  func.func @gather_rows(%arg0: i32, %arg1: i32, %arg2: memref<32x32x20xi32, #tpu.memory_space<hbm>>, %arg3: memref<1000x1024xf32, #tpu.memory_space<hbm>>, %arg4: memref<1024x20x1024xf32, #tpu.memory_space<hbm>>, %arg5: memref<32x20xi32, #tpu.memory_space<vmem>>, %arg6: memref<20x1024xf32, #tpu.memory_space<vmem>>, %arg7: memref<20x1024xf32, #tpu.memory_space<vmem>>, %arg8: memref<!tpu.dma_semaphore, #tpu.memory_space<semaphore_mem>>, %arg9: memref<!tpu.dma_semaphore, #tpu.memory_space<semaphore_mem>>, %arg10: memref<!tpu.dma_semaphore, #tpu.memory_space<semaphore_mem>>, %arg11: memref<!tpu.dma_semaphore, #tpu.memory_space<semaphore_mem>>) attributes {dimension_semantics = [#tpu.dimension_semantics<core_parallel>, #tpu.dimension_semantics<subcore_parallel>], iteration_bounds = array<i64: 2, 16>, scalar_prefetch = 0 : i64, scratch_operands = 7 : i64, tpu.core_type = #tpu.core_type<sc_vector_subcore>, window_params = [{transform_indices = #map}, {transform_indices = #map1}, {transform_indices = #map}]} {
    %mul3A = arith.constant 2 : i32
    %mul3A_0 = arith.muli %arg1, %mul3A : i32
    %add3A = arith.addi %mul3A_0, %arg0 : i32
    %mul3A_1 = arith.constant 32 : i32
    %mul3A_2 = arith.muli %add3A, %mul3A_1 : i32
    "tpu.region"() ({
      %run_scoped3A = tpu.sem_alloc : memref<!tpu.dma_semaphore, #tpu.memory_space<semaphore_mem>>
      %dma_start3A_1088 = arith.constant 0 : i32
      %dma_start3A_1089 = arith.constant 0 : i32
      %dma_start3A_1090 = tpu.memref_slice %arg2[%add3A, %dma_start3A_1088, %dma_start3A_1089] : memref<32x32x20xi32, #tpu.memory_space<hbm>> -> memref<1x32x20xi32, #tpu.memory_space<hbm>>
      %dma_start3A_1091 = tpu.memref_squeeze %dma_start3A_1090 : memref<1x32x20xi32, #tpu.memory_space<hbm>> -> memref<32x20xi32, #tpu.memory_space<hbm>>
      %dma_start3A_1092 = arith.constant 0 : i32
      %dma_start3A_1093 = arith.constant 0 : i32
      %dma_start3A_1094 = tpu.memref_slice %arg2[%add3A, %dma_start3A_1092, %dma_start3A_1093] : memref<32x32x20xi32, #tpu.memory_space<hbm>> -> memref<1x32x20xi32, #tpu.memory_space<hbm>>
      %dma_start3A_1095 = tpu.memref_squeeze %dma_start3A_1094 : memref<1x32x20xi32, #tpu.memory_space<hbm>> -> memref<32x20xi32, #tpu.memory_space<hbm>>
      tpu.enqueue_dma source(%dma_start3A_1095 : memref<32x20xi32, #tpu.memory_space<hbm>>) target(%arg5 : memref<32x20xi32, #tpu.memory_space<vmem>>) target_semaphore(%run_scoped3A : memref<!tpu.dma_semaphore, #tpu.memory_space<semaphore_mem>>)
      %dma_wait3A_1096 = arith.constant 0 : i32
      %dma_wait3A_1097 = arith.constant 0 : i32
      %dma_wait3A_1098 = tpu.memref_slice %arg2[%add3A, %dma_wait3A_1096, %dma_wait3A_1097] : memref<32x32x20xi32, #tpu.memory_space<hbm>> -> memref<1x32x20xi32, #tpu.memory_space<hbm>>
      %dma_wait3A_1099 = tpu.memref_squeeze %dma_wait3A_1098 : memref<1x32x20xi32, #tpu.memory_space<hbm>> -> memref<32x20xi32, #tpu.memory_space<hbm>>
      %dma_wait3A_1100 = arith.constant 0 : i32
      %dma_wait3A_1101 = arith.constant 0 : i32
      %dma_wait3A_1102 = tpu.memref_slice %arg2[%add3A, %dma_wait3A_1100, %dma_wait3A_1101] : memref<32x32x20xi32, #tpu.memory_space<hbm>> -> memref<1x32x20xi32, #tpu.memory_space<hbm>>
      %dma_wait3A_1103 = tpu.memref_squeeze %dma_wait3A_1102 : memref<1x32x20xi32, #tpu.memory_space<hbm>> -> memref<32x20xi32, #tpu.memory_space<hbm>>
      tpu.wait_dma2 semaphore(%run_scoped3A : memref<!tpu.dma_semaphore, #tpu.memory_space<semaphore_mem>>) src(%dma_wait3A_1103 : memref<32x20xi32, #tpu.memory_space<hbm>>) dst(%arg5 : memref<32x20xi32, #tpu.memory_space<vmem>>)
      tpu.yield
    }) : () -> ()
    %dma_start3A = arith.constant 0 : i32
    %dma_start3A_3 = arith.constant 0 : i32
    %dma_start3A_4 = tpu.memref_slice %arg5[%dma_start3A, %dma_start3A_3] : memref<32x20xi32, #tpu.memory_space<vmem>> -> memref<1x20xi32, #tpu.memory_space<vmem>>
    %dma_start3A_5 = tpu.memref_squeeze %dma_start3A_4 : memref<1x20xi32, #tpu.memory_space<vmem>> -> memref<20xi32, #tpu.memory_space<vmem>>
    %dma_start3A_6 = arith.constant 0 : i32
    %dma_start3A_7 = arith.constant 0 : i32
    %dma_start3A_8 = tpu.memref_slice %arg3[%dma_start3A_6, %dma_start3A_7] : memref<1000x1024xf32, #tpu.memory_space<hbm>> -> memref<1000x1024xf32, #tpu.memory_space<hbm>>
    tpu.enqueue_indirect_dma source(%dma_start3A_8 : memref<1000x1024xf32, #tpu.memory_space<hbm>>) target(%arg6 : memref<20x1024xf32, #tpu.memory_space<vmem>>) offsets(%dma_start3A_5 : memref<20xi32, #tpu.memory_space<vmem>>) semaphore(%arg8 : memref<!tpu.dma_semaphore, #tpu.memory_space<semaphore_mem>>)
    %dma_start3A_9 = arith.constant 1 : i32
    %dma_start3A_10 = arith.constant 0 : i32
    %dma_start3A_11 = tpu.memref_slice %arg5[%dma_start3A_9, %dma_start3A_10] : memref<32x20xi32, #tpu.memory_space<vmem>> -> memref<1x20xi32, #tpu.memory_space<vmem>>
    %dma_start3A_12 = tpu.memref_squeeze %dma_start3A_11 : memref<1x20xi32, #tpu.memory_space<vmem>> -> memref<20xi32, #tpu.memory_space<vmem>>
    %dma_start3A_13 = arith.constant 0 : i32
    %dma_start3A_14 = arith.constant 0 : i32
    %dma_start3A_15 = tpu.memref_slice %arg3[%dma_start3A_13, %dma_start3A_14] : memref<1000x1024xf32, #tpu.memory_space<hbm>> -> memref<1000x1024xf32, #tpu.memory_space<hbm>>
    tpu.enqueue_indirect_dma source(%dma_start3A_15 : memref<1000x1024xf32, #tpu.memory_space<hbm>>) target(%arg7 : memref<20x1024xf32, #tpu.memory_space<vmem>>) offsets(%dma_start3A_12 : memref<20xi32, #tpu.memory_space<vmem>>) semaphore(%arg9 : memref<!tpu.dma_semaphore, #tpu.memory_space<semaphore_mem>>)
    %dma_wait3A = arith.constant 0 : i32
    %dma_wait3A_16 = arith.constant 0 : i32
    %dma_wait3A_17 = tpu.memref_slice %arg5[%dma_wait3A, %dma_wait3A_16] : memref<32x20xi32, #tpu.memory_space<vmem>> -> memref<1x20xi32, #tpu.memory_space<vmem>>
    %dma_wait3A_18 = tpu.memref_squeeze %dma_wait3A_17 : memref<1x20xi32, #tpu.memory_space<vmem>> -> memref<20xi32, #tpu.memory_space<vmem>>
    %dma_wait3A_19 = arith.constant 0 : i32
    %dma_wait3A_20 = arith.constant 0 : i32
    %dma_wait3A_21 = tpu.memref_slice %arg3[%dma_wait3A_19, %dma_wait3A_20] : memref<1000x1024xf32, #tpu.memory_space<hbm>> -> memref<1000x1024xf32, #tpu.memory_space<hbm>>
    tpu.wait_indirect_dma semaphore(%arg8 : memref<!tpu.dma_semaphore, #tpu.memory_space<semaphore_mem>>) src(%dma_wait3A_21 : memref<1000x1024xf32, #tpu.memory_space<hbm>>) dst(%arg6 : memref<20x1024xf32, #tpu.memory_space<vmem>>)
    %add3A_22 = arith.constant 1 : i32
    %add3A_23 = arith.addi %mul3A_2, %add3A_22 : i32
    %sub3A = arith.constant 1 : i32
    %sub3A_24 = arith.subi %add3A_23, %sub3A : i32
    %dma_start3A_25 = arith.constant 0 : i32
    %dma_start3A_26 = arith.constant 0 : i32
    %dma_start3A_27 = tpu.memref_slice %arg4[%sub3A_24, %dma_start3A_25, %dma_start3A_26] : memref<1024x20x1024xf32, #tpu.memory_space<hbm>> -> memref<1x20x1024xf32, #tpu.memory_space<hbm>>
    %dma_start3A_28 = tpu.memref_squeeze %dma_start3A_27 : memref<1x20x1024xf32, #tpu.memory_space<hbm>> -> memref<20x1024xf32, #tpu.memory_space<hbm>>
    %dma_start3A_29 = arith.constant 0 : i32
    %dma_start3A_30 = arith.constant 0 : i32
    %dma_start3A_31 = tpu.memref_slice %arg4[%sub3A_24, %dma_start3A_29, %dma_start3A_30] : memref<1024x20x1024xf32, #tpu.memory_space<hbm>> -> memref<1x20x1024xf32, #tpu.memory_space<hbm>>
    %dma_start3A_32 = tpu.memref_squeeze %dma_start3A_31 : memref<1x20x1024xf32, #tpu.memory_space<hbm>> -> memref<20x1024xf32, #tpu.memory_space<hbm>>
    tpu.enqueue_dma source(%arg6 : memref<20x1024xf32, #tpu.memory_space<vmem>>) target(%dma_start3A_32 : memref<20x1024xf32, #tpu.memory_space<hbm>>) target_semaphore(%arg10 : memref<!tpu.dma_semaphore, #tpu.memory_space<semaphore_mem>>)
    %dma_wait3A_33 = arith.constant 0 : i32
    %dma_wait3A_34 = arith.constant 0 : i32
    %dma_wait3A_35 = tpu.memref_slice %arg4[%sub3A_24, %dma_wait3A_33, %dma_wait3A_34] : memref<1024x20x1024xf32, #tpu.memory_space<hbm>> -> memref<1x20x1024xf32, #tpu.memory_space<hbm>>
    %dma_wait3A_36 = tpu.memref_squeeze %dma_wait3A_35 : memref<1x20x1024xf32, #tpu.memory_space<hbm>> -> memref<20x1024xf32, #tpu.memory_space<hbm>>
    %dma_wait3A_37 = arith.constant 0 : i32
    %dma_wait3A_38 = arith.constant 0 : i32
    %dma_wait3A_39 = tpu.memref_slice %arg4[%sub3A_24, %dma_wait3A_37, %dma_wait3A_38] : memref<1024x20x1024xf32, #tpu.memory_space<hbm>> -> memref<1x20x1024xf32, #tpu.memory_space<hbm>>
    %dma_wait3A_40 = tpu.memref_squeeze %dma_wait3A_39 : memref<1x20x1024xf32, #tpu.memory_space<hbm>> -> memref<20x1024xf32, #tpu.memory_space<hbm>>
    tpu.wait_dma2 semaphore(%arg10 : memref<!tpu.dma_semaphore, #tpu.memory_space<semaphore_mem>>) src(%arg6 : memref<20x1024xf32, #tpu.memory_space<vmem>>) dst(%dma_wait3A_40 : memref<20x1024xf32, #tpu.memory_space<hbm>>)
    %dma_start3A_41 = arith.constant 2 : i32
    %dma_start3A_42 = arith.constant 0 : i32
    %dma_start3A_43 = tpu.memref_slice %arg5[%dma_start3A_41, %dma_start3A_42] : memref<32x20xi32, #tpu.memory_space<vmem>> -> memref<1x20xi32, #tpu.memory_space<vmem>>
    %dma_start3A_44 = tpu.memref_squeeze %dma_start3A_43 : memref<1x20xi32, #tpu.memory_space<vmem>> -> memref<20xi32, #tpu.memory_space<vmem>>
    %dma_start3A_45 = arith.constant 0 : i32
    %dma_start3A_46 = arith.constant 0 : i32
    %dma_start3A_47 = tpu.memref_slice %arg3[%dma_start3A_45, %dma_start3A_46] : memref<1000x1024xf32, #tpu.memory_space<hbm>> -> memref<1000x1024xf32, #tpu.memory_space<hbm>>
    tpu.enqueue_indirect_dma source(%dma_start3A_47 : memref<1000x1024xf32, #tpu.memory_space<hbm>>) target(%arg6 : memref<20x1024xf32, #tpu.memory_space<vmem>>) offsets(%dma_start3A_44 : memref<20xi32, #tpu.memory_space<vmem>>) semaphore(%arg8 : memref<!tpu.dma_semaphore, #tpu.memory_space<semaphore_mem>>)
    %dma_wait3A_48 = arith.constant 1 : i32
    %dma_wait3A_49 = arith.constant 0 : i32
    %dma_wait3A_50 = tpu.memref_slice %arg5[%dma_wait3A_48, %dma_wait3A_49] : memref<32x20xi32, #tpu.memory_space<vmem>> -> memref<1x20xi32, #tpu.memory_space<vmem>>
    %dma_wait3A_51 = tpu.memref_squeeze %dma_wait3A_50 : memref<1x20xi32, #tpu.memory_space<vmem>> -> memref<20xi32, #tpu.memory_space<vmem>>
    %dma_wait3A_52 = arith.constant 0 : i32
    %dma_wait3A_53 = arith.constant 0 : i32
    %dma_wait3A_54 = tpu.memref_slice %arg3[%dma_wait3A_52, %dma_wait3A_53] : memref<1000x1024xf32, #tpu.memory_space<hbm>> -> memref<1000x1024xf32, #tpu.memory_space<hbm>>
    tpu.wait_indirect_dma semaphore(%arg9 : memref<!tpu.dma_semaphore, #tpu.memory_space<semaphore_mem>>) src(%dma_wait3A_54 : memref<1000x1024xf32, #tpu.memory_space<hbm>>) dst(%arg7 : memref<20x1024xf32, #tpu.memory_space<vmem>>)
    %add3A_55 = arith.constant 2 : i32
    %add3A_56 = arith.addi %mul3A_2, %add3A_55 : i32
    %sub3A_57 = arith.constant 1 : i32
    %sub3A_58 = arith.subi %add3A_56, %sub3A_57 : i32
    %dma_start3A_59 = arith.constant 0 : i32
    %dma_start3A_60 = arith.constant 0 : i32
    %dma_start3A_61 = tpu.memref_slice %arg4[%sub3A_58, %dma_start3A_59, %dma_start3A_60] : memref<1024x20x1024xf32, #tpu.memory_space<hbm>> -> memref<1x20x1024xf32, #tpu.memory_space<hbm>>
    %dma_start3A_62 = tpu.memref_squeeze %dma_start3A_61 : memref<1x20x1024xf32, #tpu.memory_space<hbm>> -> memref<20x1024xf32, #tpu.memory_space<hbm>>
    %dma_start3A_63 = arith.constant 0 : i32
    %dma_start3A_64 = arith.constant 0 : i32
    %dma_start3A_65 = tpu.memref_slice %arg4[%sub3A_58, %dma_start3A_63, %dma_start3A_64] : memref<1024x20x1024xf32, #tpu.memory_space<hbm>> -> memref<1x20x1024xf32, #tpu.memory_space<hbm>>
    %dma_start3A_66 = tpu.memref_squeeze %dma_start3A_65 : memref<1x20x1024xf32, #tpu.memory_space<hbm>> -> memref<20x1024xf32, #tpu.memory_space<hbm>>
    tpu.enqueue_dma source(%arg7 : memref<20x1024xf32, #tpu.memory_space<vmem>>) target(%dma_start3A_66 : memref<20x1024xf32, #tpu.memory_space<hbm>>) target_semaphore(%arg11 : memref<!tpu.dma_semaphore, #tpu.memory_space<semaphore_mem>>)
    %dma_wait3A_67 = arith.constant 0 : i32
    %dma_wait3A_68 = arith.constant 0 : i32
    %dma_wait3A_69 = tpu.memref_slice %arg4[%sub3A_58, %dma_wait3A_67, %dma_wait3A_68] : memref<1024x20x1024xf32, #tpu.memory_space<hbm>> -> memref<1x20x1024xf32, #tpu.memory_space<hbm>>
    %dma_wait3A_70 = tpu.memref_squeeze %dma_wait3A_69 : memref<1x20x1024xf32, #tpu.memory_space<hbm>> -> memref<20x1024xf32, #tpu.memory_space<hbm>>
    %dma_wait3A_71 = arith.constant 0 : i32
    %dma_wait3A_72 = arith.constant 0 : i32
    %dma_wait3A_73 = tpu.memref_slice %arg4[%sub3A_58, %dma_wait3A_71, %dma_wait3A_72] : memref<1024x20x1024xf32, #tpu.memory_space<hbm>> -> memref<1x20x1024xf32, #tpu.memory_space<hbm>>
    %dma_wait3A_74 = tpu.memref_squeeze %dma_wait3A_73 : memref<1x20x1024xf32, #tpu.memory_space<hbm>> -> memref<20x1024xf32, #tpu.memory_space<hbm>>
    tpu.wait_dma2 semaphore(%arg11 : memref<!tpu.dma_semaphore, #tpu.memory_space<semaphore_mem>>) src(%arg7 : memref<20x1024xf32, #tpu.memory_space<vmem>>) dst(%dma_wait3A_74 : memref<20x1024xf32, #tpu.memory_space<hbm>>)
    %dma_start3A_75 = arith.constant 3 : i32
    %dma_start3A_76 = arith.constant 0 : i32
    %dma_start3A_77 = tpu.memref_slice %arg5[%dma_start3A_75, %dma_start3A_76] : memref<32x20xi32, #tpu.memory_space<vmem>> -> memref<1x20xi32, #tpu.memory_space<vmem>>
    %dma_start3A_78 = tpu.memref_squeeze %dma_start3A_77 : memref<1x20xi32, #tpu.memory_space<vmem>> -> memref<20xi32, #tpu.memory_space<vmem>>
    %dma_start3A_79 = arith.constant 0 : i32
    %dma_start3A_80 = arith.constant 0 : i32
    %dma_start3A_81 = tpu.memref_slice %arg3[%dma_start3A_79, %dma_start3A_80] : memref<1000x1024xf32, #tpu.memory_space<hbm>> -> memref<1000x1024xf32, #tpu.memory_space<hbm>>
    tpu.enqueue_indirect_dma source(%dma_start3A_81 : memref<1000x1024xf32, #tpu.memory_space<hbm>>) target(%arg7 : memref<20x1024xf32, #tpu.memory_space<vmem>>) offsets(%dma_start3A_78 : memref<20xi32, #tpu.memory_space<vmem>>) semaphore(%arg9 : memref<!tpu.dma_semaphore, #tpu.memory_space<semaphore_mem>>)
    %dma_wait3A_82 = arith.constant 2 : i32
    %dma_wait3A_83 = arith.constant 0 : i32
    %dma_wait3A_84 = tpu.memref_slice %arg5[%dma_wait3A_82, %dma_wait3A_83] : memref<32x20xi32, #tpu.memory_space<vmem>> -> memref<1x20xi32, #tpu.memory_space<vmem>>
    %dma_wait3A_85 = tpu.memref_squeeze %dma_wait3A_84 : memref<1x20xi32, #tpu.memory_space<vmem>> -> memref<20xi32, #tpu.memory_space<vmem>>
    %dma_wait3A_86 = arith.constant 0 : i32
    %dma_wait3A_87 = arith.constant 0 : i32
    %dma_wait3A_88 = tpu.memref_slice %arg3[%dma_wait3A_86, %dma_wait3A_87] : memref<1000x1024xf32, #tpu.memory_space<hbm>> -> memref<1000x1024xf32, #tpu.memory_space<hbm>>
    tpu.wait_indirect_dma semaphore(%arg8 : memref<!tpu.dma_semaphore, #tpu.memory_space<semaphore_mem>>) src(%dma_wait3A_88 : memref<1000x1024xf32, #tpu.memory_space<hbm>>) dst(%arg6 : memref<20x1024xf32, #tpu.memory_space<vmem>>)
    %add3A_89 = arith.constant 3 : i32
    %add3A_90 = arith.addi %mul3A_2, %add3A_89 : i32
    %sub3A_91 = arith.constant 1 : i32
    %sub3A_92 = arith.subi %add3A_90, %sub3A_91 : i32
    %dma_start3A_93 = arith.constant 0 : i32
    %dma_start3A_94 = arith.constant 0 : i32
    %dma_start3A_95 = tpu.memref_slice %arg4[%sub3A_92, %dma_start3A_93, %dma_start3A_94] : memref<1024x20x1024xf32, #tpu.memory_space<hbm>> -> memref<1x20x1024xf32, #tpu.memory_space<hbm>>
    %dma_start3A_96 = tpu.memref_squeeze %dma_start3A_95 : memref<1x20x1024xf32, #tpu.memory_space<hbm>> -> memref<20x1024xf32, #tpu.memory_space<hbm>>
    %dma_start3A_97 = arith.constant 0 : i32
    %dma_start3A_98 = arith.constant 0 : i32
    %dma_start3A_99 = tpu.memref_slice %arg4[%sub3A_92, %dma_start3A_97, %dma_start3A_98] : memref<1024x20x1024xf32, #tpu.memory_space<hbm>> -> memref<1x20x1024xf32, #tpu.memory_space<hbm>>
    %dma_start3A_100 = tpu.memref_squeeze %dma_start3A_99 : memref<1x20x1024xf32, #tpu.memory_space<hbm>> -> memref<20x1024xf32, #tpu.memory_space<hbm>>
    tpu.enqueue_dma source(%arg6 : memref<20x1024xf32, #tpu.memory_space<vmem>>) target(%dma_start3A_100 : memref<20x1024xf32, #tpu.memory_space<hbm>>) target_semaphore(%arg10 : memref<!tpu.dma_semaphore, #tpu.memory_space<semaphore_mem>>)
    %dma_wait3A_101 = arith.constant 0 : i32
    %dma_wait3A_102 = arith.constant 0 : i32
    %dma_wait3A_103 = tpu.memref_slice %arg4[%sub3A_92, %dma_wait3A_101, %dma_wait3A_102] : memref<1024x20x1024xf32, #tpu.memory_space<hbm>> -> memref<1x20x1024xf32, #tpu.memory_space<hbm>>
    %dma_wait3A_104 = tpu.memref_squeeze %dma_wait3A_103 : memref<1x20x1024xf32, #tpu.memory_space<hbm>> -> memref<20x1024xf32, #tpu.memory_space<hbm>>
    %dma_wait3A_105 = arith.constant 0 : i32
    %dma_wait3A_106 = arith.constant 0 : i32
    %dma_wait3A_107 = tpu.memref_slice %arg4[%sub3A_92, %dma_wait3A_105, %dma_wait3A_106] : memref<1024x20x1024xf32, #tpu.memory_space<hbm>> -> memref<1x20x1024xf32, #tpu.memory_space<hbm>>
    %dma_wait3A_108 = tpu.memref_squeeze %dma_wait3A_107 : memref<1x20x1024xf32, #tpu.memory_space<hbm>> -> memref<20x1024xf32, #tpu.memory_space<hbm>>
    tpu.wait_dma2 semaphore(%arg10 : memref<!tpu.dma_semaphore, #tpu.memory_space<semaphore_mem>>) src(%arg6 : memref<20x1024xf32, #tpu.memory_space<vmem>>) dst(%dma_wait3A_108 : memref<20x1024xf32, #tpu.memory_space<hbm>>)
    %dma_start3A_109 = arith.constant 4 : i32
    %dma_start3A_110 = arith.constant 0 : i32
    %dma_start3A_111 = tpu.memref_slice %arg5[%dma_start3A_109, %dma_start3A_110] : memref<32x20xi32, #tpu.memory_space<vmem>> -> memref<1x20xi32, #tpu.memory_space<vmem>>
    %dma_start3A_112 = tpu.memref_squeeze %dma_start3A_111 : memref<1x20xi32, #tpu.memory_space<vmem>> -> memref<20xi32, #tpu.memory_space<vmem>>
    %dma_start3A_113 = arith.constant 0 : i32
    %dma_start3A_114 = arith.constant 0 : i32
    %dma_start3A_115 = tpu.memref_slice %arg3[%dma_start3A_113, %dma_start3A_114] : memref<1000x1024xf32, #tpu.memory_space<hbm>> -> memref<1000x1024xf32, #tpu.memory_space<hbm>>
    tpu.enqueue_indirect_dma source(%dma_start3A_115 : memref<1000x1024xf32, #tpu.memory_space<hbm>>) target(%arg6 : memref<20x1024xf32, #tpu.memory_space<vmem>>) offsets(%dma_start3A_112 : memref<20xi32, #tpu.memory_space<vmem>>) semaphore(%arg8 : memref<!tpu.dma_semaphore, #tpu.memory_space<semaphore_mem>>)
    %dma_wait3A_116 = arith.constant 3 : i32
    %dma_wait3A_117 = arith.constant 0 : i32
    %dma_wait3A_118 = tpu.memref_slice %arg5[%dma_wait3A_116, %dma_wait3A_117] : memref<32x20xi32, #tpu.memory_space<vmem>> -> memref<1x20xi32, #tpu.memory_space<vmem>>
    %dma_wait3A_119 = tpu.memref_squeeze %dma_wait3A_118 : memref<1x20xi32, #tpu.memory_space<vmem>> -> memref<20xi32, #tpu.memory_space<vmem>>
    %dma_wait3A_120 = arith.constant 0 : i32
    %dma_wait3A_121 = arith.constant 0 : i32
    %dma_wait3A_122 = tpu.memref_slice %arg3[%dma_wait3A_120, %dma_wait3A_121] : memref<1000x1024xf32, #tpu.memory_space<hbm>> -> memref<1000x1024xf32, #tpu.memory_space<hbm>>
    tpu.wait_indirect_dma semaphore(%arg9 : memref<!tpu.dma_semaphore, #tpu.memory_space<semaphore_mem>>) src(%dma_wait3A_122 : memref<1000x1024xf32, #tpu.memory_space<hbm>>) dst(%arg7 : memref<20x1024xf32, #tpu.memory_space<vmem>>)
    %add3A_123 = arith.constant 4 : i32
    %add3A_124 = arith.addi %mul3A_2, %add3A_123 : i32
    %sub3A_125 = arith.constant 1 : i32
    %sub3A_126 = arith.subi %add3A_124, %sub3A_125 : i32
    %dma_start3A_127 = arith.constant 0 : i32
    %dma_start3A_128 = arith.constant 0 : i32
    %dma_start3A_129 = tpu.memref_slice %arg4[%sub3A_126, %dma_start3A_127, %dma_start3A_128] : memref<1024x20x1024xf32, #tpu.memory_space<hbm>> -> memref<1x20x1024xf32, #tpu.memory_space<hbm>>
    %dma_start3A_130 = tpu.memref_squeeze %dma_start3A_129 : memref<1x20x1024xf32, #tpu.memory_space<hbm>> -> memref<20x1024xf32, #tpu.memory_space<hbm>>
    %dma_start3A_131 = arith.constant 0 : i32
    %dma_start3A_132 = arith.constant 0 : i32
    %dma_start3A_133 = tpu.memref_slice %arg4[%sub3A_126, %dma_start3A_131, %dma_start3A_132] : memref<1024x20x1024xf32, #tpu.memory_space<hbm>> -> memref<1x20x1024xf32, #tpu.memory_space<hbm>>
    %dma_start3A_134 = tpu.memref_squeeze %dma_start3A_133 : memref<1x20x1024xf32, #tpu.memory_space<hbm>> -> memref<20x1024xf32, #tpu.memory_space<hbm>>
    tpu.enqueue_dma source(%arg7 : memref<20x1024xf32, #tpu.memory_space<vmem>>) target(%dma_start3A_134 : memref<20x1024xf32, #tpu.memory_space<hbm>>) target_semaphore(%arg11 : memref<!tpu.dma_semaphore, #tpu.memory_space<semaphore_mem>>)
    %dma_wait3A_135 = arith.constant 0 : i32
    %dma_wait3A_136 = arith.constant 0 : i32
    %dma_wait3A_137 = tpu.memref_slice %arg4[%sub3A_126, %dma_wait3A_135, %dma_wait3A_136] : memref<1024x20x1024xf32, #tpu.memory_space<hbm>> -> memref<1x20x1024xf32, #tpu.memory_space<hbm>>
    %dma_wait3A_138 = tpu.memref_squeeze %dma_wait3A_137 : memref<1x20x1024xf32, #tpu.memory_space<hbm>> -> memref<20x1024xf32, #tpu.memory_space<hbm>>
    %dma_wait3A_139 = arith.constant 0 : i32
    %dma_wait3A_140 = arith.constant 0 : i32
    %dma_wait3A_141 = tpu.memref_slice %arg4[%sub3A_126, %dma_wait3A_139, %dma_wait3A_140] : memref<1024x20x1024xf32, #tpu.memory_space<hbm>> -> memref<1x20x1024xf32, #tpu.memory_space<hbm>>
    %dma_wait3A_142 = tpu.memref_squeeze %dma_wait3A_141 : memref<1x20x1024xf32, #tpu.memory_space<hbm>> -> memref<20x1024xf32, #tpu.memory_space<hbm>>
    tpu.wait_dma2 semaphore(%arg11 : memref<!tpu.dma_semaphore, #tpu.memory_space<semaphore_mem>>) src(%arg7 : memref<20x1024xf32, #tpu.memory_space<vmem>>) dst(%dma_wait3A_142 : memref<20x1024xf32, #tpu.memory_space<hbm>>)
    %dma_start3A_143 = arith.constant 5 : i32
    %dma_start3A_144 = arith.constant 0 : i32
    %dma_start3A_145 = tpu.memref_slice %arg5[%dma_start3A_143, %dma_start3A_144] : memref<32x20xi32, #tpu.memory_space<vmem>> -> memref<1x20xi32, #tpu.memory_space<vmem>>
    %dma_start3A_146 = tpu.memref_squeeze %dma_start3A_145 : memref<1x20xi32, #tpu.memory_space<vmem>> -> memref<20xi32, #tpu.memory_space<vmem>>
    %dma_start3A_147 = arith.constant 0 : i32
    %dma_start3A_148 = arith.constant 0 : i32
    %dma_start3A_149 = tpu.memref_slice %arg3[%dma_start3A_147, %dma_start3A_148] : memref<1000x1024xf32, #tpu.memory_space<hbm>> -> memref<1000x1024xf32, #tpu.memory_space<hbm>>
    tpu.enqueue_indirect_dma source(%dma_start3A_149 : memref<1000x1024xf32, #tpu.memory_space<hbm>>) target(%arg7 : memref<20x1024xf32, #tpu.memory_space<vmem>>) offsets(%dma_start3A_146 : memref<20xi32, #tpu.memory_space<vmem>>) semaphore(%arg9 : memref<!tpu.dma_semaphore, #tpu.memory_space<semaphore_mem>>)
    %dma_wait3A_150 = arith.constant 4 : i32
    %dma_wait3A_151 = arith.constant 0 : i32
    %dma_wait3A_152 = tpu.memref_slice %arg5[%dma_wait3A_150, %dma_wait3A_151] : memref<32x20xi32, #tpu.memory_space<vmem>> -> memref<1x20xi32, #tpu.memory_space<vmem>>
    %dma_wait3A_153 = tpu.memref_squeeze %dma_wait3A_152 : memref<1x20xi32, #tpu.memory_space<vmem>> -> memref<20xi32, #tpu.memory_space<vmem>>
    %dma_wait3A_154 = arith.constant 0 : i32
    %dma_wait3A_155 = arith.constant 0 : i32
    %dma_wait3A_156 = tpu.memref_slice %arg3[%dma_wait3A_154, %dma_wait3A_155] : memref<1000x1024xf32, #tpu.memory_space<hbm>> -> memref<1000x1024xf32, #tpu.memory_space<hbm>>
    tpu.wait_indirect_dma semaphore(%arg8 : memref<!tpu.dma_semaphore, #tpu.memory_space<semaphore_mem>>) src(%dma_wait3A_156 : memref<1000x1024xf32, #tpu.memory_space<hbm>>) dst(%arg6 : memref<20x1024xf32, #tpu.memory_space<vmem>>)
    %add3A_157 = arith.constant 5 : i32
    %add3A_158 = arith.addi %mul3A_2, %add3A_157 : i32
    %sub3A_159 = arith.constant 1 : i32
    %sub3A_160 = arith.subi %add3A_158, %sub3A_159 : i32
    %dma_start3A_161 = arith.constant 0 : i32
    %dma_start3A_162 = arith.constant 0 : i32
    %dma_start3A_163 = tpu.memref_slice %arg4[%sub3A_160, %dma_start3A_161, %dma_start3A_162] : memref<1024x20x1024xf32, #tpu.memory_space<hbm>> -> memref<1x20x1024xf32, #tpu.memory_space<hbm>>
    %dma_start3A_164 = tpu.memref_squeeze %dma_start3A_163 : memref<1x20x1024xf32, #tpu.memory_space<hbm>> -> memref<20x1024xf32, #tpu.memory_space<hbm>>
    %dma_start3A_165 = arith.constant 0 : i32
    %dma_start3A_166 = arith.constant 0 : i32
    %dma_start3A_167 = tpu.memref_slice %arg4[%sub3A_160, %dma_start3A_165, %dma_start3A_166] : memref<1024x20x1024xf32, #tpu.memory_space<hbm>> -> memref<1x20x1024xf32, #tpu.memory_space<hbm>>
    %dma_start3A_168 = tpu.memref_squeeze %dma_start3A_167 : memref<1x20x1024xf32, #tpu.memory_space<hbm>> -> memref<20x1024xf32, #tpu.memory_space<hbm>>
    tpu.enqueue_dma source(%arg6 : memref<20x1024xf32, #tpu.memory_space<vmem>>) target(%dma_start3A_168 : memref<20x1024xf32, #tpu.memory_space<hbm>>) target_semaphore(%arg10 : memref<!tpu.dma_semaphore, #tpu.memory_space<semaphore_mem>>)
    %dma_wait3A_169 = arith.constant 0 : i32
    %dma_wait3A_170 = arith.constant 0 : i32
    %dma_wait3A_171 = tpu.memref_slice %arg4[%sub3A_160, %dma_wait3A_169, %dma_wait3A_170] : memref<1024x20x1024xf32, #tpu.memory_space<hbm>> -> memref<1x20x1024xf32, #tpu.memory_space<hbm>>
    %dma_wait3A_172 = tpu.memref_squeeze %dma_wait3A_171 : memref<1x20x1024xf32, #tpu.memory_space<hbm>> -> memref<20x1024xf32, #tpu.memory_space<hbm>>
    %dma_wait3A_173 = arith.constant 0 : i32
    %dma_wait3A_174 = arith.constant 0 : i32
    %dma_wait3A_175 = tpu.memref_slice %arg4[%sub3A_160, %dma_wait3A_173, %dma_wait3A_174] : memref<1024x20x1024xf32, #tpu.memory_space<hbm>> -> memref<1x20x1024xf32, #tpu.memory_space<hbm>>
    %dma_wait3A_176 = tpu.memref_squeeze %dma_wait3A_175 : memref<1x20x1024xf32, #tpu.memory_space<hbm>> -> memref<20x1024xf32, #tpu.memory_space<hbm>>
    tpu.wait_dma2 semaphore(%arg10 : memref<!tpu.dma_semaphore, #tpu.memory_space<semaphore_mem>>) src(%arg6 : memref<20x1024xf32, #tpu.memory_space<vmem>>) dst(%dma_wait3A_176 : memref<20x1024xf32, #tpu.memory_space<hbm>>)
    %dma_start3A_177 = arith.constant 6 : i32
    %dma_start3A_178 = arith.constant 0 : i32
    %dma_start3A_179 = tpu.memref_slice %arg5[%dma_start3A_177, %dma_start3A_178] : memref<32x20xi32, #tpu.memory_space<vmem>> -> memref<1x20xi32, #tpu.memory_space<vmem>>
    %dma_start3A_180 = tpu.memref_squeeze %dma_start3A_179 : memref<1x20xi32, #tpu.memory_space<vmem>> -> memref<20xi32, #tpu.memory_space<vmem>>
    %dma_start3A_181 = arith.constant 0 : i32
    %dma_start3A_182 = arith.constant 0 : i32
    %dma_start3A_183 = tpu.memref_slice %arg3[%dma_start3A_181, %dma_start3A_182] : memref<1000x1024xf32, #tpu.memory_space<hbm>> -> memref<1000x1024xf32, #tpu.memory_space<hbm>>
    tpu.enqueue_indirect_dma source(%dma_start3A_183 : memref<1000x1024xf32, #tpu.memory_space<hbm>>) target(%arg6 : memref<20x1024xf32, #tpu.memory_space<vmem>>) offsets(%dma_start3A_180 : memref<20xi32, #tpu.memory_space<vmem>>) semaphore(%arg8 : memref<!tpu.dma_semaphore, #tpu.memory_space<semaphore_mem>>)
    %dma_wait3A_184 = arith.constant 5 : i32
    %dma_wait3A_185 = arith.constant 0 : i32
    %dma_wait3A_186 = tpu.memref_slice %arg5[%dma_wait3A_184, %dma_wait3A_185] : memref<32x20xi32, #tpu.memory_space<vmem>> -> memref<1x20xi32, #tpu.memory_space<vmem>>
    %dma_wait3A_187 = tpu.memref_squeeze %dma_wait3A_186 : memref<1x20xi32, #tpu.memory_space<vmem>> -> memref<20xi32, #tpu.memory_space<vmem>>
    %dma_wait3A_188 = arith.constant 0 : i32
    %dma_wait3A_189 = arith.constant 0 : i32
    %dma_wait3A_190 = tpu.memref_slice %arg3[%dma_wait3A_188, %dma_wait3A_189] : memref<1000x1024xf32, #tpu.memory_space<hbm>> -> memref<1000x1024xf32, #tpu.memory_space<hbm>>
    tpu.wait_indirect_dma semaphore(%arg9 : memref<!tpu.dma_semaphore, #tpu.memory_space<semaphore_mem>>) src(%dma_wait3A_190 : memref<1000x1024xf32, #tpu.memory_space<hbm>>) dst(%arg7 : memref<20x1024xf32, #tpu.memory_space<vmem>>)
    %add3A_191 = arith.constant 6 : i32
    %add3A_192 = arith.addi %mul3A_2, %add3A_191 : i32
    %sub3A_193 = arith.constant 1 : i32
    %sub3A_194 = arith.subi %add3A_192, %sub3A_193 : i32
    %dma_start3A_195 = arith.constant 0 : i32
    %dma_start3A_196 = arith.constant 0 : i32
    %dma_start3A_197 = tpu.memref_slice %arg4[%sub3A_194, %dma_start3A_195, %dma_start3A_196] : memref<1024x20x1024xf32, #tpu.memory_space<hbm>> -> memref<1x20x1024xf32, #tpu.memory_space<hbm>>
    %dma_start3A_198 = tpu.memref_squeeze %dma_start3A_197 : memref<1x20x1024xf32, #tpu.memory_space<hbm>> -> memref<20x1024xf32, #tpu.memory_space<hbm>>
    %dma_start3A_199 = arith.constant 0 : i32
    %dma_start3A_200 = arith.constant 0 : i32
    %dma_start3A_201 = tpu.memref_slice %arg4[%sub3A_194, %dma_start3A_199, %dma_start3A_200] : memref<1024x20x1024xf32, #tpu.memory_space<hbm>> -> memref<1x20x1024xf32, #tpu.memory_space<hbm>>
    %dma_start3A_202 = tpu.memref_squeeze %dma_start3A_201 : memref<1x20x1024xf32, #tpu.memory_space<hbm>> -> memref<20x1024xf32, #tpu.memory_space<hbm>>
    tpu.enqueue_dma source(%arg7 : memref<20x1024xf32, #tpu.memory_space<vmem>>) target(%dma_start3A_202 : memref<20x1024xf32, #tpu.memory_space<hbm>>) target_semaphore(%arg11 : memref<!tpu.dma_semaphore, #tpu.memory_space<semaphore_mem>>)
    %dma_wait3A_203 = arith.constant 0 : i32
    %dma_wait3A_204 = arith.constant 0 : i32
    %dma_wait3A_205 = tpu.memref_slice %arg4[%sub3A_194, %dma_wait3A_203, %dma_wait3A_204] : memref<1024x20x1024xf32, #tpu.memory_space<hbm>> -> memref<1x20x1024xf32, #tpu.memory_space<hbm>>
    %dma_wait3A_206 = tpu.memref_squeeze %dma_wait3A_205 : memref<1x20x1024xf32, #tpu.memory_space<hbm>> -> memref<20x1024xf32, #tpu.memory_space<hbm>>
    %dma_wait3A_207 = arith.constant 0 : i32
    %dma_wait3A_208 = arith.constant 0 : i32
    %dma_wait3A_209 = tpu.memref_slice %arg4[%sub3A_194, %dma_wait3A_207, %dma_wait3A_208] : memref<1024x20x1024xf32, #tpu.memory_space<hbm>> -> memref<1x20x1024xf32, #tpu.memory_space<hbm>>
    %dma_wait3A_210 = tpu.memref_squeeze %dma_wait3A_209 : memref<1x20x1024xf32, #tpu.memory_space<hbm>> -> memref<20x1024xf32, #tpu.memory_space<hbm>>
    tpu.wait_dma2 semaphore(%arg11 : memref<!tpu.dma_semaphore, #tpu.memory_space<semaphore_mem>>) src(%arg7 : memref<20x1024xf32, #tpu.memory_space<vmem>>) dst(%dma_wait3A_210 : memref<20x1024xf32, #tpu.memory_space<hbm>>)
    %dma_start3A_211 = arith.constant 7 : i32
    %dma_start3A_212 = arith.constant 0 : i32
    %dma_start3A_213 = tpu.memref_slice %arg5[%dma_start3A_211, %dma_start3A_212] : memref<32x20xi32, #tpu.memory_space<vmem>> -> memref<1x20xi32, #tpu.memory_space<vmem>>
    %dma_start3A_214 = tpu.memref_squeeze %dma_start3A_213 : memref<1x20xi32, #tpu.memory_space<vmem>> -> memref<20xi32, #tpu.memory_space<vmem>>
    %dma_start3A_215 = arith.constant 0 : i32
    %dma_start3A_216 = arith.constant 0 : i32
    %dma_start3A_217 = tpu.memref_slice %arg3[%dma_start3A_215, %dma_start3A_216] : memref<1000x1024xf32, #tpu.memory_space<hbm>> -> memref<1000x1024xf32, #tpu.memory_space<hbm>>
    tpu.enqueue_indirect_dma source(%dma_start3A_217 : memref<1000x1024xf32, #tpu.memory_space<hbm>>) target(%arg7 : memref<20x1024xf32, #tpu.memory_space<vmem>>) offsets(%dma_start3A_214 : memref<20xi32, #tpu.memory_space<vmem>>) semaphore(%arg9 : memref<!tpu.dma_semaphore, #tpu.memory_space<semaphore_mem>>)
    %dma_wait3A_218 = arith.constant 6 : i32
    %dma_wait3A_219 = arith.constant 0 : i32
    %dma_wait3A_220 = tpu.memref_slice %arg5[%dma_wait3A_218, %dma_wait3A_219] : memref<32x20xi32, #tpu.memory_space<vmem>> -> memref<1x20xi32, #tpu.memory_space<vmem>>
    %dma_wait3A_221 = tpu.memref_squeeze %dma_wait3A_220 : memref<1x20xi32, #tpu.memory_space<vmem>> -> memref<20xi32, #tpu.memory_space<vmem>>
    %dma_wait3A_222 = arith.constant 0 : i32
    %dma_wait3A_223 = arith.constant 0 : i32
    %dma_wait3A_224 = tpu.memref_slice %arg3[%dma_wait3A_222, %dma_wait3A_223] : memref<1000x1024xf32, #tpu.memory_space<hbm>> -> memref<1000x1024xf32, #tpu.memory_space<hbm>>
    tpu.wait_indirect_dma semaphore(%arg8 : memref<!tpu.dma_semaphore, #tpu.memory_space<semaphore_mem>>) src(%dma_wait3A_224 : memref<1000x1024xf32, #tpu.memory_space<hbm>>) dst(%arg6 : memref<20x1024xf32, #tpu.memory_space<vmem>>)
    %add3A_225 = arith.constant 7 : i32
    %add3A_226 = arith.addi %mul3A_2, %add3A_225 : i32
    %sub3A_227 = arith.constant 1 : i32
    %sub3A_228 = arith.subi %add3A_226, %sub3A_227 : i32
    %dma_start3A_229 = arith.constant 0 : i32
    %dma_start3A_230 = arith.constant 0 : i32
    %dma_start3A_231 = tpu.memref_slice %arg4[%sub3A_228, %dma_start3A_229, %dma_start3A_230] : memref<1024x20x1024xf32, #tpu.memory_space<hbm>> -> memref<1x20x1024xf32, #tpu.memory_space<hbm>>
    %dma_start3A_232 = tpu.memref_squeeze %dma_start3A_231 : memref<1x20x1024xf32, #tpu.memory_space<hbm>> -> memref<20x1024xf32, #tpu.memory_space<hbm>>
    %dma_start3A_233 = arith.constant 0 : i32
    %dma_start3A_234 = arith.constant 0 : i32
    %dma_start3A_235 = tpu.memref_slice %arg4[%sub3A_228, %dma_start3A_233, %dma_start3A_234] : memref<1024x20x1024xf32, #tpu.memory_space<hbm>> -> memref<1x20x1024xf32, #tpu.memory_space<hbm>>
    %dma_start3A_236 = tpu.memref_squeeze %dma_start3A_235 : memref<1x20x1024xf32, #tpu.memory_space<hbm>> -> memref<20x1024xf32, #tpu.memory_space<hbm>>
    tpu.enqueue_dma source(%arg6 : memref<20x1024xf32, #tpu.memory_space<vmem>>) target(%dma_start3A_236 : memref<20x1024xf32, #tpu.memory_space<hbm>>) target_semaphore(%arg10 : memref<!tpu.dma_semaphore, #tpu.memory_space<semaphore_mem>>)
    %dma_wait3A_237 = arith.constant 0 : i32
    %dma_wait3A_238 = arith.constant 0 : i32
    %dma_wait3A_239 = tpu.memref_slice %arg4[%sub3A_228, %dma_wait3A_237, %dma_wait3A_238] : memref<1024x20x1024xf32, #tpu.memory_space<hbm>> -> memref<1x20x1024xf32, #tpu.memory_space<hbm>>
    %dma_wait3A_240 = tpu.memref_squeeze %dma_wait3A_239 : memref<1x20x1024xf32, #tpu.memory_space<hbm>> -> memref<20x1024xf32, #tpu.memory_space<hbm>>
    %dma_wait3A_241 = arith.constant 0 : i32
    %dma_wait3A_242 = arith.constant 0 : i32
    %dma_wait3A_243 = tpu.memref_slice %arg4[%sub3A_228, %dma_wait3A_241, %dma_wait3A_242] : memref<1024x20x1024xf32, #tpu.memory_space<hbm>> -> memref<1x20x1024xf32, #tpu.memory_space<hbm>>
    %dma_wait3A_244 = tpu.memref_squeeze %dma_wait3A_243 : memref<1x20x1024xf32, #tpu.memory_space<hbm>> -> memref<20x1024xf32, #tpu.memory_space<hbm>>
    tpu.wait_dma2 semaphore(%arg10 : memref<!tpu.dma_semaphore, #tpu.memory_space<semaphore_mem>>) src(%arg6 : memref<20x1024xf32, #tpu.memory_space<vmem>>) dst(%dma_wait3A_244 : memref<20x1024xf32, #tpu.memory_space<hbm>>)
    %dma_start3A_245 = arith.constant 8 : i32
    %dma_start3A_246 = arith.constant 0 : i32
    %dma_start3A_247 = tpu.memref_slice %arg5[%dma_start3A_245, %dma_start3A_246] : memref<32x20xi32, #tpu.memory_space<vmem>> -> memref<1x20xi32, #tpu.memory_space<vmem>>
    %dma_start3A_248 = tpu.memref_squeeze %dma_start3A_247 : memref<1x20xi32, #tpu.memory_space<vmem>> -> memref<20xi32, #tpu.memory_space<vmem>>
    %dma_start3A_249 = arith.constant 0 : i32
    %dma_start3A_250 = arith.constant 0 : i32
    %dma_start3A_251 = tpu.memref_slice %arg3[%dma_start3A_249, %dma_start3A_250] : memref<1000x1024xf32, #tpu.memory_space<hbm>> -> memref<1000x1024xf32, #tpu.memory_space<hbm>>
    tpu.enqueue_indirect_dma source(%dma_start3A_251 : memref<1000x1024xf32, #tpu.memory_space<hbm>>) target(%arg6 : memref<20x1024xf32, #tpu.memory_space<vmem>>) offsets(%dma_start3A_248 : memref<20xi32, #tpu.memory_space<vmem>>) semaphore(%arg8 : memref<!tpu.dma_semaphore, #tpu.memory_space<semaphore_mem>>)
    %dma_wait3A_252 = arith.constant 7 : i32
    %dma_wait3A_253 = arith.constant 0 : i32
    %dma_wait3A_254 = tpu.memref_slice %arg5[%dma_wait3A_252, %dma_wait3A_253] : memref<32x20xi32, #tpu.memory_space<vmem>> -> memref<1x20xi32, #tpu.memory_space<vmem>>
    %dma_wait3A_255 = tpu.memref_squeeze %dma_wait3A_254 : memref<1x20xi32, #tpu.memory_space<vmem>> -> memref<20xi32, #tpu.memory_space<vmem>>
    %dma_wait3A_256 = arith.constant 0 : i32
    %dma_wait3A_257 = arith.constant 0 : i32
    %dma_wait3A_258 = tpu.memref_slice %arg3[%dma_wait3A_256, %dma_wait3A_257] : memref<1000x1024xf32, #tpu.memory_space<hbm>> -> memref<1000x1024xf32, #tpu.memory_space<hbm>>
    tpu.wait_indirect_dma semaphore(%arg9 : memref<!tpu.dma_semaphore, #tpu.memory_space<semaphore_mem>>) src(%dma_wait3A_258 : memref<1000x1024xf32, #tpu.memory_space<hbm>>) dst(%arg7 : memref<20x1024xf32, #tpu.memory_space<vmem>>)
    %add3A_259 = arith.constant 8 : i32
    %add3A_260 = arith.addi %mul3A_2, %add3A_259 : i32
    %sub3A_261 = arith.constant 1 : i32
    %sub3A_262 = arith.subi %add3A_260, %sub3A_261 : i32
    %dma_start3A_263 = arith.constant 0 : i32
    %dma_start3A_264 = arith.constant 0 : i32
    %dma_start3A_265 = tpu.memref_slice %arg4[%sub3A_262, %dma_start3A_263, %dma_start3A_264] : memref<1024x20x1024xf32, #tpu.memory_space<hbm>> -> memref<1x20x1024xf32, #tpu.memory_space<hbm>>
    %dma_start3A_266 = tpu.memref_squeeze %dma_start3A_265 : memref<1x20x1024xf32, #tpu.memory_space<hbm>> -> memref<20x1024xf32, #tpu.memory_space<hbm>>
    %dma_start3A_267 = arith.constant 0 : i32
    %dma_start3A_268 = arith.constant 0 : i32
    %dma_start3A_269 = tpu.memref_slice %arg4[%sub3A_262, %dma_start3A_267, %dma_start3A_268] : memref<1024x20x1024xf32, #tpu.memory_space<hbm>> -> memref<1x20x1024xf32, #tpu.memory_space<hbm>>
    %dma_start3A_270 = tpu.memref_squeeze %dma_start3A_269 : memref<1x20x1024xf32, #tpu.memory_space<hbm>> -> memref<20x1024xf32, #tpu.memory_space<hbm>>
    tpu.enqueue_dma source(%arg7 : memref<20x1024xf32, #tpu.memory_space<vmem>>) target(%dma_start3A_270 : memref<20x1024xf32, #tpu.memory_space<hbm>>) target_semaphore(%arg11 : memref<!tpu.dma_semaphore, #tpu.memory_space<semaphore_mem>>)
    %dma_wait3A_271 = arith.constant 0 : i32
    %dma_wait3A_272 = arith.constant 0 : i32
    %dma_wait3A_273 = tpu.memref_slice %arg4[%sub3A_262, %dma_wait3A_271, %dma_wait3A_272] : memref<1024x20x1024xf32, #tpu.memory_space<hbm>> -> memref<1x20x1024xf32, #tpu.memory_space<hbm>>
    %dma_wait3A_274 = tpu.memref_squeeze %dma_wait3A_273 : memref<1x20x1024xf32, #tpu.memory_space<hbm>> -> memref<20x1024xf32, #tpu.memory_space<hbm>>
    %dma_wait3A_275 = arith.constant 0 : i32
    %dma_wait3A_276 = arith.constant 0 : i32
    %dma_wait3A_277 = tpu.memref_slice %arg4[%sub3A_262, %dma_wait3A_275, %dma_wait3A_276] : memref<1024x20x1024xf32, #tpu.memory_space<hbm>> -> memref<1x20x1024xf32, #tpu.memory_space<hbm>>
    %dma_wait3A_278 = tpu.memref_squeeze %dma_wait3A_277 : memref<1x20x1024xf32, #tpu.memory_space<hbm>> -> memref<20x1024xf32, #tpu.memory_space<hbm>>
    tpu.wait_dma2 semaphore(%arg11 : memref<!tpu.dma_semaphore, #tpu.memory_space<semaphore_mem>>) src(%arg7 : memref<20x1024xf32, #tpu.memory_space<vmem>>) dst(%dma_wait3A_278 : memref<20x1024xf32, #tpu.memory_space<hbm>>)
    %dma_start3A_279 = arith.constant 9 : i32
    %dma_start3A_280 = arith.constant 0 : i32
    %dma_start3A_281 = tpu.memref_slice %arg5[%dma_start3A_279, %dma_start3A_280] : memref<32x20xi32, #tpu.memory_space<vmem>> -> memref<1x20xi32, #tpu.memory_space<vmem>>
    %dma_start3A_282 = tpu.memref_squeeze %dma_start3A_281 : memref<1x20xi32, #tpu.memory_space<vmem>> -> memref<20xi32, #tpu.memory_space<vmem>>
    %dma_start3A_283 = arith.constant 0 : i32
    %dma_start3A_284 = arith.constant 0 : i32
    %dma_start3A_285 = tpu.memref_slice %arg3[%dma_start3A_283, %dma_start3A_284] : memref<1000x1024xf32, #tpu.memory_space<hbm>> -> memref<1000x1024xf32, #tpu.memory_space<hbm>>
    tpu.enqueue_indirect_dma source(%dma_start3A_285 : memref<1000x1024xf32, #tpu.memory_space<hbm>>) target(%arg7 : memref<20x1024xf32, #tpu.memory_space<vmem>>) offsets(%dma_start3A_282 : memref<20xi32, #tpu.memory_space<vmem>>) semaphore(%arg9 : memref<!tpu.dma_semaphore, #tpu.memory_space<semaphore_mem>>)
    %dma_wait3A_286 = arith.constant 8 : i32
    %dma_wait3A_287 = arith.constant 0 : i32
    %dma_wait3A_288 = tpu.memref_slice %arg5[%dma_wait3A_286, %dma_wait3A_287] : memref<32x20xi32, #tpu.memory_space<vmem>> -> memref<1x20xi32, #tpu.memory_space<vmem>>
    %dma_wait3A_289 = tpu.memref_squeeze %dma_wait3A_288 : memref<1x20xi32, #tpu.memory_space<vmem>> -> memref<20xi32, #tpu.memory_space<vmem>>
    %dma_wait3A_290 = arith.constant 0 : i32
    %dma_wait3A_291 = arith.constant 0 : i32
    %dma_wait3A_292 = tpu.memref_slice %arg3[%dma_wait3A_290, %dma_wait3A_291] : memref<1000x1024xf32, #tpu.memory_space<hbm>> -> memref<1000x1024xf32, #tpu.memory_space<hbm>>
    tpu.wait_indirect_dma semaphore(%arg8 : memref<!tpu.dma_semaphore, #tpu.memory_space<semaphore_mem>>) src(%dma_wait3A_292 : memref<1000x1024xf32, #tpu.memory_space<hbm>>) dst(%arg6 : memref<20x1024xf32, #tpu.memory_space<vmem>>)
    %add3A_293 = arith.constant 9 : i32
    %add3A_294 = arith.addi %mul3A_2, %add3A_293 : i32
    %sub3A_295 = arith.constant 1 : i32
    %sub3A_296 = arith.subi %add3A_294, %sub3A_295 : i32
    %dma_start3A_297 = arith.constant 0 : i32
    %dma_start3A_298 = arith.constant 0 : i32
    %dma_start3A_299 = tpu.memref_slice %arg4[%sub3A_296, %dma_start3A_297, %dma_start3A_298] : memref<1024x20x1024xf32, #tpu.memory_space<hbm>> -> memref<1x20x1024xf32, #tpu.memory_space<hbm>>
    %dma_start3A_300 = tpu.memref_squeeze %dma_start3A_299 : memref<1x20x1024xf32, #tpu.memory_space<hbm>> -> memref<20x1024xf32, #tpu.memory_space<hbm>>
    %dma_start3A_301 = arith.constant 0 : i32
    %dma_start3A_302 = arith.constant 0 : i32
    %dma_start3A_303 = tpu.memref_slice %arg4[%sub3A_296, %dma_start3A_301, %dma_start3A_302] : memref<1024x20x1024xf32, #tpu.memory_space<hbm>> -> memref<1x20x1024xf32, #tpu.memory_space<hbm>>
    %dma_start3A_304 = tpu.memref_squeeze %dma_start3A_303 : memref<1x20x1024xf32, #tpu.memory_space<hbm>> -> memref<20x1024xf32, #tpu.memory_space<hbm>>
    tpu.enqueue_dma source(%arg6 : memref<20x1024xf32, #tpu.memory_space<vmem>>) target(%dma_start3A_304 : memref<20x1024xf32, #tpu.memory_space<hbm>>) target_semaphore(%arg10 : memref<!tpu.dma_semaphore, #tpu.memory_space<semaphore_mem>>)
    %dma_wait3A_305 = arith.constant 0 : i32
    %dma_wait3A_306 = arith.constant 0 : i32
    %dma_wait3A_307 = tpu.memref_slice %arg4[%sub3A_296, %dma_wait3A_305, %dma_wait3A_306] : memref<1024x20x1024xf32, #tpu.memory_space<hbm>> -> memref<1x20x1024xf32, #tpu.memory_space<hbm>>
    %dma_wait3A_308 = tpu.memref_squeeze %dma_wait3A_307 : memref<1x20x1024xf32, #tpu.memory_space<hbm>> -> memref<20x1024xf32, #tpu.memory_space<hbm>>
    %dma_wait3A_309 = arith.constant 0 : i32
    %dma_wait3A_310 = arith.constant 0 : i32
    %dma_wait3A_311 = tpu.memref_slice %arg4[%sub3A_296, %dma_wait3A_309, %dma_wait3A_310] : memref<1024x20x1024xf32, #tpu.memory_space<hbm>> -> memref<1x20x1024xf32, #tpu.memory_space<hbm>>
    %dma_wait3A_312 = tpu.memref_squeeze %dma_wait3A_311 : memref<1x20x1024xf32, #tpu.memory_space<hbm>> -> memref<20x1024xf32, #tpu.memory_space<hbm>>
    tpu.wait_dma2 semaphore(%arg10 : memref<!tpu.dma_semaphore, #tpu.memory_space<semaphore_mem>>) src(%arg6 : memref<20x1024xf32, #tpu.memory_space<vmem>>) dst(%dma_wait3A_312 : memref<20x1024xf32, #tpu.memory_space<hbm>>)
    %dma_start3A_313 = arith.constant 10 : i32
    %dma_start3A_314 = arith.constant 0 : i32
    %dma_start3A_315 = tpu.memref_slice %arg5[%dma_start3A_313, %dma_start3A_314] : memref<32x20xi32, #tpu.memory_space<vmem>> -> memref<1x20xi32, #tpu.memory_space<vmem>>
    %dma_start3A_316 = tpu.memref_squeeze %dma_start3A_315 : memref<1x20xi32, #tpu.memory_space<vmem>> -> memref<20xi32, #tpu.memory_space<vmem>>
    %dma_start3A_317 = arith.constant 0 : i32
    %dma_start3A_318 = arith.constant 0 : i32
    %dma_start3A_319 = tpu.memref_slice %arg3[%dma_start3A_317, %dma_start3A_318] : memref<1000x1024xf32, #tpu.memory_space<hbm>> -> memref<1000x1024xf32, #tpu.memory_space<hbm>>
    tpu.enqueue_indirect_dma source(%dma_start3A_319 : memref<1000x1024xf32, #tpu.memory_space<hbm>>) target(%arg6 : memref<20x1024xf32, #tpu.memory_space<vmem>>) offsets(%dma_start3A_316 : memref<20xi32, #tpu.memory_space<vmem>>) semaphore(%arg8 : memref<!tpu.dma_semaphore, #tpu.memory_space<semaphore_mem>>)
    %dma_wait3A_320 = arith.constant 9 : i32
    %dma_wait3A_321 = arith.constant 0 : i32
    %dma_wait3A_322 = tpu.memref_slice %arg5[%dma_wait3A_320, %dma_wait3A_321] : memref<32x20xi32, #tpu.memory_space<vmem>> -> memref<1x20xi32, #tpu.memory_space<vmem>>
    %dma_wait3A_323 = tpu.memref_squeeze %dma_wait3A_322 : memref<1x20xi32, #tpu.memory_space<vmem>> -> memref<20xi32, #tpu.memory_space<vmem>>
    %dma_wait3A_324 = arith.constant 0 : i32
    %dma_wait3A_325 = arith.constant 0 : i32
    %dma_wait3A_326 = tpu.memref_slice %arg3[%dma_wait3A_324, %dma_wait3A_325] : memref<1000x1024xf32, #tpu.memory_space<hbm>> -> memref<1000x1024xf32, #tpu.memory_space<hbm>>
    tpu.wait_indirect_dma semaphore(%arg9 : memref<!tpu.dma_semaphore, #tpu.memory_space<semaphore_mem>>) src(%dma_wait3A_326 : memref<1000x1024xf32, #tpu.memory_space<hbm>>) dst(%arg7 : memref<20x1024xf32, #tpu.memory_space<vmem>>)
    %add3A_327 = arith.constant 10 : i32
    %add3A_328 = arith.addi %mul3A_2, %add3A_327 : i32
    %sub3A_329 = arith.constant 1 : i32
    %sub3A_330 = arith.subi %add3A_328, %sub3A_329 : i32
    %dma_start3A_331 = arith.constant 0 : i32
    %dma_start3A_332 = arith.constant 0 : i32
    %dma_start3A_333 = tpu.memref_slice %arg4[%sub3A_330, %dma_start3A_331, %dma_start3A_332] : memref<1024x20x1024xf32, #tpu.memory_space<hbm>> -> memref<1x20x1024xf32, #tpu.memory_space<hbm>>
    %dma_start3A_334 = tpu.memref_squeeze %dma_start3A_333 : memref<1x20x1024xf32, #tpu.memory_space<hbm>> -> memref<20x1024xf32, #tpu.memory_space<hbm>>
    %dma_start3A_335 = arith.constant 0 : i32
    %dma_start3A_336 = arith.constant 0 : i32
    %dma_start3A_337 = tpu.memref_slice %arg4[%sub3A_330, %dma_start3A_335, %dma_start3A_336] : memref<1024x20x1024xf32, #tpu.memory_space<hbm>> -> memref<1x20x1024xf32, #tpu.memory_space<hbm>>
    %dma_start3A_338 = tpu.memref_squeeze %dma_start3A_337 : memref<1x20x1024xf32, #tpu.memory_space<hbm>> -> memref<20x1024xf32, #tpu.memory_space<hbm>>
    tpu.enqueue_dma source(%arg7 : memref<20x1024xf32, #tpu.memory_space<vmem>>) target(%dma_start3A_338 : memref<20x1024xf32, #tpu.memory_space<hbm>>) target_semaphore(%arg11 : memref<!tpu.dma_semaphore, #tpu.memory_space<semaphore_mem>>)
    %dma_wait3A_339 = arith.constant 0 : i32
    %dma_wait3A_340 = arith.constant 0 : i32
    %dma_wait3A_341 = tpu.memref_slice %arg4[%sub3A_330, %dma_wait3A_339, %dma_wait3A_340] : memref<1024x20x1024xf32, #tpu.memory_space<hbm>> -> memref<1x20x1024xf32, #tpu.memory_space<hbm>>
    %dma_wait3A_342 = tpu.memref_squeeze %dma_wait3A_341 : memref<1x20x1024xf32, #tpu.memory_space<hbm>> -> memref<20x1024xf32, #tpu.memory_space<hbm>>
    %dma_wait3A_343 = arith.constant 0 : i32
    %dma_wait3A_344 = arith.constant 0 : i32
    %dma_wait3A_345 = tpu.memref_slice %arg4[%sub3A_330, %dma_wait3A_343, %dma_wait3A_344] : memref<1024x20x1024xf32, #tpu.memory_space<hbm>> -> memref<1x20x1024xf32, #tpu.memory_space<hbm>>
    %dma_wait3A_346 = tpu.memref_squeeze %dma_wait3A_345 : memref<1x20x1024xf32, #tpu.memory_space<hbm>> -> memref<20x1024xf32, #tpu.memory_space<hbm>>
    tpu.wait_dma2 semaphore(%arg11 : memref<!tpu.dma_semaphore, #tpu.memory_space<semaphore_mem>>) src(%arg7 : memref<20x1024xf32, #tpu.memory_space<vmem>>) dst(%dma_wait3A_346 : memref<20x1024xf32, #tpu.memory_space<hbm>>)
    %dma_start3A_347 = arith.constant 11 : i32
    %dma_start3A_348 = arith.constant 0 : i32
    %dma_start3A_349 = tpu.memref_slice %arg5[%dma_start3A_347, %dma_start3A_348] : memref<32x20xi32, #tpu.memory_space<vmem>> -> memref<1x20xi32, #tpu.memory_space<vmem>>
    %dma_start3A_350 = tpu.memref_squeeze %dma_start3A_349 : memref<1x20xi32, #tpu.memory_space<vmem>> -> memref<20xi32, #tpu.memory_space<vmem>>
    %dma_start3A_351 = arith.constant 0 : i32
    %dma_start3A_352 = arith.constant 0 : i32
    %dma_start3A_353 = tpu.memref_slice %arg3[%dma_start3A_351, %dma_start3A_352] : memref<1000x1024xf32, #tpu.memory_space<hbm>> -> memref<1000x1024xf32, #tpu.memory_space<hbm>>
    tpu.enqueue_indirect_dma source(%dma_start3A_353 : memref<1000x1024xf32, #tpu.memory_space<hbm>>) target(%arg7 : memref<20x1024xf32, #tpu.memory_space<vmem>>) offsets(%dma_start3A_350 : memref<20xi32, #tpu.memory_space<vmem>>) semaphore(%arg9 : memref<!tpu.dma_semaphore, #tpu.memory_space<semaphore_mem>>)
    %dma_wait3A_354 = arith.constant 10 : i32
    %dma_wait3A_355 = arith.constant 0 : i32
    %dma_wait3A_356 = tpu.memref_slice %arg5[%dma_wait3A_354, %dma_wait3A_355] : memref<32x20xi32, #tpu.memory_space<vmem>> -> memref<1x20xi32, #tpu.memory_space<vmem>>
    %dma_wait3A_357 = tpu.memref_squeeze %dma_wait3A_356 : memref<1x20xi32, #tpu.memory_space<vmem>> -> memref<20xi32, #tpu.memory_space<vmem>>
    %dma_wait3A_358 = arith.constant 0 : i32
    %dma_wait3A_359 = arith.constant 0 : i32
    %dma_wait3A_360 = tpu.memref_slice %arg3[%dma_wait3A_358, %dma_wait3A_359] : memref<1000x1024xf32, #tpu.memory_space<hbm>> -> memref<1000x1024xf32, #tpu.memory_space<hbm>>
    tpu.wait_indirect_dma semaphore(%arg8 : memref<!tpu.dma_semaphore, #tpu.memory_space<semaphore_mem>>) src(%dma_wait3A_360 : memref<1000x1024xf32, #tpu.memory_space<hbm>>) dst(%arg6 : memref<20x1024xf32, #tpu.memory_space<vmem>>)
    %add3A_361 = arith.constant 11 : i32
    %add3A_362 = arith.addi %mul3A_2, %add3A_361 : i32
    %sub3A_363 = arith.constant 1 : i32
    %sub3A_364 = arith.subi %add3A_362, %sub3A_363 : i32
    %dma_start3A_365 = arith.constant 0 : i32
    %dma_start3A_366 = arith.constant 0 : i32
    %dma_start3A_367 = tpu.memref_slice %arg4[%sub3A_364, %dma_start3A_365, %dma_start3A_366] : memref<1024x20x1024xf32, #tpu.memory_space<hbm>> -> memref<1x20x1024xf32, #tpu.memory_space<hbm>>
    %dma_start3A_368 = tpu.memref_squeeze %dma_start3A_367 : memref<1x20x1024xf32, #tpu.memory_space<hbm>> -> memref<20x1024xf32, #tpu.memory_space<hbm>>
    %dma_start3A_369 = arith.constant 0 : i32
    %dma_start3A_370 = arith.constant 0 : i32
    %dma_start3A_371 = tpu.memref_slice %arg4[%sub3A_364, %dma_start3A_369, %dma_start3A_370] : memref<1024x20x1024xf32, #tpu.memory_space<hbm>> -> memref<1x20x1024xf32, #tpu.memory_space<hbm>>
    %dma_start3A_372 = tpu.memref_squeeze %dma_start3A_371 : memref<1x20x1024xf32, #tpu.memory_space<hbm>> -> memref<20x1024xf32, #tpu.memory_space<hbm>>
    tpu.enqueue_dma source(%arg6 : memref<20x1024xf32, #tpu.memory_space<vmem>>) target(%dma_start3A_372 : memref<20x1024xf32, #tpu.memory_space<hbm>>) target_semaphore(%arg10 : memref<!tpu.dma_semaphore, #tpu.memory_space<semaphore_mem>>)
    %dma_wait3A_373 = arith.constant 0 : i32
    %dma_wait3A_374 = arith.constant 0 : i32
    %dma_wait3A_375 = tpu.memref_slice %arg4[%sub3A_364, %dma_wait3A_373, %dma_wait3A_374] : memref<1024x20x1024xf32, #tpu.memory_space<hbm>> -> memref<1x20x1024xf32, #tpu.memory_space<hbm>>
    %dma_wait3A_376 = tpu.memref_squeeze %dma_wait3A_375 : memref<1x20x1024xf32, #tpu.memory_space<hbm>> -> memref<20x1024xf32, #tpu.memory_space<hbm>>
    %dma_wait3A_377 = arith.constant 0 : i32
    %dma_wait3A_378 = arith.constant 0 : i32
    %dma_wait3A_379 = tpu.memref_slice %arg4[%sub3A_364, %dma_wait3A_377, %dma_wait3A_378] : memref<1024x20x1024xf32, #tpu.memory_space<hbm>> -> memref<1x20x1024xf32, #tpu.memory_space<hbm>>
    %dma_wait3A_380 = tpu.memref_squeeze %dma_wait3A_379 : memref<1x20x1024xf32, #tpu.memory_space<hbm>> -> memref<20x1024xf32, #tpu.memory_space<hbm>>
    tpu.wait_dma2 semaphore(%arg10 : memref<!tpu.dma_semaphore, #tpu.memory_space<semaphore_mem>>) src(%arg6 : memref<20x1024xf32, #tpu.memory_space<vmem>>) dst(%dma_wait3A_380 : memref<20x1024xf32, #tpu.memory_space<hbm>>)
    %dma_start3A_381 = arith.constant 12 : i32
    %dma_start3A_382 = arith.constant 0 : i32
    %dma_start3A_383 = tpu.memref_slice %arg5[%dma_start3A_381, %dma_start3A_382] : memref<32x20xi32, #tpu.memory_space<vmem>> -> memref<1x20xi32, #tpu.memory_space<vmem>>
    %dma_start3A_384 = tpu.memref_squeeze %dma_start3A_383 : memref<1x20xi32, #tpu.memory_space<vmem>> -> memref<20xi32, #tpu.memory_space<vmem>>
    %dma_start3A_385 = arith.constant 0 : i32
    %dma_start3A_386 = arith.constant 0 : i32
    %dma_start3A_387 = tpu.memref_slice %arg3[%dma_start3A_385, %dma_start3A_386] : memref<1000x1024xf32, #tpu.memory_space<hbm>> -> memref<1000x1024xf32, #tpu.memory_space<hbm>>
    tpu.enqueue_indirect_dma source(%dma_start3A_387 : memref<1000x1024xf32, #tpu.memory_space<hbm>>) target(%arg6 : memref<20x1024xf32, #tpu.memory_space<vmem>>) offsets(%dma_start3A_384 : memref<20xi32, #tpu.memory_space<vmem>>) semaphore(%arg8 : memref<!tpu.dma_semaphore, #tpu.memory_space<semaphore_mem>>)
    %dma_wait3A_388 = arith.constant 11 : i32
    %dma_wait3A_389 = arith.constant 0 : i32
    %dma_wait3A_390 = tpu.memref_slice %arg5[%dma_wait3A_388, %dma_wait3A_389] : memref<32x20xi32, #tpu.memory_space<vmem>> -> memref<1x20xi32, #tpu.memory_space<vmem>>
    %dma_wait3A_391 = tpu.memref_squeeze %dma_wait3A_390 : memref<1x20xi32, #tpu.memory_space<vmem>> -> memref<20xi32, #tpu.memory_space<vmem>>
    %dma_wait3A_392 = arith.constant 0 : i32
    %dma_wait3A_393 = arith.constant 0 : i32
    %dma_wait3A_394 = tpu.memref_slice %arg3[%dma_wait3A_392, %dma_wait3A_393] : memref<1000x1024xf32, #tpu.memory_space<hbm>> -> memref<1000x1024xf32, #tpu.memory_space<hbm>>
    tpu.wait_indirect_dma semaphore(%arg9 : memref<!tpu.dma_semaphore, #tpu.memory_space<semaphore_mem>>) src(%dma_wait3A_394 : memref<1000x1024xf32, #tpu.memory_space<hbm>>) dst(%arg7 : memref<20x1024xf32, #tpu.memory_space<vmem>>)
    %add3A_395 = arith.constant 12 : i32
    %add3A_396 = arith.addi %mul3A_2, %add3A_395 : i32
    %sub3A_397 = arith.constant 1 : i32
    %sub3A_398 = arith.subi %add3A_396, %sub3A_397 : i32
    %dma_start3A_399 = arith.constant 0 : i32
    %dma_start3A_400 = arith.constant 0 : i32
    %dma_start3A_401 = tpu.memref_slice %arg4[%sub3A_398, %dma_start3A_399, %dma_start3A_400] : memref<1024x20x1024xf32, #tpu.memory_space<hbm>> -> memref<1x20x1024xf32, #tpu.memory_space<hbm>>
    %dma_start3A_402 = tpu.memref_squeeze %dma_start3A_401 : memref<1x20x1024xf32, #tpu.memory_space<hbm>> -> memref<20x1024xf32, #tpu.memory_space<hbm>>
    %dma_start3A_403 = arith.constant 0 : i32
    %dma_start3A_404 = arith.constant 0 : i32
    %dma_start3A_405 = tpu.memref_slice %arg4[%sub3A_398, %dma_start3A_403, %dma_start3A_404] : memref<1024x20x1024xf32, #tpu.memory_space<hbm>> -> memref<1x20x1024xf32, #tpu.memory_space<hbm>>
    %dma_start3A_406 = tpu.memref_squeeze %dma_start3A_405 : memref<1x20x1024xf32, #tpu.memory_space<hbm>> -> memref<20x1024xf32, #tpu.memory_space<hbm>>
    tpu.enqueue_dma source(%arg7 : memref<20x1024xf32, #tpu.memory_space<vmem>>) target(%dma_start3A_406 : memref<20x1024xf32, #tpu.memory_space<hbm>>) target_semaphore(%arg11 : memref<!tpu.dma_semaphore, #tpu.memory_space<semaphore_mem>>)
    %dma_wait3A_407 = arith.constant 0 : i32
    %dma_wait3A_408 = arith.constant 0 : i32
    %dma_wait3A_409 = tpu.memref_slice %arg4[%sub3A_398, %dma_wait3A_407, %dma_wait3A_408] : memref<1024x20x1024xf32, #tpu.memory_space<hbm>> -> memref<1x20x1024xf32, #tpu.memory_space<hbm>>
    %dma_wait3A_410 = tpu.memref_squeeze %dma_wait3A_409 : memref<1x20x1024xf32, #tpu.memory_space<hbm>> -> memref<20x1024xf32, #tpu.memory_space<hbm>>
    %dma_wait3A_411 = arith.constant 0 : i32
    %dma_wait3A_412 = arith.constant 0 : i32
    %dma_wait3A_413 = tpu.memref_slice %arg4[%sub3A_398, %dma_wait3A_411, %dma_wait3A_412] : memref<1024x20x1024xf32, #tpu.memory_space<hbm>> -> memref<1x20x1024xf32, #tpu.memory_space<hbm>>
    %dma_wait3A_414 = tpu.memref_squeeze %dma_wait3A_413 : memref<1x20x1024xf32, #tpu.memory_space<hbm>> -> memref<20x1024xf32, #tpu.memory_space<hbm>>
    tpu.wait_dma2 semaphore(%arg11 : memref<!tpu.dma_semaphore, #tpu.memory_space<semaphore_mem>>) src(%arg7 : memref<20x1024xf32, #tpu.memory_space<vmem>>) dst(%dma_wait3A_414 : memref<20x1024xf32, #tpu.memory_space<hbm>>)
    %dma_start3A_415 = arith.constant 13 : i32
    %dma_start3A_416 = arith.constant 0 : i32
    %dma_start3A_417 = tpu.memref_slice %arg5[%dma_start3A_415, %dma_start3A_416] : memref<32x20xi32, #tpu.memory_space<vmem>> -> memref<1x20xi32, #tpu.memory_space<vmem>>
    %dma_start3A_418 = tpu.memref_squeeze %dma_start3A_417 : memref<1x20xi32, #tpu.memory_space<vmem>> -> memref<20xi32, #tpu.memory_space<vmem>>
    %dma_start3A_419 = arith.constant 0 : i32
    %dma_start3A_420 = arith.constant 0 : i32
    %dma_start3A_421 = tpu.memref_slice %arg3[%dma_start3A_419, %dma_start3A_420] : memref<1000x1024xf32, #tpu.memory_space<hbm>> -> memref<1000x1024xf32, #tpu.memory_space<hbm>>
    tpu.enqueue_indirect_dma source(%dma_start3A_421 : memref<1000x1024xf32, #tpu.memory_space<hbm>>) target(%arg7 : memref<20x1024xf32, #tpu.memory_space<vmem>>) offsets(%dma_start3A_418 : memref<20xi32, #tpu.memory_space<vmem>>) semaphore(%arg9 : memref<!tpu.dma_semaphore, #tpu.memory_space<semaphore_mem>>)
    %dma_wait3A_422 = arith.constant 12 : i32
    %dma_wait3A_423 = arith.constant 0 : i32
    %dma_wait3A_424 = tpu.memref_slice %arg5[%dma_wait3A_422, %dma_wait3A_423] : memref<32x20xi32, #tpu.memory_space<vmem>> -> memref<1x20xi32, #tpu.memory_space<vmem>>
    %dma_wait3A_425 = tpu.memref_squeeze %dma_wait3A_424 : memref<1x20xi32, #tpu.memory_space<vmem>> -> memref<20xi32, #tpu.memory_space<vmem>>
    %dma_wait3A_426 = arith.constant 0 : i32
    %dma_wait3A_427 = arith.constant 0 : i32
    %dma_wait3A_428 = tpu.memref_slice %arg3[%dma_wait3A_426, %dma_wait3A_427] : memref<1000x1024xf32, #tpu.memory_space<hbm>> -> memref<1000x1024xf32, #tpu.memory_space<hbm>>
    tpu.wait_indirect_dma semaphore(%arg8 : memref<!tpu.dma_semaphore, #tpu.memory_space<semaphore_mem>>) src(%dma_wait3A_428 : memref<1000x1024xf32, #tpu.memory_space<hbm>>) dst(%arg6 : memref<20x1024xf32, #tpu.memory_space<vmem>>)
    %add3A_429 = arith.constant 13 : i32
    %add3A_430 = arith.addi %mul3A_2, %add3A_429 : i32
    %sub3A_431 = arith.constant 1 : i32
    %sub3A_432 = arith.subi %add3A_430, %sub3A_431 : i32
    %dma_start3A_433 = arith.constant 0 : i32
    %dma_start3A_434 = arith.constant 0 : i32
    %dma_start3A_435 = tpu.memref_slice %arg4[%sub3A_432, %dma_start3A_433, %dma_start3A_434] : memref<1024x20x1024xf32, #tpu.memory_space<hbm>> -> memref<1x20x1024xf32, #tpu.memory_space<hbm>>
    %dma_start3A_436 = tpu.memref_squeeze %dma_start3A_435 : memref<1x20x1024xf32, #tpu.memory_space<hbm>> -> memref<20x1024xf32, #tpu.memory_space<hbm>>
    %dma_start3A_437 = arith.constant 0 : i32
    %dma_start3A_438 = arith.constant 0 : i32
    %dma_start3A_439 = tpu.memref_slice %arg4[%sub3A_432, %dma_start3A_437, %dma_start3A_438] : memref<1024x20x1024xf32, #tpu.memory_space<hbm>> -> memref<1x20x1024xf32, #tpu.memory_space<hbm>>
    %dma_start3A_440 = tpu.memref_squeeze %dma_start3A_439 : memref<1x20x1024xf32, #tpu.memory_space<hbm>> -> memref<20x1024xf32, #tpu.memory_space<hbm>>
    tpu.enqueue_dma source(%arg6 : memref<20x1024xf32, #tpu.memory_space<vmem>>) target(%dma_start3A_440 : memref<20x1024xf32, #tpu.memory_space<hbm>>) target_semaphore(%arg10 : memref<!tpu.dma_semaphore, #tpu.memory_space<semaphore_mem>>)
    %dma_wait3A_441 = arith.constant 0 : i32
    %dma_wait3A_442 = arith.constant 0 : i32
    %dma_wait3A_443 = tpu.memref_slice %arg4[%sub3A_432, %dma_wait3A_441, %dma_wait3A_442] : memref<1024x20x1024xf32, #tpu.memory_space<hbm>> -> memref<1x20x1024xf32, #tpu.memory_space<hbm>>
    %dma_wait3A_444 = tpu.memref_squeeze %dma_wait3A_443 : memref<1x20x1024xf32, #tpu.memory_space<hbm>> -> memref<20x1024xf32, #tpu.memory_space<hbm>>
    %dma_wait3A_445 = arith.constant 0 : i32
    %dma_wait3A_446 = arith.constant 0 : i32
    %dma_wait3A_447 = tpu.memref_slice %arg4[%sub3A_432, %dma_wait3A_445, %dma_wait3A_446] : memref<1024x20x1024xf32, #tpu.memory_space<hbm>> -> memref<1x20x1024xf32, #tpu.memory_space<hbm>>
    %dma_wait3A_448 = tpu.memref_squeeze %dma_wait3A_447 : memref<1x20x1024xf32, #tpu.memory_space<hbm>> -> memref<20x1024xf32, #tpu.memory_space<hbm>>
    tpu.wait_dma2 semaphore(%arg10 : memref<!tpu.dma_semaphore, #tpu.memory_space<semaphore_mem>>) src(%arg6 : memref<20x1024xf32, #tpu.memory_space<vmem>>) dst(%dma_wait3A_448 : memref<20x1024xf32, #tpu.memory_space<hbm>>)
    %dma_start3A_449 = arith.constant 14 : i32
    %dma_start3A_450 = arith.constant 0 : i32
    %dma_start3A_451 = tpu.memref_slice %arg5[%dma_start3A_449, %dma_start3A_450] : memref<32x20xi32, #tpu.memory_space<vmem>> -> memref<1x20xi32, #tpu.memory_space<vmem>>
    %dma_start3A_452 = tpu.memref_squeeze %dma_start3A_451 : memref<1x20xi32, #tpu.memory_space<vmem>> -> memref<20xi32, #tpu.memory_space<vmem>>
    %dma_start3A_453 = arith.constant 0 : i32
    %dma_start3A_454 = arith.constant 0 : i32
    %dma_start3A_455 = tpu.memref_slice %arg3[%dma_start3A_453, %dma_start3A_454] : memref<1000x1024xf32, #tpu.memory_space<hbm>> -> memref<1000x1024xf32, #tpu.memory_space<hbm>>
    tpu.enqueue_indirect_dma source(%dma_start3A_455 : memref<1000x1024xf32, #tpu.memory_space<hbm>>) target(%arg6 : memref<20x1024xf32, #tpu.memory_space<vmem>>) offsets(%dma_start3A_452 : memref<20xi32, #tpu.memory_space<vmem>>) semaphore(%arg8 : memref<!tpu.dma_semaphore, #tpu.memory_space<semaphore_mem>>)
    %dma_wait3A_456 = arith.constant 13 : i32
    %dma_wait3A_457 = arith.constant 0 : i32
    %dma_wait3A_458 = tpu.memref_slice %arg5[%dma_wait3A_456, %dma_wait3A_457] : memref<32x20xi32, #tpu.memory_space<vmem>> -> memref<1x20xi32, #tpu.memory_space<vmem>>
    %dma_wait3A_459 = tpu.memref_squeeze %dma_wait3A_458 : memref<1x20xi32, #tpu.memory_space<vmem>> -> memref<20xi32, #tpu.memory_space<vmem>>
    %dma_wait3A_460 = arith.constant 0 : i32
    %dma_wait3A_461 = arith.constant 0 : i32
    %dma_wait3A_462 = tpu.memref_slice %arg3[%dma_wait3A_460, %dma_wait3A_461] : memref<1000x1024xf32, #tpu.memory_space<hbm>> -> memref<1000x1024xf32, #tpu.memory_space<hbm>>
    tpu.wait_indirect_dma semaphore(%arg9 : memref<!tpu.dma_semaphore, #tpu.memory_space<semaphore_mem>>) src(%dma_wait3A_462 : memref<1000x1024xf32, #tpu.memory_space<hbm>>) dst(%arg7 : memref<20x1024xf32, #tpu.memory_space<vmem>>)
    %add3A_463 = arith.constant 14 : i32
    %add3A_464 = arith.addi %mul3A_2, %add3A_463 : i32
    %sub3A_465 = arith.constant 1 : i32
    %sub3A_466 = arith.subi %add3A_464, %sub3A_465 : i32
    %dma_start3A_467 = arith.constant 0 : i32
    %dma_start3A_468 = arith.constant 0 : i32
    %dma_start3A_469 = tpu.memref_slice %arg4[%sub3A_466, %dma_start3A_467, %dma_start3A_468] : memref<1024x20x1024xf32, #tpu.memory_space<hbm>> -> memref<1x20x1024xf32, #tpu.memory_space<hbm>>
    %dma_start3A_470 = tpu.memref_squeeze %dma_start3A_469 : memref<1x20x1024xf32, #tpu.memory_space<hbm>> -> memref<20x1024xf32, #tpu.memory_space<hbm>>
    %dma_start3A_471 = arith.constant 0 : i32
    %dma_start3A_472 = arith.constant 0 : i32
    %dma_start3A_473 = tpu.memref_slice %arg4[%sub3A_466, %dma_start3A_471, %dma_start3A_472] : memref<1024x20x1024xf32, #tpu.memory_space<hbm>> -> memref<1x20x1024xf32, #tpu.memory_space<hbm>>
    %dma_start3A_474 = tpu.memref_squeeze %dma_start3A_473 : memref<1x20x1024xf32, #tpu.memory_space<hbm>> -> memref<20x1024xf32, #tpu.memory_space<hbm>>
    tpu.enqueue_dma source(%arg7 : memref<20x1024xf32, #tpu.memory_space<vmem>>) target(%dma_start3A_474 : memref<20x1024xf32, #tpu.memory_space<hbm>>) target_semaphore(%arg11 : memref<!tpu.dma_semaphore, #tpu.memory_space<semaphore_mem>>)
    %dma_wait3A_475 = arith.constant 0 : i32
    %dma_wait3A_476 = arith.constant 0 : i32
    %dma_wait3A_477 = tpu.memref_slice %arg4[%sub3A_466, %dma_wait3A_475, %dma_wait3A_476] : memref<1024x20x1024xf32, #tpu.memory_space<hbm>> -> memref<1x20x1024xf32, #tpu.memory_space<hbm>>
    %dma_wait3A_478 = tpu.memref_squeeze %dma_wait3A_477 : memref<1x20x1024xf32, #tpu.memory_space<hbm>> -> memref<20x1024xf32, #tpu.memory_space<hbm>>
    %dma_wait3A_479 = arith.constant 0 : i32
    %dma_wait3A_480 = arith.constant 0 : i32
    %dma_wait3A_481 = tpu.memref_slice %arg4[%sub3A_466, %dma_wait3A_479, %dma_wait3A_480] : memref<1024x20x1024xf32, #tpu.memory_space<hbm>> -> memref<1x20x1024xf32, #tpu.memory_space<hbm>>
    %dma_wait3A_482 = tpu.memref_squeeze %dma_wait3A_481 : memref<1x20x1024xf32, #tpu.memory_space<hbm>> -> memref<20x1024xf32, #tpu.memory_space<hbm>>
    tpu.wait_dma2 semaphore(%arg11 : memref<!tpu.dma_semaphore, #tpu.memory_space<semaphore_mem>>) src(%arg7 : memref<20x1024xf32, #tpu.memory_space<vmem>>) dst(%dma_wait3A_482 : memref<20x1024xf32, #tpu.memory_space<hbm>>)
    %dma_start3A_483 = arith.constant 15 : i32
    %dma_start3A_484 = arith.constant 0 : i32
    %dma_start3A_485 = tpu.memref_slice %arg5[%dma_start3A_483, %dma_start3A_484] : memref<32x20xi32, #tpu.memory_space<vmem>> -> memref<1x20xi32, #tpu.memory_space<vmem>>
    %dma_start3A_486 = tpu.memref_squeeze %dma_start3A_485 : memref<1x20xi32, #tpu.memory_space<vmem>> -> memref<20xi32, #tpu.memory_space<vmem>>
    %dma_start3A_487 = arith.constant 0 : i32
    %dma_start3A_488 = arith.constant 0 : i32
    %dma_start3A_489 = tpu.memref_slice %arg3[%dma_start3A_487, %dma_start3A_488] : memref<1000x1024xf32, #tpu.memory_space<hbm>> -> memref<1000x1024xf32, #tpu.memory_space<hbm>>
    tpu.enqueue_indirect_dma source(%dma_start3A_489 : memref<1000x1024xf32, #tpu.memory_space<hbm>>) target(%arg7 : memref<20x1024xf32, #tpu.memory_space<vmem>>) offsets(%dma_start3A_486 : memref<20xi32, #tpu.memory_space<vmem>>) semaphore(%arg9 : memref<!tpu.dma_semaphore, #tpu.memory_space<semaphore_mem>>)
    %dma_wait3A_490 = arith.constant 14 : i32
    %dma_wait3A_491 = arith.constant 0 : i32
    %dma_wait3A_492 = tpu.memref_slice %arg5[%dma_wait3A_490, %dma_wait3A_491] : memref<32x20xi32, #tpu.memory_space<vmem>> -> memref<1x20xi32, #tpu.memory_space<vmem>>
    %dma_wait3A_493 = tpu.memref_squeeze %dma_wait3A_492 : memref<1x20xi32, #tpu.memory_space<vmem>> -> memref<20xi32, #tpu.memory_space<vmem>>
    %dma_wait3A_494 = arith.constant 0 : i32
    %dma_wait3A_495 = arith.constant 0 : i32
    %dma_wait3A_496 = tpu.memref_slice %arg3[%dma_wait3A_494, %dma_wait3A_495] : memref<1000x1024xf32, #tpu.memory_space<hbm>> -> memref<1000x1024xf32, #tpu.memory_space<hbm>>
    tpu.wait_indirect_dma semaphore(%arg8 : memref<!tpu.dma_semaphore, #tpu.memory_space<semaphore_mem>>) src(%dma_wait3A_496 : memref<1000x1024xf32, #tpu.memory_space<hbm>>) dst(%arg6 : memref<20x1024xf32, #tpu.memory_space<vmem>>)
    %add3A_497 = arith.constant 15 : i32
    %add3A_498 = arith.addi %mul3A_2, %add3A_497 : i32
    %sub3A_499 = arith.constant 1 : i32
    %sub3A_500 = arith.subi %add3A_498, %sub3A_499 : i32
    %dma_start3A_501 = arith.constant 0 : i32
    %dma_start3A_502 = arith.constant 0 : i32
    %dma_start3A_503 = tpu.memref_slice %arg4[%sub3A_500, %dma_start3A_501, %dma_start3A_502] : memref<1024x20x1024xf32, #tpu.memory_space<hbm>> -> memref<1x20x1024xf32, #tpu.memory_space<hbm>>
    %dma_start3A_504 = tpu.memref_squeeze %dma_start3A_503 : memref<1x20x1024xf32, #tpu.memory_space<hbm>> -> memref<20x1024xf32, #tpu.memory_space<hbm>>
    %dma_start3A_505 = arith.constant 0 : i32
    %dma_start3A_506 = arith.constant 0 : i32
    %dma_start3A_507 = tpu.memref_slice %arg4[%sub3A_500, %dma_start3A_505, %dma_start3A_506] : memref<1024x20x1024xf32, #tpu.memory_space<hbm>> -> memref<1x20x1024xf32, #tpu.memory_space<hbm>>
    %dma_start3A_508 = tpu.memref_squeeze %dma_start3A_507 : memref<1x20x1024xf32, #tpu.memory_space<hbm>> -> memref<20x1024xf32, #tpu.memory_space<hbm>>
    tpu.enqueue_dma source(%arg6 : memref<20x1024xf32, #tpu.memory_space<vmem>>) target(%dma_start3A_508 : memref<20x1024xf32, #tpu.memory_space<hbm>>) target_semaphore(%arg10 : memref<!tpu.dma_semaphore, #tpu.memory_space<semaphore_mem>>)
    %dma_wait3A_509 = arith.constant 0 : i32
    %dma_wait3A_510 = arith.constant 0 : i32
    %dma_wait3A_511 = tpu.memref_slice %arg4[%sub3A_500, %dma_wait3A_509, %dma_wait3A_510] : memref<1024x20x1024xf32, #tpu.memory_space<hbm>> -> memref<1x20x1024xf32, #tpu.memory_space<hbm>>
    %dma_wait3A_512 = tpu.memref_squeeze %dma_wait3A_511 : memref<1x20x1024xf32, #tpu.memory_space<hbm>> -> memref<20x1024xf32, #tpu.memory_space<hbm>>
    %dma_wait3A_513 = arith.constant 0 : i32
    %dma_wait3A_514 = arith.constant 0 : i32
    %dma_wait3A_515 = tpu.memref_slice %arg4[%sub3A_500, %dma_wait3A_513, %dma_wait3A_514] : memref<1024x20x1024xf32, #tpu.memory_space<hbm>> -> memref<1x20x1024xf32, #tpu.memory_space<hbm>>
    %dma_wait3A_516 = tpu.memref_squeeze %dma_wait3A_515 : memref<1x20x1024xf32, #tpu.memory_space<hbm>> -> memref<20x1024xf32, #tpu.memory_space<hbm>>
    tpu.wait_dma2 semaphore(%arg10 : memref<!tpu.dma_semaphore, #tpu.memory_space<semaphore_mem>>) src(%arg6 : memref<20x1024xf32, #tpu.memory_space<vmem>>) dst(%dma_wait3A_516 : memref<20x1024xf32, #tpu.memory_space<hbm>>)
    %dma_start3A_517 = arith.constant 16 : i32
    %dma_start3A_518 = arith.constant 0 : i32
    %dma_start3A_519 = tpu.memref_slice %arg5[%dma_start3A_517, %dma_start3A_518] : memref<32x20xi32, #tpu.memory_space<vmem>> -> memref<1x20xi32, #tpu.memory_space<vmem>>
    %dma_start3A_520 = tpu.memref_squeeze %dma_start3A_519 : memref<1x20xi32, #tpu.memory_space<vmem>> -> memref<20xi32, #tpu.memory_space<vmem>>
    %dma_start3A_521 = arith.constant 0 : i32
    %dma_start3A_522 = arith.constant 0 : i32
    %dma_start3A_523 = tpu.memref_slice %arg3[%dma_start3A_521, %dma_start3A_522] : memref<1000x1024xf32, #tpu.memory_space<hbm>> -> memref<1000x1024xf32, #tpu.memory_space<hbm>>
    tpu.enqueue_indirect_dma source(%dma_start3A_523 : memref<1000x1024xf32, #tpu.memory_space<hbm>>) target(%arg6 : memref<20x1024xf32, #tpu.memory_space<vmem>>) offsets(%dma_start3A_520 : memref<20xi32, #tpu.memory_space<vmem>>) semaphore(%arg8 : memref<!tpu.dma_semaphore, #tpu.memory_space<semaphore_mem>>)
    %dma_wait3A_524 = arith.constant 15 : i32
    %dma_wait3A_525 = arith.constant 0 : i32
    %dma_wait3A_526 = tpu.memref_slice %arg5[%dma_wait3A_524, %dma_wait3A_525] : memref<32x20xi32, #tpu.memory_space<vmem>> -> memref<1x20xi32, #tpu.memory_space<vmem>>
    %dma_wait3A_527 = tpu.memref_squeeze %dma_wait3A_526 : memref<1x20xi32, #tpu.memory_space<vmem>> -> memref<20xi32, #tpu.memory_space<vmem>>
    %dma_wait3A_528 = arith.constant 0 : i32
    %dma_wait3A_529 = arith.constant 0 : i32
    %dma_wait3A_530 = tpu.memref_slice %arg3[%dma_wait3A_528, %dma_wait3A_529] : memref<1000x1024xf32, #tpu.memory_space<hbm>> -> memref<1000x1024xf32, #tpu.memory_space<hbm>>
    tpu.wait_indirect_dma semaphore(%arg9 : memref<!tpu.dma_semaphore, #tpu.memory_space<semaphore_mem>>) src(%dma_wait3A_530 : memref<1000x1024xf32, #tpu.memory_space<hbm>>) dst(%arg7 : memref<20x1024xf32, #tpu.memory_space<vmem>>)
    %add3A_531 = arith.constant 16 : i32
    %add3A_532 = arith.addi %mul3A_2, %add3A_531 : i32
    %sub3A_533 = arith.constant 1 : i32
    %sub3A_534 = arith.subi %add3A_532, %sub3A_533 : i32
    %dma_start3A_535 = arith.constant 0 : i32
    %dma_start3A_536 = arith.constant 0 : i32
    %dma_start3A_537 = tpu.memref_slice %arg4[%sub3A_534, %dma_start3A_535, %dma_start3A_536] : memref<1024x20x1024xf32, #tpu.memory_space<hbm>> -> memref<1x20x1024xf32, #tpu.memory_space<hbm>>
    %dma_start3A_538 = tpu.memref_squeeze %dma_start3A_537 : memref<1x20x1024xf32, #tpu.memory_space<hbm>> -> memref<20x1024xf32, #tpu.memory_space<hbm>>
    %dma_start3A_539 = arith.constant 0 : i32
    %dma_start3A_540 = arith.constant 0 : i32
    %dma_start3A_541 = tpu.memref_slice %arg4[%sub3A_534, %dma_start3A_539, %dma_start3A_540] : memref<1024x20x1024xf32, #tpu.memory_space<hbm>> -> memref<1x20x1024xf32, #tpu.memory_space<hbm>>
    %dma_start3A_542 = tpu.memref_squeeze %dma_start3A_541 : memref<1x20x1024xf32, #tpu.memory_space<hbm>> -> memref<20x1024xf32, #tpu.memory_space<hbm>>
    tpu.enqueue_dma source(%arg7 : memref<20x1024xf32, #tpu.memory_space<vmem>>) target(%dma_start3A_542 : memref<20x1024xf32, #tpu.memory_space<hbm>>) target_semaphore(%arg11 : memref<!tpu.dma_semaphore, #tpu.memory_space<semaphore_mem>>)
    %dma_wait3A_543 = arith.constant 0 : i32
    %dma_wait3A_544 = arith.constant 0 : i32
    %dma_wait3A_545 = tpu.memref_slice %arg4[%sub3A_534, %dma_wait3A_543, %dma_wait3A_544] : memref<1024x20x1024xf32, #tpu.memory_space<hbm>> -> memref<1x20x1024xf32, #tpu.memory_space<hbm>>
    %dma_wait3A_546 = tpu.memref_squeeze %dma_wait3A_545 : memref<1x20x1024xf32, #tpu.memory_space<hbm>> -> memref<20x1024xf32, #tpu.memory_space<hbm>>
    %dma_wait3A_547 = arith.constant 0 : i32
    %dma_wait3A_548 = arith.constant 0 : i32
    %dma_wait3A_549 = tpu.memref_slice %arg4[%sub3A_534, %dma_wait3A_547, %dma_wait3A_548] : memref<1024x20x1024xf32, #tpu.memory_space<hbm>> -> memref<1x20x1024xf32, #tpu.memory_space<hbm>>
    %dma_wait3A_550 = tpu.memref_squeeze %dma_wait3A_549 : memref<1x20x1024xf32, #tpu.memory_space<hbm>> -> memref<20x1024xf32, #tpu.memory_space<hbm>>
    tpu.wait_dma2 semaphore(%arg11 : memref<!tpu.dma_semaphore, #tpu.memory_space<semaphore_mem>>) src(%arg7 : memref<20x1024xf32, #tpu.memory_space<vmem>>) dst(%dma_wait3A_550 : memref<20x1024xf32, #tpu.memory_space<hbm>>)
    %dma_start3A_551 = arith.constant 17 : i32
    %dma_start3A_552 = arith.constant 0 : i32
    %dma_start3A_553 = tpu.memref_slice %arg5[%dma_start3A_551, %dma_start3A_552] : memref<32x20xi32, #tpu.memory_space<vmem>> -> memref<1x20xi32, #tpu.memory_space<vmem>>
    %dma_start3A_554 = tpu.memref_squeeze %dma_start3A_553 : memref<1x20xi32, #tpu.memory_space<vmem>> -> memref<20xi32, #tpu.memory_space<vmem>>
    %dma_start3A_555 = arith.constant 0 : i32
    %dma_start3A_556 = arith.constant 0 : i32
    %dma_start3A_557 = tpu.memref_slice %arg3[%dma_start3A_555, %dma_start3A_556] : memref<1000x1024xf32, #tpu.memory_space<hbm>> -> memref<1000x1024xf32, #tpu.memory_space<hbm>>
    tpu.enqueue_indirect_dma source(%dma_start3A_557 : memref<1000x1024xf32, #tpu.memory_space<hbm>>) target(%arg7 : memref<20x1024xf32, #tpu.memory_space<vmem>>) offsets(%dma_start3A_554 : memref<20xi32, #tpu.memory_space<vmem>>) semaphore(%arg9 : memref<!tpu.dma_semaphore, #tpu.memory_space<semaphore_mem>>)
    %dma_wait3A_558 = arith.constant 16 : i32
    %dma_wait3A_559 = arith.constant 0 : i32
    %dma_wait3A_560 = tpu.memref_slice %arg5[%dma_wait3A_558, %dma_wait3A_559] : memref<32x20xi32, #tpu.memory_space<vmem>> -> memref<1x20xi32, #tpu.memory_space<vmem>>
    %dma_wait3A_561 = tpu.memref_squeeze %dma_wait3A_560 : memref<1x20xi32, #tpu.memory_space<vmem>> -> memref<20xi32, #tpu.memory_space<vmem>>
    %dma_wait3A_562 = arith.constant 0 : i32
    %dma_wait3A_563 = arith.constant 0 : i32
    %dma_wait3A_564 = tpu.memref_slice %arg3[%dma_wait3A_562, %dma_wait3A_563] : memref<1000x1024xf32, #tpu.memory_space<hbm>> -> memref<1000x1024xf32, #tpu.memory_space<hbm>>
    tpu.wait_indirect_dma semaphore(%arg8 : memref<!tpu.dma_semaphore, #tpu.memory_space<semaphore_mem>>) src(%dma_wait3A_564 : memref<1000x1024xf32, #tpu.memory_space<hbm>>) dst(%arg6 : memref<20x1024xf32, #tpu.memory_space<vmem>>)
    %add3A_565 = arith.constant 17 : i32
    %add3A_566 = arith.addi %mul3A_2, %add3A_565 : i32
    %sub3A_567 = arith.constant 1 : i32
    %sub3A_568 = arith.subi %add3A_566, %sub3A_567 : i32
    %dma_start3A_569 = arith.constant 0 : i32
    %dma_start3A_570 = arith.constant 0 : i32
    %dma_start3A_571 = tpu.memref_slice %arg4[%sub3A_568, %dma_start3A_569, %dma_start3A_570] : memref<1024x20x1024xf32, #tpu.memory_space<hbm>> -> memref<1x20x1024xf32, #tpu.memory_space<hbm>>
    %dma_start3A_572 = tpu.memref_squeeze %dma_start3A_571 : memref<1x20x1024xf32, #tpu.memory_space<hbm>> -> memref<20x1024xf32, #tpu.memory_space<hbm>>
    %dma_start3A_573 = arith.constant 0 : i32
    %dma_start3A_574 = arith.constant 0 : i32
    %dma_start3A_575 = tpu.memref_slice %arg4[%sub3A_568, %dma_start3A_573, %dma_start3A_574] : memref<1024x20x1024xf32, #tpu.memory_space<hbm>> -> memref<1x20x1024xf32, #tpu.memory_space<hbm>>
    %dma_start3A_576 = tpu.memref_squeeze %dma_start3A_575 : memref<1x20x1024xf32, #tpu.memory_space<hbm>> -> memref<20x1024xf32, #tpu.memory_space<hbm>>
    tpu.enqueue_dma source(%arg6 : memref<20x1024xf32, #tpu.memory_space<vmem>>) target(%dma_start3A_576 : memref<20x1024xf32, #tpu.memory_space<hbm>>) target_semaphore(%arg10 : memref<!tpu.dma_semaphore, #tpu.memory_space<semaphore_mem>>)
    %dma_wait3A_577 = arith.constant 0 : i32
    %dma_wait3A_578 = arith.constant 0 : i32
    %dma_wait3A_579 = tpu.memref_slice %arg4[%sub3A_568, %dma_wait3A_577, %dma_wait3A_578] : memref<1024x20x1024xf32, #tpu.memory_space<hbm>> -> memref<1x20x1024xf32, #tpu.memory_space<hbm>>
    %dma_wait3A_580 = tpu.memref_squeeze %dma_wait3A_579 : memref<1x20x1024xf32, #tpu.memory_space<hbm>> -> memref<20x1024xf32, #tpu.memory_space<hbm>>
    %dma_wait3A_581 = arith.constant 0 : i32
    %dma_wait3A_582 = arith.constant 0 : i32
    %dma_wait3A_583 = tpu.memref_slice %arg4[%sub3A_568, %dma_wait3A_581, %dma_wait3A_582] : memref<1024x20x1024xf32, #tpu.memory_space<hbm>> -> memref<1x20x1024xf32, #tpu.memory_space<hbm>>
    %dma_wait3A_584 = tpu.memref_squeeze %dma_wait3A_583 : memref<1x20x1024xf32, #tpu.memory_space<hbm>> -> memref<20x1024xf32, #tpu.memory_space<hbm>>
    tpu.wait_dma2 semaphore(%arg10 : memref<!tpu.dma_semaphore, #tpu.memory_space<semaphore_mem>>) src(%arg6 : memref<20x1024xf32, #tpu.memory_space<vmem>>) dst(%dma_wait3A_584 : memref<20x1024xf32, #tpu.memory_space<hbm>>)
    %dma_start3A_585 = arith.constant 18 : i32
    %dma_start3A_586 = arith.constant 0 : i32
    %dma_start3A_587 = tpu.memref_slice %arg5[%dma_start3A_585, %dma_start3A_586] : memref<32x20xi32, #tpu.memory_space<vmem>> -> memref<1x20xi32, #tpu.memory_space<vmem>>
    %dma_start3A_588 = tpu.memref_squeeze %dma_start3A_587 : memref<1x20xi32, #tpu.memory_space<vmem>> -> memref<20xi32, #tpu.memory_space<vmem>>
    %dma_start3A_589 = arith.constant 0 : i32
    %dma_start3A_590 = arith.constant 0 : i32
    %dma_start3A_591 = tpu.memref_slice %arg3[%dma_start3A_589, %dma_start3A_590] : memref<1000x1024xf32, #tpu.memory_space<hbm>> -> memref<1000x1024xf32, #tpu.memory_space<hbm>>
    tpu.enqueue_indirect_dma source(%dma_start3A_591 : memref<1000x1024xf32, #tpu.memory_space<hbm>>) target(%arg6 : memref<20x1024xf32, #tpu.memory_space<vmem>>) offsets(%dma_start3A_588 : memref<20xi32, #tpu.memory_space<vmem>>) semaphore(%arg8 : memref<!tpu.dma_semaphore, #tpu.memory_space<semaphore_mem>>)
    %dma_wait3A_592 = arith.constant 17 : i32
    %dma_wait3A_593 = arith.constant 0 : i32
    %dma_wait3A_594 = tpu.memref_slice %arg5[%dma_wait3A_592, %dma_wait3A_593] : memref<32x20xi32, #tpu.memory_space<vmem>> -> memref<1x20xi32, #tpu.memory_space<vmem>>
    %dma_wait3A_595 = tpu.memref_squeeze %dma_wait3A_594 : memref<1x20xi32, #tpu.memory_space<vmem>> -> memref<20xi32, #tpu.memory_space<vmem>>
    %dma_wait3A_596 = arith.constant 0 : i32
    %dma_wait3A_597 = arith.constant 0 : i32
    %dma_wait3A_598 = tpu.memref_slice %arg3[%dma_wait3A_596, %dma_wait3A_597] : memref<1000x1024xf32, #tpu.memory_space<hbm>> -> memref<1000x1024xf32, #tpu.memory_space<hbm>>
    tpu.wait_indirect_dma semaphore(%arg9 : memref<!tpu.dma_semaphore, #tpu.memory_space<semaphore_mem>>) src(%dma_wait3A_598 : memref<1000x1024xf32, #tpu.memory_space<hbm>>) dst(%arg7 : memref<20x1024xf32, #tpu.memory_space<vmem>>)
    %add3A_599 = arith.constant 18 : i32
    %add3A_600 = arith.addi %mul3A_2, %add3A_599 : i32
    %sub3A_601 = arith.constant 1 : i32
    %sub3A_602 = arith.subi %add3A_600, %sub3A_601 : i32
    %dma_start3A_603 = arith.constant 0 : i32
    %dma_start3A_604 = arith.constant 0 : i32
    %dma_start3A_605 = tpu.memref_slice %arg4[%sub3A_602, %dma_start3A_603, %dma_start3A_604] : memref<1024x20x1024xf32, #tpu.memory_space<hbm>> -> memref<1x20x1024xf32, #tpu.memory_space<hbm>>
    %dma_start3A_606 = tpu.memref_squeeze %dma_start3A_605 : memref<1x20x1024xf32, #tpu.memory_space<hbm>> -> memref<20x1024xf32, #tpu.memory_space<hbm>>
    %dma_start3A_607 = arith.constant 0 : i32
    %dma_start3A_608 = arith.constant 0 : i32
    %dma_start3A_609 = tpu.memref_slice %arg4[%sub3A_602, %dma_start3A_607, %dma_start3A_608] : memref<1024x20x1024xf32, #tpu.memory_space<hbm>> -> memref<1x20x1024xf32, #tpu.memory_space<hbm>>
    %dma_start3A_610 = tpu.memref_squeeze %dma_start3A_609 : memref<1x20x1024xf32, #tpu.memory_space<hbm>> -> memref<20x1024xf32, #tpu.memory_space<hbm>>
    tpu.enqueue_dma source(%arg7 : memref<20x1024xf32, #tpu.memory_space<vmem>>) target(%dma_start3A_610 : memref<20x1024xf32, #tpu.memory_space<hbm>>) target_semaphore(%arg11 : memref<!tpu.dma_semaphore, #tpu.memory_space<semaphore_mem>>)
    %dma_wait3A_611 = arith.constant 0 : i32
    %dma_wait3A_612 = arith.constant 0 : i32
    %dma_wait3A_613 = tpu.memref_slice %arg4[%sub3A_602, %dma_wait3A_611, %dma_wait3A_612] : memref<1024x20x1024xf32, #tpu.memory_space<hbm>> -> memref<1x20x1024xf32, #tpu.memory_space<hbm>>
    %dma_wait3A_614 = tpu.memref_squeeze %dma_wait3A_613 : memref<1x20x1024xf32, #tpu.memory_space<hbm>> -> memref<20x1024xf32, #tpu.memory_space<hbm>>
    %dma_wait3A_615 = arith.constant 0 : i32
    %dma_wait3A_616 = arith.constant 0 : i32
    %dma_wait3A_617 = tpu.memref_slice %arg4[%sub3A_602, %dma_wait3A_615, %dma_wait3A_616] : memref<1024x20x1024xf32, #tpu.memory_space<hbm>> -> memref<1x20x1024xf32, #tpu.memory_space<hbm>>
    %dma_wait3A_618 = tpu.memref_squeeze %dma_wait3A_617 : memref<1x20x1024xf32, #tpu.memory_space<hbm>> -> memref<20x1024xf32, #tpu.memory_space<hbm>>
    tpu.wait_dma2 semaphore(%arg11 : memref<!tpu.dma_semaphore, #tpu.memory_space<semaphore_mem>>) src(%arg7 : memref<20x1024xf32, #tpu.memory_space<vmem>>) dst(%dma_wait3A_618 : memref<20x1024xf32, #tpu.memory_space<hbm>>)
    %dma_start3A_619 = arith.constant 19 : i32
    %dma_start3A_620 = arith.constant 0 : i32
    %dma_start3A_621 = tpu.memref_slice %arg5[%dma_start3A_619, %dma_start3A_620] : memref<32x20xi32, #tpu.memory_space<vmem>> -> memref<1x20xi32, #tpu.memory_space<vmem>>
    %dma_start3A_622 = tpu.memref_squeeze %dma_start3A_621 : memref<1x20xi32, #tpu.memory_space<vmem>> -> memref<20xi32, #tpu.memory_space<vmem>>
    %dma_start3A_623 = arith.constant 0 : i32
    %dma_start3A_624 = arith.constant 0 : i32
    %dma_start3A_625 = tpu.memref_slice %arg3[%dma_start3A_623, %dma_start3A_624] : memref<1000x1024xf32, #tpu.memory_space<hbm>> -> memref<1000x1024xf32, #tpu.memory_space<hbm>>
    tpu.enqueue_indirect_dma source(%dma_start3A_625 : memref<1000x1024xf32, #tpu.memory_space<hbm>>) target(%arg7 : memref<20x1024xf32, #tpu.memory_space<vmem>>) offsets(%dma_start3A_622 : memref<20xi32, #tpu.memory_space<vmem>>) semaphore(%arg9 : memref<!tpu.dma_semaphore, #tpu.memory_space<semaphore_mem>>)
    %dma_wait3A_626 = arith.constant 18 : i32
    %dma_wait3A_627 = arith.constant 0 : i32
    %dma_wait3A_628 = tpu.memref_slice %arg5[%dma_wait3A_626, %dma_wait3A_627] : memref<32x20xi32, #tpu.memory_space<vmem>> -> memref<1x20xi32, #tpu.memory_space<vmem>>
    %dma_wait3A_629 = tpu.memref_squeeze %dma_wait3A_628 : memref<1x20xi32, #tpu.memory_space<vmem>> -> memref<20xi32, #tpu.memory_space<vmem>>
    %dma_wait3A_630 = arith.constant 0 : i32
    %dma_wait3A_631 = arith.constant 0 : i32
    %dma_wait3A_632 = tpu.memref_slice %arg3[%dma_wait3A_630, %dma_wait3A_631] : memref<1000x1024xf32, #tpu.memory_space<hbm>> -> memref<1000x1024xf32, #tpu.memory_space<hbm>>
    tpu.wait_indirect_dma semaphore(%arg8 : memref<!tpu.dma_semaphore, #tpu.memory_space<semaphore_mem>>) src(%dma_wait3A_632 : memref<1000x1024xf32, #tpu.memory_space<hbm>>) dst(%arg6 : memref<20x1024xf32, #tpu.memory_space<vmem>>)
    %add3A_633 = arith.constant 19 : i32
    %add3A_634 = arith.addi %mul3A_2, %add3A_633 : i32
    %sub3A_635 = arith.constant 1 : i32
    %sub3A_636 = arith.subi %add3A_634, %sub3A_635 : i32
    %dma_start3A_637 = arith.constant 0 : i32
    %dma_start3A_638 = arith.constant 0 : i32
    %dma_start3A_639 = tpu.memref_slice %arg4[%sub3A_636, %dma_start3A_637, %dma_start3A_638] : memref<1024x20x1024xf32, #tpu.memory_space<hbm>> -> memref<1x20x1024xf32, #tpu.memory_space<hbm>>
    %dma_start3A_640 = tpu.memref_squeeze %dma_start3A_639 : memref<1x20x1024xf32, #tpu.memory_space<hbm>> -> memref<20x1024xf32, #tpu.memory_space<hbm>>
    %dma_start3A_641 = arith.constant 0 : i32
    %dma_start3A_642 = arith.constant 0 : i32
    %dma_start3A_643 = tpu.memref_slice %arg4[%sub3A_636, %dma_start3A_641, %dma_start3A_642] : memref<1024x20x1024xf32, #tpu.memory_space<hbm>> -> memref<1x20x1024xf32, #tpu.memory_space<hbm>>
    %dma_start3A_644 = tpu.memref_squeeze %dma_start3A_643 : memref<1x20x1024xf32, #tpu.memory_space<hbm>> -> memref<20x1024xf32, #tpu.memory_space<hbm>>
    tpu.enqueue_dma source(%arg6 : memref<20x1024xf32, #tpu.memory_space<vmem>>) target(%dma_start3A_644 : memref<20x1024xf32, #tpu.memory_space<hbm>>) target_semaphore(%arg10 : memref<!tpu.dma_semaphore, #tpu.memory_space<semaphore_mem>>)
    %dma_wait3A_645 = arith.constant 0 : i32
    %dma_wait3A_646 = arith.constant 0 : i32
    %dma_wait3A_647 = tpu.memref_slice %arg4[%sub3A_636, %dma_wait3A_645, %dma_wait3A_646] : memref<1024x20x1024xf32, #tpu.memory_space<hbm>> -> memref<1x20x1024xf32, #tpu.memory_space<hbm>>
    %dma_wait3A_648 = tpu.memref_squeeze %dma_wait3A_647 : memref<1x20x1024xf32, #tpu.memory_space<hbm>> -> memref<20x1024xf32, #tpu.memory_space<hbm>>
    %dma_wait3A_649 = arith.constant 0 : i32
    %dma_wait3A_650 = arith.constant 0 : i32
    %dma_wait3A_651 = tpu.memref_slice %arg4[%sub3A_636, %dma_wait3A_649, %dma_wait3A_650] : memref<1024x20x1024xf32, #tpu.memory_space<hbm>> -> memref<1x20x1024xf32, #tpu.memory_space<hbm>>
    %dma_wait3A_652 = tpu.memref_squeeze %dma_wait3A_651 : memref<1x20x1024xf32, #tpu.memory_space<hbm>> -> memref<20x1024xf32, #tpu.memory_space<hbm>>
    tpu.wait_dma2 semaphore(%arg10 : memref<!tpu.dma_semaphore, #tpu.memory_space<semaphore_mem>>) src(%arg6 : memref<20x1024xf32, #tpu.memory_space<vmem>>) dst(%dma_wait3A_652 : memref<20x1024xf32, #tpu.memory_space<hbm>>)
    %dma_start3A_653 = arith.constant 20 : i32
    %dma_start3A_654 = arith.constant 0 : i32
    %dma_start3A_655 = tpu.memref_slice %arg5[%dma_start3A_653, %dma_start3A_654] : memref<32x20xi32, #tpu.memory_space<vmem>> -> memref<1x20xi32, #tpu.memory_space<vmem>>
    %dma_start3A_656 = tpu.memref_squeeze %dma_start3A_655 : memref<1x20xi32, #tpu.memory_space<vmem>> -> memref<20xi32, #tpu.memory_space<vmem>>
    %dma_start3A_657 = arith.constant 0 : i32
    %dma_start3A_658 = arith.constant 0 : i32
    %dma_start3A_659 = tpu.memref_slice %arg3[%dma_start3A_657, %dma_start3A_658] : memref<1000x1024xf32, #tpu.memory_space<hbm>> -> memref<1000x1024xf32, #tpu.memory_space<hbm>>
    tpu.enqueue_indirect_dma source(%dma_start3A_659 : memref<1000x1024xf32, #tpu.memory_space<hbm>>) target(%arg6 : memref<20x1024xf32, #tpu.memory_space<vmem>>) offsets(%dma_start3A_656 : memref<20xi32, #tpu.memory_space<vmem>>) semaphore(%arg8 : memref<!tpu.dma_semaphore, #tpu.memory_space<semaphore_mem>>)
    %dma_wait3A_660 = arith.constant 19 : i32
    %dma_wait3A_661 = arith.constant 0 : i32
    %dma_wait3A_662 = tpu.memref_slice %arg5[%dma_wait3A_660, %dma_wait3A_661] : memref<32x20xi32, #tpu.memory_space<vmem>> -> memref<1x20xi32, #tpu.memory_space<vmem>>
    %dma_wait3A_663 = tpu.memref_squeeze %dma_wait3A_662 : memref<1x20xi32, #tpu.memory_space<vmem>> -> memref<20xi32, #tpu.memory_space<vmem>>
    %dma_wait3A_664 = arith.constant 0 : i32
    %dma_wait3A_665 = arith.constant 0 : i32
    %dma_wait3A_666 = tpu.memref_slice %arg3[%dma_wait3A_664, %dma_wait3A_665] : memref<1000x1024xf32, #tpu.memory_space<hbm>> -> memref<1000x1024xf32, #tpu.memory_space<hbm>>
    tpu.wait_indirect_dma semaphore(%arg9 : memref<!tpu.dma_semaphore, #tpu.memory_space<semaphore_mem>>) src(%dma_wait3A_666 : memref<1000x1024xf32, #tpu.memory_space<hbm>>) dst(%arg7 : memref<20x1024xf32, #tpu.memory_space<vmem>>)
    %add3A_667 = arith.constant 20 : i32
    %add3A_668 = arith.addi %mul3A_2, %add3A_667 : i32
    %sub3A_669 = arith.constant 1 : i32
    %sub3A_670 = arith.subi %add3A_668, %sub3A_669 : i32
    %dma_start3A_671 = arith.constant 0 : i32
    %dma_start3A_672 = arith.constant 0 : i32
    %dma_start3A_673 = tpu.memref_slice %arg4[%sub3A_670, %dma_start3A_671, %dma_start3A_672] : memref<1024x20x1024xf32, #tpu.memory_space<hbm>> -> memref<1x20x1024xf32, #tpu.memory_space<hbm>>
    %dma_start3A_674 = tpu.memref_squeeze %dma_start3A_673 : memref<1x20x1024xf32, #tpu.memory_space<hbm>> -> memref<20x1024xf32, #tpu.memory_space<hbm>>
    %dma_start3A_675 = arith.constant 0 : i32
    %dma_start3A_676 = arith.constant 0 : i32
    %dma_start3A_677 = tpu.memref_slice %arg4[%sub3A_670, %dma_start3A_675, %dma_start3A_676] : memref<1024x20x1024xf32, #tpu.memory_space<hbm>> -> memref<1x20x1024xf32, #tpu.memory_space<hbm>>
    %dma_start3A_678 = tpu.memref_squeeze %dma_start3A_677 : memref<1x20x1024xf32, #tpu.memory_space<hbm>> -> memref<20x1024xf32, #tpu.memory_space<hbm>>
    tpu.enqueue_dma source(%arg7 : memref<20x1024xf32, #tpu.memory_space<vmem>>) target(%dma_start3A_678 : memref<20x1024xf32, #tpu.memory_space<hbm>>) target_semaphore(%arg11 : memref<!tpu.dma_semaphore, #tpu.memory_space<semaphore_mem>>)
    %dma_wait3A_679 = arith.constant 0 : i32
    %dma_wait3A_680 = arith.constant 0 : i32
    %dma_wait3A_681 = tpu.memref_slice %arg4[%sub3A_670, %dma_wait3A_679, %dma_wait3A_680] : memref<1024x20x1024xf32, #tpu.memory_space<hbm>> -> memref<1x20x1024xf32, #tpu.memory_space<hbm>>
    %dma_wait3A_682 = tpu.memref_squeeze %dma_wait3A_681 : memref<1x20x1024xf32, #tpu.memory_space<hbm>> -> memref<20x1024xf32, #tpu.memory_space<hbm>>
    %dma_wait3A_683 = arith.constant 0 : i32
    %dma_wait3A_684 = arith.constant 0 : i32
    %dma_wait3A_685 = tpu.memref_slice %arg4[%sub3A_670, %dma_wait3A_683, %dma_wait3A_684] : memref<1024x20x1024xf32, #tpu.memory_space<hbm>> -> memref<1x20x1024xf32, #tpu.memory_space<hbm>>
    %dma_wait3A_686 = tpu.memref_squeeze %dma_wait3A_685 : memref<1x20x1024xf32, #tpu.memory_space<hbm>> -> memref<20x1024xf32, #tpu.memory_space<hbm>>
    tpu.wait_dma2 semaphore(%arg11 : memref<!tpu.dma_semaphore, #tpu.memory_space<semaphore_mem>>) src(%arg7 : memref<20x1024xf32, #tpu.memory_space<vmem>>) dst(%dma_wait3A_686 : memref<20x1024xf32, #tpu.memory_space<hbm>>)
    %dma_start3A_687 = arith.constant 21 : i32
    %dma_start3A_688 = arith.constant 0 : i32
    %dma_start3A_689 = tpu.memref_slice %arg5[%dma_start3A_687, %dma_start3A_688] : memref<32x20xi32, #tpu.memory_space<vmem>> -> memref<1x20xi32, #tpu.memory_space<vmem>>
    %dma_start3A_690 = tpu.memref_squeeze %dma_start3A_689 : memref<1x20xi32, #tpu.memory_space<vmem>> -> memref<20xi32, #tpu.memory_space<vmem>>
    %dma_start3A_691 = arith.constant 0 : i32
    %dma_start3A_692 = arith.constant 0 : i32
    %dma_start3A_693 = tpu.memref_slice %arg3[%dma_start3A_691, %dma_start3A_692] : memref<1000x1024xf32, #tpu.memory_space<hbm>> -> memref<1000x1024xf32, #tpu.memory_space<hbm>>
    tpu.enqueue_indirect_dma source(%dma_start3A_693 : memref<1000x1024xf32, #tpu.memory_space<hbm>>) target(%arg7 : memref<20x1024xf32, #tpu.memory_space<vmem>>) offsets(%dma_start3A_690 : memref<20xi32, #tpu.memory_space<vmem>>) semaphore(%arg9 : memref<!tpu.dma_semaphore, #tpu.memory_space<semaphore_mem>>)
    %dma_wait3A_694 = arith.constant 20 : i32
    %dma_wait3A_695 = arith.constant 0 : i32
    %dma_wait3A_696 = tpu.memref_slice %arg5[%dma_wait3A_694, %dma_wait3A_695] : memref<32x20xi32, #tpu.memory_space<vmem>> -> memref<1x20xi32, #tpu.memory_space<vmem>>
    %dma_wait3A_697 = tpu.memref_squeeze %dma_wait3A_696 : memref<1x20xi32, #tpu.memory_space<vmem>> -> memref<20xi32, #tpu.memory_space<vmem>>
    %dma_wait3A_698 = arith.constant 0 : i32
    %dma_wait3A_699 = arith.constant 0 : i32
    %dma_wait3A_700 = tpu.memref_slice %arg3[%dma_wait3A_698, %dma_wait3A_699] : memref<1000x1024xf32, #tpu.memory_space<hbm>> -> memref<1000x1024xf32, #tpu.memory_space<hbm>>
    tpu.wait_indirect_dma semaphore(%arg8 : memref<!tpu.dma_semaphore, #tpu.memory_space<semaphore_mem>>) src(%dma_wait3A_700 : memref<1000x1024xf32, #tpu.memory_space<hbm>>) dst(%arg6 : memref<20x1024xf32, #tpu.memory_space<vmem>>)
    %add3A_701 = arith.constant 21 : i32
    %add3A_702 = arith.addi %mul3A_2, %add3A_701 : i32
    %sub3A_703 = arith.constant 1 : i32
    %sub3A_704 = arith.subi %add3A_702, %sub3A_703 : i32
    %dma_start3A_705 = arith.constant 0 : i32
    %dma_start3A_706 = arith.constant 0 : i32
    %dma_start3A_707 = tpu.memref_slice %arg4[%sub3A_704, %dma_start3A_705, %dma_start3A_706] : memref<1024x20x1024xf32, #tpu.memory_space<hbm>> -> memref<1x20x1024xf32, #tpu.memory_space<hbm>>
    %dma_start3A_708 = tpu.memref_squeeze %dma_start3A_707 : memref<1x20x1024xf32, #tpu.memory_space<hbm>> -> memref<20x1024xf32, #tpu.memory_space<hbm>>
    %dma_start3A_709 = arith.constant 0 : i32
    %dma_start3A_710 = arith.constant 0 : i32
    %dma_start3A_711 = tpu.memref_slice %arg4[%sub3A_704, %dma_start3A_709, %dma_start3A_710] : memref<1024x20x1024xf32, #tpu.memory_space<hbm>> -> memref<1x20x1024xf32, #tpu.memory_space<hbm>>
    %dma_start3A_712 = tpu.memref_squeeze %dma_start3A_711 : memref<1x20x1024xf32, #tpu.memory_space<hbm>> -> memref<20x1024xf32, #tpu.memory_space<hbm>>
    tpu.enqueue_dma source(%arg6 : memref<20x1024xf32, #tpu.memory_space<vmem>>) target(%dma_start3A_712 : memref<20x1024xf32, #tpu.memory_space<hbm>>) target_semaphore(%arg10 : memref<!tpu.dma_semaphore, #tpu.memory_space<semaphore_mem>>)
    %dma_wait3A_713 = arith.constant 0 : i32
    %dma_wait3A_714 = arith.constant 0 : i32
    %dma_wait3A_715 = tpu.memref_slice %arg4[%sub3A_704, %dma_wait3A_713, %dma_wait3A_714] : memref<1024x20x1024xf32, #tpu.memory_space<hbm>> -> memref<1x20x1024xf32, #tpu.memory_space<hbm>>
    %dma_wait3A_716 = tpu.memref_squeeze %dma_wait3A_715 : memref<1x20x1024xf32, #tpu.memory_space<hbm>> -> memref<20x1024xf32, #tpu.memory_space<hbm>>
    %dma_wait3A_717 = arith.constant 0 : i32
    %dma_wait3A_718 = arith.constant 0 : i32
    %dma_wait3A_719 = tpu.memref_slice %arg4[%sub3A_704, %dma_wait3A_717, %dma_wait3A_718] : memref<1024x20x1024xf32, #tpu.memory_space<hbm>> -> memref<1x20x1024xf32, #tpu.memory_space<hbm>>
    %dma_wait3A_720 = tpu.memref_squeeze %dma_wait3A_719 : memref<1x20x1024xf32, #tpu.memory_space<hbm>> -> memref<20x1024xf32, #tpu.memory_space<hbm>>
    tpu.wait_dma2 semaphore(%arg10 : memref<!tpu.dma_semaphore, #tpu.memory_space<semaphore_mem>>) src(%arg6 : memref<20x1024xf32, #tpu.memory_space<vmem>>) dst(%dma_wait3A_720 : memref<20x1024xf32, #tpu.memory_space<hbm>>)
    %dma_start3A_721 = arith.constant 22 : i32
    %dma_start3A_722 = arith.constant 0 : i32
    %dma_start3A_723 = tpu.memref_slice %arg5[%dma_start3A_721, %dma_start3A_722] : memref<32x20xi32, #tpu.memory_space<vmem>> -> memref<1x20xi32, #tpu.memory_space<vmem>>
    %dma_start3A_724 = tpu.memref_squeeze %dma_start3A_723 : memref<1x20xi32, #tpu.memory_space<vmem>> -> memref<20xi32, #tpu.memory_space<vmem>>
    %dma_start3A_725 = arith.constant 0 : i32
    %dma_start3A_726 = arith.constant 0 : i32
    %dma_start3A_727 = tpu.memref_slice %arg3[%dma_start3A_725, %dma_start3A_726] : memref<1000x1024xf32, #tpu.memory_space<hbm>> -> memref<1000x1024xf32, #tpu.memory_space<hbm>>
    tpu.enqueue_indirect_dma source(%dma_start3A_727 : memref<1000x1024xf32, #tpu.memory_space<hbm>>) target(%arg6 : memref<20x1024xf32, #tpu.memory_space<vmem>>) offsets(%dma_start3A_724 : memref<20xi32, #tpu.memory_space<vmem>>) semaphore(%arg8 : memref<!tpu.dma_semaphore, #tpu.memory_space<semaphore_mem>>)
    %dma_wait3A_728 = arith.constant 21 : i32
    %dma_wait3A_729 = arith.constant 0 : i32
    %dma_wait3A_730 = tpu.memref_slice %arg5[%dma_wait3A_728, %dma_wait3A_729] : memref<32x20xi32, #tpu.memory_space<vmem>> -> memref<1x20xi32, #tpu.memory_space<vmem>>
    %dma_wait3A_731 = tpu.memref_squeeze %dma_wait3A_730 : memref<1x20xi32, #tpu.memory_space<vmem>> -> memref<20xi32, #tpu.memory_space<vmem>>
    %dma_wait3A_732 = arith.constant 0 : i32
    %dma_wait3A_733 = arith.constant 0 : i32
    %dma_wait3A_734 = tpu.memref_slice %arg3[%dma_wait3A_732, %dma_wait3A_733] : memref<1000x1024xf32, #tpu.memory_space<hbm>> -> memref<1000x1024xf32, #tpu.memory_space<hbm>>
    tpu.wait_indirect_dma semaphore(%arg9 : memref<!tpu.dma_semaphore, #tpu.memory_space<semaphore_mem>>) src(%dma_wait3A_734 : memref<1000x1024xf32, #tpu.memory_space<hbm>>) dst(%arg7 : memref<20x1024xf32, #tpu.memory_space<vmem>>)
    %add3A_735 = arith.constant 22 : i32
    %add3A_736 = arith.addi %mul3A_2, %add3A_735 : i32
    %sub3A_737 = arith.constant 1 : i32
    %sub3A_738 = arith.subi %add3A_736, %sub3A_737 : i32
    %dma_start3A_739 = arith.constant 0 : i32
    %dma_start3A_740 = arith.constant 0 : i32
    %dma_start3A_741 = tpu.memref_slice %arg4[%sub3A_738, %dma_start3A_739, %dma_start3A_740] : memref<1024x20x1024xf32, #tpu.memory_space<hbm>> -> memref<1x20x1024xf32, #tpu.memory_space<hbm>>
    %dma_start3A_742 = tpu.memref_squeeze %dma_start3A_741 : memref<1x20x1024xf32, #tpu.memory_space<hbm>> -> memref<20x1024xf32, #tpu.memory_space<hbm>>
    %dma_start3A_743 = arith.constant 0 : i32
    %dma_start3A_744 = arith.constant 0 : i32
    %dma_start3A_745 = tpu.memref_slice %arg4[%sub3A_738, %dma_start3A_743, %dma_start3A_744] : memref<1024x20x1024xf32, #tpu.memory_space<hbm>> -> memref<1x20x1024xf32, #tpu.memory_space<hbm>>
    %dma_start3A_746 = tpu.memref_squeeze %dma_start3A_745 : memref<1x20x1024xf32, #tpu.memory_space<hbm>> -> memref<20x1024xf32, #tpu.memory_space<hbm>>
    tpu.enqueue_dma source(%arg7 : memref<20x1024xf32, #tpu.memory_space<vmem>>) target(%dma_start3A_746 : memref<20x1024xf32, #tpu.memory_space<hbm>>) target_semaphore(%arg11 : memref<!tpu.dma_semaphore, #tpu.memory_space<semaphore_mem>>)
    %dma_wait3A_747 = arith.constant 0 : i32
    %dma_wait3A_748 = arith.constant 0 : i32
    %dma_wait3A_749 = tpu.memref_slice %arg4[%sub3A_738, %dma_wait3A_747, %dma_wait3A_748] : memref<1024x20x1024xf32, #tpu.memory_space<hbm>> -> memref<1x20x1024xf32, #tpu.memory_space<hbm>>
    %dma_wait3A_750 = tpu.memref_squeeze %dma_wait3A_749 : memref<1x20x1024xf32, #tpu.memory_space<hbm>> -> memref<20x1024xf32, #tpu.memory_space<hbm>>
    %dma_wait3A_751 = arith.constant 0 : i32
    %dma_wait3A_752 = arith.constant 0 : i32
    %dma_wait3A_753 = tpu.memref_slice %arg4[%sub3A_738, %dma_wait3A_751, %dma_wait3A_752] : memref<1024x20x1024xf32, #tpu.memory_space<hbm>> -> memref<1x20x1024xf32, #tpu.memory_space<hbm>>
    %dma_wait3A_754 = tpu.memref_squeeze %dma_wait3A_753 : memref<1x20x1024xf32, #tpu.memory_space<hbm>> -> memref<20x1024xf32, #tpu.memory_space<hbm>>
    tpu.wait_dma2 semaphore(%arg11 : memref<!tpu.dma_semaphore, #tpu.memory_space<semaphore_mem>>) src(%arg7 : memref<20x1024xf32, #tpu.memory_space<vmem>>) dst(%dma_wait3A_754 : memref<20x1024xf32, #tpu.memory_space<hbm>>)
    %dma_start3A_755 = arith.constant 23 : i32
    %dma_start3A_756 = arith.constant 0 : i32
    %dma_start3A_757 = tpu.memref_slice %arg5[%dma_start3A_755, %dma_start3A_756] : memref<32x20xi32, #tpu.memory_space<vmem>> -> memref<1x20xi32, #tpu.memory_space<vmem>>
    %dma_start3A_758 = tpu.memref_squeeze %dma_start3A_757 : memref<1x20xi32, #tpu.memory_space<vmem>> -> memref<20xi32, #tpu.memory_space<vmem>>
    %dma_start3A_759 = arith.constant 0 : i32
    %dma_start3A_760 = arith.constant 0 : i32
    %dma_start3A_761 = tpu.memref_slice %arg3[%dma_start3A_759, %dma_start3A_760] : memref<1000x1024xf32, #tpu.memory_space<hbm>> -> memref<1000x1024xf32, #tpu.memory_space<hbm>>
    tpu.enqueue_indirect_dma source(%dma_start3A_761 : memref<1000x1024xf32, #tpu.memory_space<hbm>>) target(%arg7 : memref<20x1024xf32, #tpu.memory_space<vmem>>) offsets(%dma_start3A_758 : memref<20xi32, #tpu.memory_space<vmem>>) semaphore(%arg9 : memref<!tpu.dma_semaphore, #tpu.memory_space<semaphore_mem>>)
    %dma_wait3A_762 = arith.constant 22 : i32
    %dma_wait3A_763 = arith.constant 0 : i32
    %dma_wait3A_764 = tpu.memref_slice %arg5[%dma_wait3A_762, %dma_wait3A_763] : memref<32x20xi32, #tpu.memory_space<vmem>> -> memref<1x20xi32, #tpu.memory_space<vmem>>
    %dma_wait3A_765 = tpu.memref_squeeze %dma_wait3A_764 : memref<1x20xi32, #tpu.memory_space<vmem>> -> memref<20xi32, #tpu.memory_space<vmem>>
    %dma_wait3A_766 = arith.constant 0 : i32
    %dma_wait3A_767 = arith.constant 0 : i32
    %dma_wait3A_768 = tpu.memref_slice %arg3[%dma_wait3A_766, %dma_wait3A_767] : memref<1000x1024xf32, #tpu.memory_space<hbm>> -> memref<1000x1024xf32, #tpu.memory_space<hbm>>
    tpu.wait_indirect_dma semaphore(%arg8 : memref<!tpu.dma_semaphore, #tpu.memory_space<semaphore_mem>>) src(%dma_wait3A_768 : memref<1000x1024xf32, #tpu.memory_space<hbm>>) dst(%arg6 : memref<20x1024xf32, #tpu.memory_space<vmem>>)
    %add3A_769 = arith.constant 23 : i32
    %add3A_770 = arith.addi %mul3A_2, %add3A_769 : i32
    %sub3A_771 = arith.constant 1 : i32
    %sub3A_772 = arith.subi %add3A_770, %sub3A_771 : i32
    %dma_start3A_773 = arith.constant 0 : i32
    %dma_start3A_774 = arith.constant 0 : i32
    %dma_start3A_775 = tpu.memref_slice %arg4[%sub3A_772, %dma_start3A_773, %dma_start3A_774] : memref<1024x20x1024xf32, #tpu.memory_space<hbm>> -> memref<1x20x1024xf32, #tpu.memory_space<hbm>>
    %dma_start3A_776 = tpu.memref_squeeze %dma_start3A_775 : memref<1x20x1024xf32, #tpu.memory_space<hbm>> -> memref<20x1024xf32, #tpu.memory_space<hbm>>
    %dma_start3A_777 = arith.constant 0 : i32
    %dma_start3A_778 = arith.constant 0 : i32
    %dma_start3A_779 = tpu.memref_slice %arg4[%sub3A_772, %dma_start3A_777, %dma_start3A_778] : memref<1024x20x1024xf32, #tpu.memory_space<hbm>> -> memref<1x20x1024xf32, #tpu.memory_space<hbm>>
    %dma_start3A_780 = tpu.memref_squeeze %dma_start3A_779 : memref<1x20x1024xf32, #tpu.memory_space<hbm>> -> memref<20x1024xf32, #tpu.memory_space<hbm>>
    tpu.enqueue_dma source(%arg6 : memref<20x1024xf32, #tpu.memory_space<vmem>>) target(%dma_start3A_780 : memref<20x1024xf32, #tpu.memory_space<hbm>>) target_semaphore(%arg10 : memref<!tpu.dma_semaphore, #tpu.memory_space<semaphore_mem>>)
    %dma_wait3A_781 = arith.constant 0 : i32
    %dma_wait3A_782 = arith.constant 0 : i32
    %dma_wait3A_783 = tpu.memref_slice %arg4[%sub3A_772, %dma_wait3A_781, %dma_wait3A_782] : memref<1024x20x1024xf32, #tpu.memory_space<hbm>> -> memref<1x20x1024xf32, #tpu.memory_space<hbm>>
    %dma_wait3A_784 = tpu.memref_squeeze %dma_wait3A_783 : memref<1x20x1024xf32, #tpu.memory_space<hbm>> -> memref<20x1024xf32, #tpu.memory_space<hbm>>
    %dma_wait3A_785 = arith.constant 0 : i32
    %dma_wait3A_786 = arith.constant 0 : i32
    %dma_wait3A_787 = tpu.memref_slice %arg4[%sub3A_772, %dma_wait3A_785, %dma_wait3A_786] : memref<1024x20x1024xf32, #tpu.memory_space<hbm>> -> memref<1x20x1024xf32, #tpu.memory_space<hbm>>
    %dma_wait3A_788 = tpu.memref_squeeze %dma_wait3A_787 : memref<1x20x1024xf32, #tpu.memory_space<hbm>> -> memref<20x1024xf32, #tpu.memory_space<hbm>>
    tpu.wait_dma2 semaphore(%arg10 : memref<!tpu.dma_semaphore, #tpu.memory_space<semaphore_mem>>) src(%arg6 : memref<20x1024xf32, #tpu.memory_space<vmem>>) dst(%dma_wait3A_788 : memref<20x1024xf32, #tpu.memory_space<hbm>>)
    %dma_start3A_789 = arith.constant 24 : i32
    %dma_start3A_790 = arith.constant 0 : i32
    %dma_start3A_791 = tpu.memref_slice %arg5[%dma_start3A_789, %dma_start3A_790] : memref<32x20xi32, #tpu.memory_space<vmem>> -> memref<1x20xi32, #tpu.memory_space<vmem>>
    %dma_start3A_792 = tpu.memref_squeeze %dma_start3A_791 : memref<1x20xi32, #tpu.memory_space<vmem>> -> memref<20xi32, #tpu.memory_space<vmem>>
    %dma_start3A_793 = arith.constant 0 : i32
    %dma_start3A_794 = arith.constant 0 : i32
    %dma_start3A_795 = tpu.memref_slice %arg3[%dma_start3A_793, %dma_start3A_794] : memref<1000x1024xf32, #tpu.memory_space<hbm>> -> memref<1000x1024xf32, #tpu.memory_space<hbm>>
    tpu.enqueue_indirect_dma source(%dma_start3A_795 : memref<1000x1024xf32, #tpu.memory_space<hbm>>) target(%arg6 : memref<20x1024xf32, #tpu.memory_space<vmem>>) offsets(%dma_start3A_792 : memref<20xi32, #tpu.memory_space<vmem>>) semaphore(%arg8 : memref<!tpu.dma_semaphore, #tpu.memory_space<semaphore_mem>>)
    %dma_wait3A_796 = arith.constant 23 : i32
    %dma_wait3A_797 = arith.constant 0 : i32
    %dma_wait3A_798 = tpu.memref_slice %arg5[%dma_wait3A_796, %dma_wait3A_797] : memref<32x20xi32, #tpu.memory_space<vmem>> -> memref<1x20xi32, #tpu.memory_space<vmem>>
    %dma_wait3A_799 = tpu.memref_squeeze %dma_wait3A_798 : memref<1x20xi32, #tpu.memory_space<vmem>> -> memref<20xi32, #tpu.memory_space<vmem>>
    %dma_wait3A_800 = arith.constant 0 : i32
    %dma_wait3A_801 = arith.constant 0 : i32
    %dma_wait3A_802 = tpu.memref_slice %arg3[%dma_wait3A_800, %dma_wait3A_801] : memref<1000x1024xf32, #tpu.memory_space<hbm>> -> memref<1000x1024xf32, #tpu.memory_space<hbm>>
    tpu.wait_indirect_dma semaphore(%arg9 : memref<!tpu.dma_semaphore, #tpu.memory_space<semaphore_mem>>) src(%dma_wait3A_802 : memref<1000x1024xf32, #tpu.memory_space<hbm>>) dst(%arg7 : memref<20x1024xf32, #tpu.memory_space<vmem>>)
    %add3A_803 = arith.constant 24 : i32
    %add3A_804 = arith.addi %mul3A_2, %add3A_803 : i32
    %sub3A_805 = arith.constant 1 : i32
    %sub3A_806 = arith.subi %add3A_804, %sub3A_805 : i32
    %dma_start3A_807 = arith.constant 0 : i32
    %dma_start3A_808 = arith.constant 0 : i32
    %dma_start3A_809 = tpu.memref_slice %arg4[%sub3A_806, %dma_start3A_807, %dma_start3A_808] : memref<1024x20x1024xf32, #tpu.memory_space<hbm>> -> memref<1x20x1024xf32, #tpu.memory_space<hbm>>
    %dma_start3A_810 = tpu.memref_squeeze %dma_start3A_809 : memref<1x20x1024xf32, #tpu.memory_space<hbm>> -> memref<20x1024xf32, #tpu.memory_space<hbm>>
    %dma_start3A_811 = arith.constant 0 : i32
    %dma_start3A_812 = arith.constant 0 : i32
    %dma_start3A_813 = tpu.memref_slice %arg4[%sub3A_806, %dma_start3A_811, %dma_start3A_812] : memref<1024x20x1024xf32, #tpu.memory_space<hbm>> -> memref<1x20x1024xf32, #tpu.memory_space<hbm>>
    %dma_start3A_814 = tpu.memref_squeeze %dma_start3A_813 : memref<1x20x1024xf32, #tpu.memory_space<hbm>> -> memref<20x1024xf32, #tpu.memory_space<hbm>>
    tpu.enqueue_dma source(%arg7 : memref<20x1024xf32, #tpu.memory_space<vmem>>) target(%dma_start3A_814 : memref<20x1024xf32, #tpu.memory_space<hbm>>) target_semaphore(%arg11 : memref<!tpu.dma_semaphore, #tpu.memory_space<semaphore_mem>>)
    %dma_wait3A_815 = arith.constant 0 : i32
    %dma_wait3A_816 = arith.constant 0 : i32
    %dma_wait3A_817 = tpu.memref_slice %arg4[%sub3A_806, %dma_wait3A_815, %dma_wait3A_816] : memref<1024x20x1024xf32, #tpu.memory_space<hbm>> -> memref<1x20x1024xf32, #tpu.memory_space<hbm>>
    %dma_wait3A_818 = tpu.memref_squeeze %dma_wait3A_817 : memref<1x20x1024xf32, #tpu.memory_space<hbm>> -> memref<20x1024xf32, #tpu.memory_space<hbm>>
    %dma_wait3A_819 = arith.constant 0 : i32
    %dma_wait3A_820 = arith.constant 0 : i32
    %dma_wait3A_821 = tpu.memref_slice %arg4[%sub3A_806, %dma_wait3A_819, %dma_wait3A_820] : memref<1024x20x1024xf32, #tpu.memory_space<hbm>> -> memref<1x20x1024xf32, #tpu.memory_space<hbm>>
    %dma_wait3A_822 = tpu.memref_squeeze %dma_wait3A_821 : memref<1x20x1024xf32, #tpu.memory_space<hbm>> -> memref<20x1024xf32, #tpu.memory_space<hbm>>
    tpu.wait_dma2 semaphore(%arg11 : memref<!tpu.dma_semaphore, #tpu.memory_space<semaphore_mem>>) src(%arg7 : memref<20x1024xf32, #tpu.memory_space<vmem>>) dst(%dma_wait3A_822 : memref<20x1024xf32, #tpu.memory_space<hbm>>)
    %dma_start3A_823 = arith.constant 25 : i32
    %dma_start3A_824 = arith.constant 0 : i32
    %dma_start3A_825 = tpu.memref_slice %arg5[%dma_start3A_823, %dma_start3A_824] : memref<32x20xi32, #tpu.memory_space<vmem>> -> memref<1x20xi32, #tpu.memory_space<vmem>>
    %dma_start3A_826 = tpu.memref_squeeze %dma_start3A_825 : memref<1x20xi32, #tpu.memory_space<vmem>> -> memref<20xi32, #tpu.memory_space<vmem>>
    %dma_start3A_827 = arith.constant 0 : i32
    %dma_start3A_828 = arith.constant 0 : i32
    %dma_start3A_829 = tpu.memref_slice %arg3[%dma_start3A_827, %dma_start3A_828] : memref<1000x1024xf32, #tpu.memory_space<hbm>> -> memref<1000x1024xf32, #tpu.memory_space<hbm>>
    tpu.enqueue_indirect_dma source(%dma_start3A_829 : memref<1000x1024xf32, #tpu.memory_space<hbm>>) target(%arg7 : memref<20x1024xf32, #tpu.memory_space<vmem>>) offsets(%dma_start3A_826 : memref<20xi32, #tpu.memory_space<vmem>>) semaphore(%arg9 : memref<!tpu.dma_semaphore, #tpu.memory_space<semaphore_mem>>)
    %dma_wait3A_830 = arith.constant 24 : i32
    %dma_wait3A_831 = arith.constant 0 : i32
    %dma_wait3A_832 = tpu.memref_slice %arg5[%dma_wait3A_830, %dma_wait3A_831] : memref<32x20xi32, #tpu.memory_space<vmem>> -> memref<1x20xi32, #tpu.memory_space<vmem>>
    %dma_wait3A_833 = tpu.memref_squeeze %dma_wait3A_832 : memref<1x20xi32, #tpu.memory_space<vmem>> -> memref<20xi32, #tpu.memory_space<vmem>>
    %dma_wait3A_834 = arith.constant 0 : i32
    %dma_wait3A_835 = arith.constant 0 : i32
    %dma_wait3A_836 = tpu.memref_slice %arg3[%dma_wait3A_834, %dma_wait3A_835] : memref<1000x1024xf32, #tpu.memory_space<hbm>> -> memref<1000x1024xf32, #tpu.memory_space<hbm>>
    tpu.wait_indirect_dma semaphore(%arg8 : memref<!tpu.dma_semaphore, #tpu.memory_space<semaphore_mem>>) src(%dma_wait3A_836 : memref<1000x1024xf32, #tpu.memory_space<hbm>>) dst(%arg6 : memref<20x1024xf32, #tpu.memory_space<vmem>>)
    %add3A_837 = arith.constant 25 : i32
    %add3A_838 = arith.addi %mul3A_2, %add3A_837 : i32
    %sub3A_839 = arith.constant 1 : i32
    %sub3A_840 = arith.subi %add3A_838, %sub3A_839 : i32
    %dma_start3A_841 = arith.constant 0 : i32
    %dma_start3A_842 = arith.constant 0 : i32
    %dma_start3A_843 = tpu.memref_slice %arg4[%sub3A_840, %dma_start3A_841, %dma_start3A_842] : memref<1024x20x1024xf32, #tpu.memory_space<hbm>> -> memref<1x20x1024xf32, #tpu.memory_space<hbm>>
    %dma_start3A_844 = tpu.memref_squeeze %dma_start3A_843 : memref<1x20x1024xf32, #tpu.memory_space<hbm>> -> memref<20x1024xf32, #tpu.memory_space<hbm>>
    %dma_start3A_845 = arith.constant 0 : i32
    %dma_start3A_846 = arith.constant 0 : i32
    %dma_start3A_847 = tpu.memref_slice %arg4[%sub3A_840, %dma_start3A_845, %dma_start3A_846] : memref<1024x20x1024xf32, #tpu.memory_space<hbm>> -> memref<1x20x1024xf32, #tpu.memory_space<hbm>>
    %dma_start3A_848 = tpu.memref_squeeze %dma_start3A_847 : memref<1x20x1024xf32, #tpu.memory_space<hbm>> -> memref<20x1024xf32, #tpu.memory_space<hbm>>
    tpu.enqueue_dma source(%arg6 : memref<20x1024xf32, #tpu.memory_space<vmem>>) target(%dma_start3A_848 : memref<20x1024xf32, #tpu.memory_space<hbm>>) target_semaphore(%arg10 : memref<!tpu.dma_semaphore, #tpu.memory_space<semaphore_mem>>)
    %dma_wait3A_849 = arith.constant 0 : i32
    %dma_wait3A_850 = arith.constant 0 : i32
    %dma_wait3A_851 = tpu.memref_slice %arg4[%sub3A_840, %dma_wait3A_849, %dma_wait3A_850] : memref<1024x20x1024xf32, #tpu.memory_space<hbm>> -> memref<1x20x1024xf32, #tpu.memory_space<hbm>>
    %dma_wait3A_852 = tpu.memref_squeeze %dma_wait3A_851 : memref<1x20x1024xf32, #tpu.memory_space<hbm>> -> memref<20x1024xf32, #tpu.memory_space<hbm>>
    %dma_wait3A_853 = arith.constant 0 : i32
    %dma_wait3A_854 = arith.constant 0 : i32
    %dma_wait3A_855 = tpu.memref_slice %arg4[%sub3A_840, %dma_wait3A_853, %dma_wait3A_854] : memref<1024x20x1024xf32, #tpu.memory_space<hbm>> -> memref<1x20x1024xf32, #tpu.memory_space<hbm>>
    %dma_wait3A_856 = tpu.memref_squeeze %dma_wait3A_855 : memref<1x20x1024xf32, #tpu.memory_space<hbm>> -> memref<20x1024xf32, #tpu.memory_space<hbm>>
    tpu.wait_dma2 semaphore(%arg10 : memref<!tpu.dma_semaphore, #tpu.memory_space<semaphore_mem>>) src(%arg6 : memref<20x1024xf32, #tpu.memory_space<vmem>>) dst(%dma_wait3A_856 : memref<20x1024xf32, #tpu.memory_space<hbm>>)
    %dma_start3A_857 = arith.constant 26 : i32
    %dma_start3A_858 = arith.constant 0 : i32
    %dma_start3A_859 = tpu.memref_slice %arg5[%dma_start3A_857, %dma_start3A_858] : memref<32x20xi32, #tpu.memory_space<vmem>> -> memref<1x20xi32, #tpu.memory_space<vmem>>
    %dma_start3A_860 = tpu.memref_squeeze %dma_start3A_859 : memref<1x20xi32, #tpu.memory_space<vmem>> -> memref<20xi32, #tpu.memory_space<vmem>>
    %dma_start3A_861 = arith.constant 0 : i32
    %dma_start3A_862 = arith.constant 0 : i32
    %dma_start3A_863 = tpu.memref_slice %arg3[%dma_start3A_861, %dma_start3A_862] : memref<1000x1024xf32, #tpu.memory_space<hbm>> -> memref<1000x1024xf32, #tpu.memory_space<hbm>>
    tpu.enqueue_indirect_dma source(%dma_start3A_863 : memref<1000x1024xf32, #tpu.memory_space<hbm>>) target(%arg6 : memref<20x1024xf32, #tpu.memory_space<vmem>>) offsets(%dma_start3A_860 : memref<20xi32, #tpu.memory_space<vmem>>) semaphore(%arg8 : memref<!tpu.dma_semaphore, #tpu.memory_space<semaphore_mem>>)
    %dma_wait3A_864 = arith.constant 25 : i32
    %dma_wait3A_865 = arith.constant 0 : i32
    %dma_wait3A_866 = tpu.memref_slice %arg5[%dma_wait3A_864, %dma_wait3A_865] : memref<32x20xi32, #tpu.memory_space<vmem>> -> memref<1x20xi32, #tpu.memory_space<vmem>>
    %dma_wait3A_867 = tpu.memref_squeeze %dma_wait3A_866 : memref<1x20xi32, #tpu.memory_space<vmem>> -> memref<20xi32, #tpu.memory_space<vmem>>
    %dma_wait3A_868 = arith.constant 0 : i32
    %dma_wait3A_869 = arith.constant 0 : i32
    %dma_wait3A_870 = tpu.memref_slice %arg3[%dma_wait3A_868, %dma_wait3A_869] : memref<1000x1024xf32, #tpu.memory_space<hbm>> -> memref<1000x1024xf32, #tpu.memory_space<hbm>>
    tpu.wait_indirect_dma semaphore(%arg9 : memref<!tpu.dma_semaphore, #tpu.memory_space<semaphore_mem>>) src(%dma_wait3A_870 : memref<1000x1024xf32, #tpu.memory_space<hbm>>) dst(%arg7 : memref<20x1024xf32, #tpu.memory_space<vmem>>)
    %add3A_871 = arith.constant 26 : i32
    %add3A_872 = arith.addi %mul3A_2, %add3A_871 : i32
    %sub3A_873 = arith.constant 1 : i32
    %sub3A_874 = arith.subi %add3A_872, %sub3A_873 : i32
    %dma_start3A_875 = arith.constant 0 : i32
    %dma_start3A_876 = arith.constant 0 : i32
    %dma_start3A_877 = tpu.memref_slice %arg4[%sub3A_874, %dma_start3A_875, %dma_start3A_876] : memref<1024x20x1024xf32, #tpu.memory_space<hbm>> -> memref<1x20x1024xf32, #tpu.memory_space<hbm>>
    %dma_start3A_878 = tpu.memref_squeeze %dma_start3A_877 : memref<1x20x1024xf32, #tpu.memory_space<hbm>> -> memref<20x1024xf32, #tpu.memory_space<hbm>>
    %dma_start3A_879 = arith.constant 0 : i32
    %dma_start3A_880 = arith.constant 0 : i32
    %dma_start3A_881 = tpu.memref_slice %arg4[%sub3A_874, %dma_start3A_879, %dma_start3A_880] : memref<1024x20x1024xf32, #tpu.memory_space<hbm>> -> memref<1x20x1024xf32, #tpu.memory_space<hbm>>
    %dma_start3A_882 = tpu.memref_squeeze %dma_start3A_881 : memref<1x20x1024xf32, #tpu.memory_space<hbm>> -> memref<20x1024xf32, #tpu.memory_space<hbm>>
    tpu.enqueue_dma source(%arg7 : memref<20x1024xf32, #tpu.memory_space<vmem>>) target(%dma_start3A_882 : memref<20x1024xf32, #tpu.memory_space<hbm>>) target_semaphore(%arg11 : memref<!tpu.dma_semaphore, #tpu.memory_space<semaphore_mem>>)
    %dma_wait3A_883 = arith.constant 0 : i32
    %dma_wait3A_884 = arith.constant 0 : i32
    %dma_wait3A_885 = tpu.memref_slice %arg4[%sub3A_874, %dma_wait3A_883, %dma_wait3A_884] : memref<1024x20x1024xf32, #tpu.memory_space<hbm>> -> memref<1x20x1024xf32, #tpu.memory_space<hbm>>
    %dma_wait3A_886 = tpu.memref_squeeze %dma_wait3A_885 : memref<1x20x1024xf32, #tpu.memory_space<hbm>> -> memref<20x1024xf32, #tpu.memory_space<hbm>>
    %dma_wait3A_887 = arith.constant 0 : i32
    %dma_wait3A_888 = arith.constant 0 : i32
    %dma_wait3A_889 = tpu.memref_slice %arg4[%sub3A_874, %dma_wait3A_887, %dma_wait3A_888] : memref<1024x20x1024xf32, #tpu.memory_space<hbm>> -> memref<1x20x1024xf32, #tpu.memory_space<hbm>>
    %dma_wait3A_890 = tpu.memref_squeeze %dma_wait3A_889 : memref<1x20x1024xf32, #tpu.memory_space<hbm>> -> memref<20x1024xf32, #tpu.memory_space<hbm>>
    tpu.wait_dma2 semaphore(%arg11 : memref<!tpu.dma_semaphore, #tpu.memory_space<semaphore_mem>>) src(%arg7 : memref<20x1024xf32, #tpu.memory_space<vmem>>) dst(%dma_wait3A_890 : memref<20x1024xf32, #tpu.memory_space<hbm>>)
    %dma_start3A_891 = arith.constant 27 : i32
    %dma_start3A_892 = arith.constant 0 : i32
    %dma_start3A_893 = tpu.memref_slice %arg5[%dma_start3A_891, %dma_start3A_892] : memref<32x20xi32, #tpu.memory_space<vmem>> -> memref<1x20xi32, #tpu.memory_space<vmem>>
    %dma_start3A_894 = tpu.memref_squeeze %dma_start3A_893 : memref<1x20xi32, #tpu.memory_space<vmem>> -> memref<20xi32, #tpu.memory_space<vmem>>
    %dma_start3A_895 = arith.constant 0 : i32
    %dma_start3A_896 = arith.constant 0 : i32
    %dma_start3A_897 = tpu.memref_slice %arg3[%dma_start3A_895, %dma_start3A_896] : memref<1000x1024xf32, #tpu.memory_space<hbm>> -> memref<1000x1024xf32, #tpu.memory_space<hbm>>
    tpu.enqueue_indirect_dma source(%dma_start3A_897 : memref<1000x1024xf32, #tpu.memory_space<hbm>>) target(%arg7 : memref<20x1024xf32, #tpu.memory_space<vmem>>) offsets(%dma_start3A_894 : memref<20xi32, #tpu.memory_space<vmem>>) semaphore(%arg9 : memref<!tpu.dma_semaphore, #tpu.memory_space<semaphore_mem>>)
    %dma_wait3A_898 = arith.constant 26 : i32
    %dma_wait3A_899 = arith.constant 0 : i32
    %dma_wait3A_900 = tpu.memref_slice %arg5[%dma_wait3A_898, %dma_wait3A_899] : memref<32x20xi32, #tpu.memory_space<vmem>> -> memref<1x20xi32, #tpu.memory_space<vmem>>
    %dma_wait3A_901 = tpu.memref_squeeze %dma_wait3A_900 : memref<1x20xi32, #tpu.memory_space<vmem>> -> memref<20xi32, #tpu.memory_space<vmem>>
    %dma_wait3A_902 = arith.constant 0 : i32
    %dma_wait3A_903 = arith.constant 0 : i32
    %dma_wait3A_904 = tpu.memref_slice %arg3[%dma_wait3A_902, %dma_wait3A_903] : memref<1000x1024xf32, #tpu.memory_space<hbm>> -> memref<1000x1024xf32, #tpu.memory_space<hbm>>
    tpu.wait_indirect_dma semaphore(%arg8 : memref<!tpu.dma_semaphore, #tpu.memory_space<semaphore_mem>>) src(%dma_wait3A_904 : memref<1000x1024xf32, #tpu.memory_space<hbm>>) dst(%arg6 : memref<20x1024xf32, #tpu.memory_space<vmem>>)
    %add3A_905 = arith.constant 27 : i32
    %add3A_906 = arith.addi %mul3A_2, %add3A_905 : i32
    %sub3A_907 = arith.constant 1 : i32
    %sub3A_908 = arith.subi %add3A_906, %sub3A_907 : i32
    %dma_start3A_909 = arith.constant 0 : i32
    %dma_start3A_910 = arith.constant 0 : i32
    %dma_start3A_911 = tpu.memref_slice %arg4[%sub3A_908, %dma_start3A_909, %dma_start3A_910] : memref<1024x20x1024xf32, #tpu.memory_space<hbm>> -> memref<1x20x1024xf32, #tpu.memory_space<hbm>>
    %dma_start3A_912 = tpu.memref_squeeze %dma_start3A_911 : memref<1x20x1024xf32, #tpu.memory_space<hbm>> -> memref<20x1024xf32, #tpu.memory_space<hbm>>
    %dma_start3A_913 = arith.constant 0 : i32
    %dma_start3A_914 = arith.constant 0 : i32
    %dma_start3A_915 = tpu.memref_slice %arg4[%sub3A_908, %dma_start3A_913, %dma_start3A_914] : memref<1024x20x1024xf32, #tpu.memory_space<hbm>> -> memref<1x20x1024xf32, #tpu.memory_space<hbm>>
    %dma_start3A_916 = tpu.memref_squeeze %dma_start3A_915 : memref<1x20x1024xf32, #tpu.memory_space<hbm>> -> memref<20x1024xf32, #tpu.memory_space<hbm>>
    tpu.enqueue_dma source(%arg6 : memref<20x1024xf32, #tpu.memory_space<vmem>>) target(%dma_start3A_916 : memref<20x1024xf32, #tpu.memory_space<hbm>>) target_semaphore(%arg10 : memref<!tpu.dma_semaphore, #tpu.memory_space<semaphore_mem>>)
    %dma_wait3A_917 = arith.constant 0 : i32
    %dma_wait3A_918 = arith.constant 0 : i32
    %dma_wait3A_919 = tpu.memref_slice %arg4[%sub3A_908, %dma_wait3A_917, %dma_wait3A_918] : memref<1024x20x1024xf32, #tpu.memory_space<hbm>> -> memref<1x20x1024xf32, #tpu.memory_space<hbm>>
    %dma_wait3A_920 = tpu.memref_squeeze %dma_wait3A_919 : memref<1x20x1024xf32, #tpu.memory_space<hbm>> -> memref<20x1024xf32, #tpu.memory_space<hbm>>
    %dma_wait3A_921 = arith.constant 0 : i32
    %dma_wait3A_922 = arith.constant 0 : i32
    %dma_wait3A_923 = tpu.memref_slice %arg4[%sub3A_908, %dma_wait3A_921, %dma_wait3A_922] : memref<1024x20x1024xf32, #tpu.memory_space<hbm>> -> memref<1x20x1024xf32, #tpu.memory_space<hbm>>
    %dma_wait3A_924 = tpu.memref_squeeze %dma_wait3A_923 : memref<1x20x1024xf32, #tpu.memory_space<hbm>> -> memref<20x1024xf32, #tpu.memory_space<hbm>>
    tpu.wait_dma2 semaphore(%arg10 : memref<!tpu.dma_semaphore, #tpu.memory_space<semaphore_mem>>) src(%arg6 : memref<20x1024xf32, #tpu.memory_space<vmem>>) dst(%dma_wait3A_924 : memref<20x1024xf32, #tpu.memory_space<hbm>>)
    %dma_start3A_925 = arith.constant 28 : i32
    %dma_start3A_926 = arith.constant 0 : i32
    %dma_start3A_927 = tpu.memref_slice %arg5[%dma_start3A_925, %dma_start3A_926] : memref<32x20xi32, #tpu.memory_space<vmem>> -> memref<1x20xi32, #tpu.memory_space<vmem>>
    %dma_start3A_928 = tpu.memref_squeeze %dma_start3A_927 : memref<1x20xi32, #tpu.memory_space<vmem>> -> memref<20xi32, #tpu.memory_space<vmem>>
    %dma_start3A_929 = arith.constant 0 : i32
    %dma_start3A_930 = arith.constant 0 : i32
    %dma_start3A_931 = tpu.memref_slice %arg3[%dma_start3A_929, %dma_start3A_930] : memref<1000x1024xf32, #tpu.memory_space<hbm>> -> memref<1000x1024xf32, #tpu.memory_space<hbm>>
    tpu.enqueue_indirect_dma source(%dma_start3A_931 : memref<1000x1024xf32, #tpu.memory_space<hbm>>) target(%arg6 : memref<20x1024xf32, #tpu.memory_space<vmem>>) offsets(%dma_start3A_928 : memref<20xi32, #tpu.memory_space<vmem>>) semaphore(%arg8 : memref<!tpu.dma_semaphore, #tpu.memory_space<semaphore_mem>>)
    %dma_wait3A_932 = arith.constant 27 : i32
    %dma_wait3A_933 = arith.constant 0 : i32
    %dma_wait3A_934 = tpu.memref_slice %arg5[%dma_wait3A_932, %dma_wait3A_933] : memref<32x20xi32, #tpu.memory_space<vmem>> -> memref<1x20xi32, #tpu.memory_space<vmem>>
    %dma_wait3A_935 = tpu.memref_squeeze %dma_wait3A_934 : memref<1x20xi32, #tpu.memory_space<vmem>> -> memref<20xi32, #tpu.memory_space<vmem>>
    %dma_wait3A_936 = arith.constant 0 : i32
    %dma_wait3A_937 = arith.constant 0 : i32
    %dma_wait3A_938 = tpu.memref_slice %arg3[%dma_wait3A_936, %dma_wait3A_937] : memref<1000x1024xf32, #tpu.memory_space<hbm>> -> memref<1000x1024xf32, #tpu.memory_space<hbm>>
    tpu.wait_indirect_dma semaphore(%arg9 : memref<!tpu.dma_semaphore, #tpu.memory_space<semaphore_mem>>) src(%dma_wait3A_938 : memref<1000x1024xf32, #tpu.memory_space<hbm>>) dst(%arg7 : memref<20x1024xf32, #tpu.memory_space<vmem>>)
    %add3A_939 = arith.constant 28 : i32
    %add3A_940 = arith.addi %mul3A_2, %add3A_939 : i32
    %sub3A_941 = arith.constant 1 : i32
    %sub3A_942 = arith.subi %add3A_940, %sub3A_941 : i32
    %dma_start3A_943 = arith.constant 0 : i32
    %dma_start3A_944 = arith.constant 0 : i32
    %dma_start3A_945 = tpu.memref_slice %arg4[%sub3A_942, %dma_start3A_943, %dma_start3A_944] : memref<1024x20x1024xf32, #tpu.memory_space<hbm>> -> memref<1x20x1024xf32, #tpu.memory_space<hbm>>
    %dma_start3A_946 = tpu.memref_squeeze %dma_start3A_945 : memref<1x20x1024xf32, #tpu.memory_space<hbm>> -> memref<20x1024xf32, #tpu.memory_space<hbm>>
    %dma_start3A_947 = arith.constant 0 : i32
    %dma_start3A_948 = arith.constant 0 : i32
    %dma_start3A_949 = tpu.memref_slice %arg4[%sub3A_942, %dma_start3A_947, %dma_start3A_948] : memref<1024x20x1024xf32, #tpu.memory_space<hbm>> -> memref<1x20x1024xf32, #tpu.memory_space<hbm>>
    %dma_start3A_950 = tpu.memref_squeeze %dma_start3A_949 : memref<1x20x1024xf32, #tpu.memory_space<hbm>> -> memref<20x1024xf32, #tpu.memory_space<hbm>>
    tpu.enqueue_dma source(%arg7 : memref<20x1024xf32, #tpu.memory_space<vmem>>) target(%dma_start3A_950 : memref<20x1024xf32, #tpu.memory_space<hbm>>) target_semaphore(%arg11 : memref<!tpu.dma_semaphore, #tpu.memory_space<semaphore_mem>>)
    %dma_wait3A_951 = arith.constant 0 : i32
    %dma_wait3A_952 = arith.constant 0 : i32
    %dma_wait3A_953 = tpu.memref_slice %arg4[%sub3A_942, %dma_wait3A_951, %dma_wait3A_952] : memref<1024x20x1024xf32, #tpu.memory_space<hbm>> -> memref<1x20x1024xf32, #tpu.memory_space<hbm>>
    %dma_wait3A_954 = tpu.memref_squeeze %dma_wait3A_953 : memref<1x20x1024xf32, #tpu.memory_space<hbm>> -> memref<20x1024xf32, #tpu.memory_space<hbm>>
    %dma_wait3A_955 = arith.constant 0 : i32
    %dma_wait3A_956 = arith.constant 0 : i32
    %dma_wait3A_957 = tpu.memref_slice %arg4[%sub3A_942, %dma_wait3A_955, %dma_wait3A_956] : memref<1024x20x1024xf32, #tpu.memory_space<hbm>> -> memref<1x20x1024xf32, #tpu.memory_space<hbm>>
    %dma_wait3A_958 = tpu.memref_squeeze %dma_wait3A_957 : memref<1x20x1024xf32, #tpu.memory_space<hbm>> -> memref<20x1024xf32, #tpu.memory_space<hbm>>
    tpu.wait_dma2 semaphore(%arg11 : memref<!tpu.dma_semaphore, #tpu.memory_space<semaphore_mem>>) src(%arg7 : memref<20x1024xf32, #tpu.memory_space<vmem>>) dst(%dma_wait3A_958 : memref<20x1024xf32, #tpu.memory_space<hbm>>)
    %dma_start3A_959 = arith.constant 29 : i32
    %dma_start3A_960 = arith.constant 0 : i32
    %dma_start3A_961 = tpu.memref_slice %arg5[%dma_start3A_959, %dma_start3A_960] : memref<32x20xi32, #tpu.memory_space<vmem>> -> memref<1x20xi32, #tpu.memory_space<vmem>>
    %dma_start3A_962 = tpu.memref_squeeze %dma_start3A_961 : memref<1x20xi32, #tpu.memory_space<vmem>> -> memref<20xi32, #tpu.memory_space<vmem>>
    %dma_start3A_963 = arith.constant 0 : i32
    %dma_start3A_964 = arith.constant 0 : i32
    %dma_start3A_965 = tpu.memref_slice %arg3[%dma_start3A_963, %dma_start3A_964] : memref<1000x1024xf32, #tpu.memory_space<hbm>> -> memref<1000x1024xf32, #tpu.memory_space<hbm>>
    tpu.enqueue_indirect_dma source(%dma_start3A_965 : memref<1000x1024xf32, #tpu.memory_space<hbm>>) target(%arg7 : memref<20x1024xf32, #tpu.memory_space<vmem>>) offsets(%dma_start3A_962 : memref<20xi32, #tpu.memory_space<vmem>>) semaphore(%arg9 : memref<!tpu.dma_semaphore, #tpu.memory_space<semaphore_mem>>)
    %dma_wait3A_966 = arith.constant 28 : i32
    %dma_wait3A_967 = arith.constant 0 : i32
    %dma_wait3A_968 = tpu.memref_slice %arg5[%dma_wait3A_966, %dma_wait3A_967] : memref<32x20xi32, #tpu.memory_space<vmem>> -> memref<1x20xi32, #tpu.memory_space<vmem>>
    %dma_wait3A_969 = tpu.memref_squeeze %dma_wait3A_968 : memref<1x20xi32, #tpu.memory_space<vmem>> -> memref<20xi32, #tpu.memory_space<vmem>>
    %dma_wait3A_970 = arith.constant 0 : i32
    %dma_wait3A_971 = arith.constant 0 : i32
    %dma_wait3A_972 = tpu.memref_slice %arg3[%dma_wait3A_970, %dma_wait3A_971] : memref<1000x1024xf32, #tpu.memory_space<hbm>> -> memref<1000x1024xf32, #tpu.memory_space<hbm>>
    tpu.wait_indirect_dma semaphore(%arg8 : memref<!tpu.dma_semaphore, #tpu.memory_space<semaphore_mem>>) src(%dma_wait3A_972 : memref<1000x1024xf32, #tpu.memory_space<hbm>>) dst(%arg6 : memref<20x1024xf32, #tpu.memory_space<vmem>>)
    %add3A_973 = arith.constant 29 : i32
    %add3A_974 = arith.addi %mul3A_2, %add3A_973 : i32
    %sub3A_975 = arith.constant 1 : i32
    %sub3A_976 = arith.subi %add3A_974, %sub3A_975 : i32
    %dma_start3A_977 = arith.constant 0 : i32
    %dma_start3A_978 = arith.constant 0 : i32
    %dma_start3A_979 = tpu.memref_slice %arg4[%sub3A_976, %dma_start3A_977, %dma_start3A_978] : memref<1024x20x1024xf32, #tpu.memory_space<hbm>> -> memref<1x20x1024xf32, #tpu.memory_space<hbm>>
    %dma_start3A_980 = tpu.memref_squeeze %dma_start3A_979 : memref<1x20x1024xf32, #tpu.memory_space<hbm>> -> memref<20x1024xf32, #tpu.memory_space<hbm>>
    %dma_start3A_981 = arith.constant 0 : i32
    %dma_start3A_982 = arith.constant 0 : i32
    %dma_start3A_983 = tpu.memref_slice %arg4[%sub3A_976, %dma_start3A_981, %dma_start3A_982] : memref<1024x20x1024xf32, #tpu.memory_space<hbm>> -> memref<1x20x1024xf32, #tpu.memory_space<hbm>>
    %dma_start3A_984 = tpu.memref_squeeze %dma_start3A_983 : memref<1x20x1024xf32, #tpu.memory_space<hbm>> -> memref<20x1024xf32, #tpu.memory_space<hbm>>
    tpu.enqueue_dma source(%arg6 : memref<20x1024xf32, #tpu.memory_space<vmem>>) target(%dma_start3A_984 : memref<20x1024xf32, #tpu.memory_space<hbm>>) target_semaphore(%arg10 : memref<!tpu.dma_semaphore, #tpu.memory_space<semaphore_mem>>)
    %dma_wait3A_985 = arith.constant 0 : i32
    %dma_wait3A_986 = arith.constant 0 : i32
    %dma_wait3A_987 = tpu.memref_slice %arg4[%sub3A_976, %dma_wait3A_985, %dma_wait3A_986] : memref<1024x20x1024xf32, #tpu.memory_space<hbm>> -> memref<1x20x1024xf32, #tpu.memory_space<hbm>>
    %dma_wait3A_988 = tpu.memref_squeeze %dma_wait3A_987 : memref<1x20x1024xf32, #tpu.memory_space<hbm>> -> memref<20x1024xf32, #tpu.memory_space<hbm>>
    %dma_wait3A_989 = arith.constant 0 : i32
    %dma_wait3A_990 = arith.constant 0 : i32
    %dma_wait3A_991 = tpu.memref_slice %arg4[%sub3A_976, %dma_wait3A_989, %dma_wait3A_990] : memref<1024x20x1024xf32, #tpu.memory_space<hbm>> -> memref<1x20x1024xf32, #tpu.memory_space<hbm>>
    %dma_wait3A_992 = tpu.memref_squeeze %dma_wait3A_991 : memref<1x20x1024xf32, #tpu.memory_space<hbm>> -> memref<20x1024xf32, #tpu.memory_space<hbm>>
    tpu.wait_dma2 semaphore(%arg10 : memref<!tpu.dma_semaphore, #tpu.memory_space<semaphore_mem>>) src(%arg6 : memref<20x1024xf32, #tpu.memory_space<vmem>>) dst(%dma_wait3A_992 : memref<20x1024xf32, #tpu.memory_space<hbm>>)
    %dma_start3A_993 = arith.constant 30 : i32
    %dma_start3A_994 = arith.constant 0 : i32
    %dma_start3A_995 = tpu.memref_slice %arg5[%dma_start3A_993, %dma_start3A_994] : memref<32x20xi32, #tpu.memory_space<vmem>> -> memref<1x20xi32, #tpu.memory_space<vmem>>
    %dma_start3A_996 = tpu.memref_squeeze %dma_start3A_995 : memref<1x20xi32, #tpu.memory_space<vmem>> -> memref<20xi32, #tpu.memory_space<vmem>>
    %dma_start3A_997 = arith.constant 0 : i32
    %dma_start3A_998 = arith.constant 0 : i32
    %dma_start3A_999 = tpu.memref_slice %arg3[%dma_start3A_997, %dma_start3A_998] : memref<1000x1024xf32, #tpu.memory_space<hbm>> -> memref<1000x1024xf32, #tpu.memory_space<hbm>>
    tpu.enqueue_indirect_dma source(%dma_start3A_999 : memref<1000x1024xf32, #tpu.memory_space<hbm>>) target(%arg6 : memref<20x1024xf32, #tpu.memory_space<vmem>>) offsets(%dma_start3A_996 : memref<20xi32, #tpu.memory_space<vmem>>) semaphore(%arg8 : memref<!tpu.dma_semaphore, #tpu.memory_space<semaphore_mem>>)
    %dma_wait3A_1000 = arith.constant 29 : i32
    %dma_wait3A_1001 = arith.constant 0 : i32
    %dma_wait3A_1002 = tpu.memref_slice %arg5[%dma_wait3A_1000, %dma_wait3A_1001] : memref<32x20xi32, #tpu.memory_space<vmem>> -> memref<1x20xi32, #tpu.memory_space<vmem>>
    %dma_wait3A_1003 = tpu.memref_squeeze %dma_wait3A_1002 : memref<1x20xi32, #tpu.memory_space<vmem>> -> memref<20xi32, #tpu.memory_space<vmem>>
    %dma_wait3A_1004 = arith.constant 0 : i32
    %dma_wait3A_1005 = arith.constant 0 : i32
    %dma_wait3A_1006 = tpu.memref_slice %arg3[%dma_wait3A_1004, %dma_wait3A_1005] : memref<1000x1024xf32, #tpu.memory_space<hbm>> -> memref<1000x1024xf32, #tpu.memory_space<hbm>>
    tpu.wait_indirect_dma semaphore(%arg9 : memref<!tpu.dma_semaphore, #tpu.memory_space<semaphore_mem>>) src(%dma_wait3A_1006 : memref<1000x1024xf32, #tpu.memory_space<hbm>>) dst(%arg7 : memref<20x1024xf32, #tpu.memory_space<vmem>>)
    %add3A_1007 = arith.constant 30 : i32
    %add3A_1008 = arith.addi %mul3A_2, %add3A_1007 : i32
    %sub3A_1009 = arith.constant 1 : i32
    %sub3A_1010 = arith.subi %add3A_1008, %sub3A_1009 : i32
    %dma_start3A_1011 = arith.constant 0 : i32
    %dma_start3A_1012 = arith.constant 0 : i32
    %dma_start3A_1013 = tpu.memref_slice %arg4[%sub3A_1010, %dma_start3A_1011, %dma_start3A_1012] : memref<1024x20x1024xf32, #tpu.memory_space<hbm>> -> memref<1x20x1024xf32, #tpu.memory_space<hbm>>
    %dma_start3A_1014 = tpu.memref_squeeze %dma_start3A_1013 : memref<1x20x1024xf32, #tpu.memory_space<hbm>> -> memref<20x1024xf32, #tpu.memory_space<hbm>>
    %dma_start3A_1015 = arith.constant 0 : i32
    %dma_start3A_1016 = arith.constant 0 : i32
    %dma_start3A_1017 = tpu.memref_slice %arg4[%sub3A_1010, %dma_start3A_1015, %dma_start3A_1016] : memref<1024x20x1024xf32, #tpu.memory_space<hbm>> -> memref<1x20x1024xf32, #tpu.memory_space<hbm>>
    %dma_start3A_1018 = tpu.memref_squeeze %dma_start3A_1017 : memref<1x20x1024xf32, #tpu.memory_space<hbm>> -> memref<20x1024xf32, #tpu.memory_space<hbm>>
    tpu.enqueue_dma source(%arg7 : memref<20x1024xf32, #tpu.memory_space<vmem>>) target(%dma_start3A_1018 : memref<20x1024xf32, #tpu.memory_space<hbm>>) target_semaphore(%arg11 : memref<!tpu.dma_semaphore, #tpu.memory_space<semaphore_mem>>)
    %dma_wait3A_1019 = arith.constant 0 : i32
    %dma_wait3A_1020 = arith.constant 0 : i32
    %dma_wait3A_1021 = tpu.memref_slice %arg4[%sub3A_1010, %dma_wait3A_1019, %dma_wait3A_1020] : memref<1024x20x1024xf32, #tpu.memory_space<hbm>> -> memref<1x20x1024xf32, #tpu.memory_space<hbm>>
    %dma_wait3A_1022 = tpu.memref_squeeze %dma_wait3A_1021 : memref<1x20x1024xf32, #tpu.memory_space<hbm>> -> memref<20x1024xf32, #tpu.memory_space<hbm>>
    %dma_wait3A_1023 = arith.constant 0 : i32
    %dma_wait3A_1024 = arith.constant 0 : i32
    %dma_wait3A_1025 = tpu.memref_slice %arg4[%sub3A_1010, %dma_wait3A_1023, %dma_wait3A_1024] : memref<1024x20x1024xf32, #tpu.memory_space<hbm>> -> memref<1x20x1024xf32, #tpu.memory_space<hbm>>
    %dma_wait3A_1026 = tpu.memref_squeeze %dma_wait3A_1025 : memref<1x20x1024xf32, #tpu.memory_space<hbm>> -> memref<20x1024xf32, #tpu.memory_space<hbm>>
    tpu.wait_dma2 semaphore(%arg11 : memref<!tpu.dma_semaphore, #tpu.memory_space<semaphore_mem>>) src(%arg7 : memref<20x1024xf32, #tpu.memory_space<vmem>>) dst(%dma_wait3A_1026 : memref<20x1024xf32, #tpu.memory_space<hbm>>)
    %dma_start3A_1027 = arith.constant 31 : i32
    %dma_start3A_1028 = arith.constant 0 : i32
    %dma_start3A_1029 = tpu.memref_slice %arg5[%dma_start3A_1027, %dma_start3A_1028] : memref<32x20xi32, #tpu.memory_space<vmem>> -> memref<1x20xi32, #tpu.memory_space<vmem>>
    %dma_start3A_1030 = tpu.memref_squeeze %dma_start3A_1029 : memref<1x20xi32, #tpu.memory_space<vmem>> -> memref<20xi32, #tpu.memory_space<vmem>>
    %dma_start3A_1031 = arith.constant 0 : i32
    %dma_start3A_1032 = arith.constant 0 : i32
    %dma_start3A_1033 = tpu.memref_slice %arg3[%dma_start3A_1031, %dma_start3A_1032] : memref<1000x1024xf32, #tpu.memory_space<hbm>> -> memref<1000x1024xf32, #tpu.memory_space<hbm>>
    tpu.enqueue_indirect_dma source(%dma_start3A_1033 : memref<1000x1024xf32, #tpu.memory_space<hbm>>) target(%arg7 : memref<20x1024xf32, #tpu.memory_space<vmem>>) offsets(%dma_start3A_1030 : memref<20xi32, #tpu.memory_space<vmem>>) semaphore(%arg9 : memref<!tpu.dma_semaphore, #tpu.memory_space<semaphore_mem>>)
    %dma_wait3A_1034 = arith.constant 30 : i32
    %dma_wait3A_1035 = arith.constant 0 : i32
    %dma_wait3A_1036 = tpu.memref_slice %arg5[%dma_wait3A_1034, %dma_wait3A_1035] : memref<32x20xi32, #tpu.memory_space<vmem>> -> memref<1x20xi32, #tpu.memory_space<vmem>>
    %dma_wait3A_1037 = tpu.memref_squeeze %dma_wait3A_1036 : memref<1x20xi32, #tpu.memory_space<vmem>> -> memref<20xi32, #tpu.memory_space<vmem>>
    %dma_wait3A_1038 = arith.constant 0 : i32
    %dma_wait3A_1039 = arith.constant 0 : i32
    %dma_wait3A_1040 = tpu.memref_slice %arg3[%dma_wait3A_1038, %dma_wait3A_1039] : memref<1000x1024xf32, #tpu.memory_space<hbm>> -> memref<1000x1024xf32, #tpu.memory_space<hbm>>
    tpu.wait_indirect_dma semaphore(%arg8 : memref<!tpu.dma_semaphore, #tpu.memory_space<semaphore_mem>>) src(%dma_wait3A_1040 : memref<1000x1024xf32, #tpu.memory_space<hbm>>) dst(%arg6 : memref<20x1024xf32, #tpu.memory_space<vmem>>)
    %add3A_1041 = arith.constant 31 : i32
    %add3A_1042 = arith.addi %mul3A_2, %add3A_1041 : i32
    %sub3A_1043 = arith.constant 1 : i32
    %sub3A_1044 = arith.subi %add3A_1042, %sub3A_1043 : i32
    %dma_start3A_1045 = arith.constant 0 : i32
    %dma_start3A_1046 = arith.constant 0 : i32
    %dma_start3A_1047 = tpu.memref_slice %arg4[%sub3A_1044, %dma_start3A_1045, %dma_start3A_1046] : memref<1024x20x1024xf32, #tpu.memory_space<hbm>> -> memref<1x20x1024xf32, #tpu.memory_space<hbm>>
    %dma_start3A_1048 = tpu.memref_squeeze %dma_start3A_1047 : memref<1x20x1024xf32, #tpu.memory_space<hbm>> -> memref<20x1024xf32, #tpu.memory_space<hbm>>
    %dma_start3A_1049 = arith.constant 0 : i32
    %dma_start3A_1050 = arith.constant 0 : i32
    %dma_start3A_1051 = tpu.memref_slice %arg4[%sub3A_1044, %dma_start3A_1049, %dma_start3A_1050] : memref<1024x20x1024xf32, #tpu.memory_space<hbm>> -> memref<1x20x1024xf32, #tpu.memory_space<hbm>>
    %dma_start3A_1052 = tpu.memref_squeeze %dma_start3A_1051 : memref<1x20x1024xf32, #tpu.memory_space<hbm>> -> memref<20x1024xf32, #tpu.memory_space<hbm>>
    tpu.enqueue_dma source(%arg6 : memref<20x1024xf32, #tpu.memory_space<vmem>>) target(%dma_start3A_1052 : memref<20x1024xf32, #tpu.memory_space<hbm>>) target_semaphore(%arg10 : memref<!tpu.dma_semaphore, #tpu.memory_space<semaphore_mem>>)
    %dma_wait3A_1053 = arith.constant 31 : i32
    %dma_wait3A_1054 = arith.constant 0 : i32
    %dma_wait3A_1055 = tpu.memref_slice %arg5[%dma_wait3A_1053, %dma_wait3A_1054] : memref<32x20xi32, #tpu.memory_space<vmem>> -> memref<1x20xi32, #tpu.memory_space<vmem>>
    %dma_wait3A_1056 = tpu.memref_squeeze %dma_wait3A_1055 : memref<1x20xi32, #tpu.memory_space<vmem>> -> memref<20xi32, #tpu.memory_space<vmem>>
    %dma_wait3A_1057 = arith.constant 0 : i32
    %dma_wait3A_1058 = arith.constant 0 : i32
    %dma_wait3A_1059 = tpu.memref_slice %arg3[%dma_wait3A_1057, %dma_wait3A_1058] : memref<1000x1024xf32, #tpu.memory_space<hbm>> -> memref<1000x1024xf32, #tpu.memory_space<hbm>>
    tpu.wait_indirect_dma semaphore(%arg9 : memref<!tpu.dma_semaphore, #tpu.memory_space<semaphore_mem>>) src(%dma_wait3A_1059 : memref<1000x1024xf32, #tpu.memory_space<hbm>>) dst(%arg7 : memref<20x1024xf32, #tpu.memory_space<vmem>>)
    %add3A_1060 = arith.constant 32 : i32
    %add3A_1061 = arith.addi %mul3A_2, %add3A_1060 : i32
    %sub3A_1062 = arith.constant 1 : i32
    %sub3A_1063 = arith.subi %add3A_1061, %sub3A_1062 : i32
    %dma_start3A_1064 = arith.constant 0 : i32
    %dma_start3A_1065 = arith.constant 0 : i32
    %dma_start3A_1066 = tpu.memref_slice %arg4[%sub3A_1063, %dma_start3A_1064, %dma_start3A_1065] : memref<1024x20x1024xf32, #tpu.memory_space<hbm>> -> memref<1x20x1024xf32, #tpu.memory_space<hbm>>
    %dma_start3A_1067 = tpu.memref_squeeze %dma_start3A_1066 : memref<1x20x1024xf32, #tpu.memory_space<hbm>> -> memref<20x1024xf32, #tpu.memory_space<hbm>>
    %dma_start3A_1068 = arith.constant 0 : i32
    %dma_start3A_1069 = arith.constant 0 : i32
    %dma_start3A_1070 = tpu.memref_slice %arg4[%sub3A_1063, %dma_start3A_1068, %dma_start3A_1069] : memref<1024x20x1024xf32, #tpu.memory_space<hbm>> -> memref<1x20x1024xf32, #tpu.memory_space<hbm>>
    %dma_start3A_1071 = tpu.memref_squeeze %dma_start3A_1070 : memref<1x20x1024xf32, #tpu.memory_space<hbm>> -> memref<20x1024xf32, #tpu.memory_space<hbm>>
    tpu.enqueue_dma source(%arg7 : memref<20x1024xf32, #tpu.memory_space<vmem>>) target(%dma_start3A_1071 : memref<20x1024xf32, #tpu.memory_space<hbm>>) target_semaphore(%arg11 : memref<!tpu.dma_semaphore, #tpu.memory_space<semaphore_mem>>)
    %dma_wait3A_1072 = arith.constant 0 : i32
    %dma_wait3A_1073 = arith.constant 0 : i32
    %dma_wait3A_1074 = tpu.memref_slice %arg4[%sub3A_1044, %dma_wait3A_1072, %dma_wait3A_1073] : memref<1024x20x1024xf32, #tpu.memory_space<hbm>> -> memref<1x20x1024xf32, #tpu.memory_space<hbm>>
    %dma_wait3A_1075 = tpu.memref_squeeze %dma_wait3A_1074 : memref<1x20x1024xf32, #tpu.memory_space<hbm>> -> memref<20x1024xf32, #tpu.memory_space<hbm>>
    %dma_wait3A_1076 = arith.constant 0 : i32
    %dma_wait3A_1077 = arith.constant 0 : i32
    %dma_wait3A_1078 = tpu.memref_slice %arg4[%sub3A_1044, %dma_wait3A_1076, %dma_wait3A_1077] : memref<1024x20x1024xf32, #tpu.memory_space<hbm>> -> memref<1x20x1024xf32, #tpu.memory_space<hbm>>
    %dma_wait3A_1079 = tpu.memref_squeeze %dma_wait3A_1078 : memref<1x20x1024xf32, #tpu.memory_space<hbm>> -> memref<20x1024xf32, #tpu.memory_space<hbm>>
    tpu.wait_dma2 semaphore(%arg10 : memref<!tpu.dma_semaphore, #tpu.memory_space<semaphore_mem>>) src(%arg6 : memref<20x1024xf32, #tpu.memory_space<vmem>>) dst(%dma_wait3A_1079 : memref<20x1024xf32, #tpu.memory_space<hbm>>)
    %dma_wait3A_1080 = arith.constant 0 : i32
    %dma_wait3A_1081 = arith.constant 0 : i32
    %dma_wait3A_1082 = tpu.memref_slice %arg4[%sub3A_1063, %dma_wait3A_1080, %dma_wait3A_1081] : memref<1024x20x1024xf32, #tpu.memory_space<hbm>> -> memref<1x20x1024xf32, #tpu.memory_space<hbm>>
    %dma_wait3A_1083 = tpu.memref_squeeze %dma_wait3A_1082 : memref<1x20x1024xf32, #tpu.memory_space<hbm>> -> memref<20x1024xf32, #tpu.memory_space<hbm>>
    %dma_wait3A_1084 = arith.constant 0 : i32
    %dma_wait3A_1085 = arith.constant 0 : i32
    %dma_wait3A_1086 = tpu.memref_slice %arg4[%sub3A_1063, %dma_wait3A_1084, %dma_wait3A_1085] : memref<1024x20x1024xf32, #tpu.memory_space<hbm>> -> memref<1x20x1024xf32, #tpu.memory_space<hbm>>
    %dma_wait3A_1087 = tpu.memref_squeeze %dma_wait3A_1086 : memref<1x20x1024xf32, #tpu.memory_space<hbm>> -> memref<20x1024xf32, #tpu.memory_space<hbm>>
    tpu.wait_dma2 semaphore(%arg11 : memref<!tpu.dma_semaphore, #tpu.memory_space<semaphore_mem>>) src(%arg7 : memref<20x1024xf32, #tpu.memory_space<vmem>>) dst(%dma_wait3A_1087 : memref<20x1024xf32, #tpu.memory_space<hbm>>)
    return
  }
}

</mosaic_0001>

<sc_bundles>
// kernel: kernel.3.cloned.1.call-start
scs
__scs_entry_jumppad:
0x0: {  	(pc) =	sbr.rel $0x88, $3  }
0x1: {  	(tag) =	ssettag $0x0;
	lr =	simm.s32 $0x1  }
0x2: {  	[smem:$0x3F9F] =	sst lr;
	_ =	strace $0xD0000000  }
0x3: {  	_ = 	snop  }
0x4: {  	_ = 	snop  }
0x5: {  	_ = 	snop  }
0x6: {  	_ = 	snop  }
0x7: {  	_ = 	snop  }
__scs_overlays_trampoline_lowered:
0x8: {  	[smem:$0x3FAE] =	sst s0  }
0x9: {  	[smem:$0x3FAF] =	sst s1  }
0xa: {  	[smem:$0x3FB0] =	sst s2  }
0xb: {  	[smem:$0x3FB1] =	sst s3  }
0xc: {  	[smem:$0x3FB2] =	sst s4  }
0xd: {  	[smem:$0x3FB3] =	sst s5  }
0xe: {  	[smem:$0x3FB4] =	sst s6  }
0xf: {  	[smem:$0x3FB5] =	sst s7  }
0x10: {  	[smem:$0x3FB6] =	sst s8  }
0x11: {  	[smem:$0x3FB7] =	sst s9;
	s0 =	simm.s32 @!p0 $0x0  }
0x12: {  	s1 =	sld [smem:$0x3F9D];
	s0 =	simm.s32 @p0 $0x1  }
0x13: {  	[smem:$0x3FB8] =	sst s0;
	s0 =	simm.s32 @!p1 $0x0  }
0x14: {  	s2 =	sld [smem:$0x3F9C];
	s0 =	simm.s32 @p1 $0x1  }
0x15: {  	[smem:$0x3FB9] =	sst s0;
	s0 =	simm.s32 @!p2 $0x0  }
0x16: {  	s3 =	sld [smem:$0x3FDB];
	s0 =	simm.s32 @p2 $0x1  }
0x17: {  	s4 =	simm.s32 $0x1BF5;
	[smem:$0x3FBB] =	sst s0  }
0x18: {  	s0 =	sld [smem:$0x3F9E];
	_ =	swait.ge [sflag:s4], $0x0  }
0x19: {  	s7 =	sld [smem:$0x3F9F]  }
0x1a: {  	s8 =	sadd.s32 $0xFFFFE003, lr  }
0x1b: {  	s9 =	sadd.s32 $0xFFFFFEF7, lr;
	s5 =	simm.s32 $0xFFFFFFFF;
	p2 =	slt.u32 s8, $0xFFFFF086  }
0x1c: {  	p1 =	slt.u32 s9, $0xF7A;
	s5 =	simm.s32 @!p2 $0x0  }
0x1d: {  	s5 =	simm.s32 @p1 $0x1;
	p0 =	seq.s32 s7, s2  }
0x1e: {  	s7 =	smul.u32 @!p0 $0xF7A, s2;
	p2 =	seq.s32 @!p0 s5, $0x0  }
0x1f: {  	s9 =	smul.u32 $0xF7A, s1;
	s8 =	simm.s32 @!p0 $0x1BF5;
	p2 =	por !p2, p0  }
0x20: {  	[sflag:s8] =	ssyncset.s32 @!p0 $0xFFFFF086;
	s6 =	sadd.s32 @!p0 s3, s7;
	s7 =	simm.s32 @!p0 $0x108  }
0x21: {  	s3 =	sadd.s32 s3, s9;
	s6 =	sadd.s32 @!p0 $0x88, s6;
	s7 =	simm.s32 @p2 $0x1082  }
0x22: {  	[simem:s7], [sflag:s8] =	dma.local @!p0 [hbm:s6], $0xF7A  }
0x23: {  	s9 =	sor.u32 $0xD0000000, s2;
	s6 =	simm.s32 $0x108;
	_ =	swait.ge @!p0 [sflag:s8], $0x0  }
0x24: {  	s3 =	sadd.s32 $0x88, s3;
	s6 =	simm.s32 @!p1 $0x1082;
	[sflag:s4] =	ssyncset.s32 $0xFFFFF086  }
0x25: {  	[simem:s6], [sflag:s4] =	dma.local [hbm:s3], $0xF7A  }
0x26: {  	[smem:$0x3F9F] =	sst s1;
	(tag) =	ssettag s2;
	_ =	strace s9  }
0x27: {  	s1 =	sld [smem:$0x3FAF]  }
0x28: {  	s2 =	sld [smem:$0x3FB0]  }
0x29: {  	s4 =	sld [smem:$0x3FB2]  }
0x2a: {  	p0 =	seq.s32 s5, $0x0;
	s5 =	sld [smem:$0x3FB3]  }
0x2b: {  	s6 =	sld [smem:$0x3FB4]  }
0x2c: {  	s7 =	sld [smem:$0x3FB5]  }
0x2d: {  	s3 =	simm.s32 $0x108;
	s8 =	sld [smem:$0x3FB6]  }
0x2e: {  	s3 =	simm.s32 @!p0 $0x1082;
	s9 =	sld [smem:$0x3FB7]  }
0x2f: {  	lr =	sadd.s32 s0, s3;
	s0 =	sld [smem:$0x3FAE]  }
0x30: {  	s3 =	sld [smem:$0x3FB1]  }
0x31: {  	[smem:$0x3FBA] =	sst s10  }
0x32: {  	s10 =	sld [smem:$0x3FB8];
	_ =	sdelay $0x3  }
0x33: {  	p0 =	seq.s32 s10, $0x1;
	s10 =	sld [smem:$0x3FBA];
	_ =	sdelay $0x3  }
0x34: {  	[smem:$0x3FBA] =	sst s10  }
0x35: {  	s10 =	sld [smem:$0x3FB9];
	_ =	sdelay $0x3  }
0x36: {  	p1 =	seq.s32 s10, $0x1;
	s10 =	sld [smem:$0x3FBA];
	_ =	sdelay $0x3  }
0x37: {  	[smem:$0x3FBA] =	sst s10  }
0x38: {  	s10 =	sld [smem:$0x3FBB]  }
0x39: {  	_ = 	snop;
	(pc) =	sbr.ind lr, $3  }
0x3a: {  	_ = 	snop  }
0x3b: {  	_ = 	snop  }
0x3c: {  	p2 =	seq.s32 s10, $0x1;
	s10 =	sld [smem:$0x3FBA]  }
0x3d: {  	_ =	shalt  }
0x3e: {  	_ =	shalt  }
0x3f: {  	_ =	shalt  }
0x40: {  	_ =	shalt  }
0x41: {  	_ =	shalt  }
0x42: {  	_ =	shalt  }
0x43: {  	_ =	shalt  }
0x44: {  	_ =	shalt  }
0x45: {  	_ =	shalt  }
0x46: {  	_ =	shalt  }
0x47: {  	_ =	shalt  }
0x48: {  	_ =	shalt  }
0x49: {  	_ =	shalt  }
0x4a: {  	_ =	shalt  }
0x4b: {  	_ =	shalt  }
0x4c: {  	_ =	shalt  }
0x4d: {  	_ =	shalt  }
0x4e: {  	_ =	shalt  }
0x4f: {  	_ =	shalt  }
0x50: {  	_ =	shalt  }
0x51: {  	_ =	shalt  }
0x52: {  	_ =	shalt  }
0x53: {  	_ =	shalt  }
0x54: {  	_ =	shalt  }
0x55: {  	_ =	shalt  }
0x56: {  	_ =	shalt  }
0x57: {  	_ =	shalt  }
0x58: {  	_ =	shalt  }
0x59: {  	_ =	shalt  }
0x5a: {  	_ =	shalt  }
0x5b: {  	_ =	shalt  }
0x5c: {  	_ =	shalt  }
0x5d: {  	_ =	shalt  }
0x5e: {  	_ =	shalt  }
0x5f: {  	_ =	shalt  }
0x60: {  	_ =	shalt  }
0x61: {  	_ =	shalt  }
0x62: {  	_ =	shalt  }
0x63: {  	_ =	shalt  }
0x64: {  	_ =	shalt  }
0x65: {  	_ =	shalt  }
0x66: {  	_ =	shalt  }
0x67: {  	_ =	shalt  }
0x68: {  	_ =	shalt  }
0x69: {  	_ =	shalt  }
0x6a: {  	_ =	shalt  }
0x6b: {  	_ =	shalt  }
0x6c: {  	_ =	shalt  }
0x6d: {  	_ =	shalt  }
0x6e: {  	_ =	shalt  }
0x6f: {  	_ =	shalt  }
0x70: {  	_ =	shalt  }
0x71: {  	_ =	shalt  }
0x72: {  	_ =	shalt  }
0x73: {  	_ =	shalt  }
0x74: {  	_ =	shalt  }
0x75: {  	_ =	shalt  }
0x76: {  	_ =	shalt  }
0x77: {  	_ =	shalt  }
0x78: {  	_ =	shalt  }
0x79: {  	_ =	shalt  }
0x7a: {  	_ =	shalt  }
0x7b: {  	_ =	shalt  }
0x7c: {  	_ =	shalt  }
0x7d: {  	_ =	shalt  }
0x7e: {  	_ =	shalt  }
0x7f: {  	_ =	shalt  }
0x80: {  	_ =	shalt  }
0x81: {  	_ =	shalt  }
0x82: {  	_ =	shalt  }
0x83: {  	_ =	shalt  }
0x84: {  	_ =	shalt  }
0x85: {  	_ =	shalt  }
0x86: {  	_ =	shalt  }
0x87: {  	_ =	shalt  }
.Lfunc_end0:
.L_simem_size_0:
called_computation.1_lowered:
.L_overlay_start_0:
0x88: {  	s2 =	sld [smem:$0x3FD9]  }
0x89: {  	s3 =	sld [smem:$0x3FFE];
	_ =	sdelay $0x1  }
0x8a: {  	s1 =	srdreg.scid  }
0x8b: {  	s0 =	sand.u32 $0x1, s1  }
0x8c: {  	s17 =	sshll.u32 s0, $0xA;
	s2 =	sadd.s32 s3, s2  }
0x8d: {  	s2 =	sadd.s32 s2, s17  }
0x8e: {  	[smem:$0x3FC6] =	sst s2  }
0x8f: {  	_ = 	snop  }
0x90: {  	s2 =	sld [smem:$0x3FD0];
	(tm) =	ssettm $0x1  }
0x91: {  	s18 =	sld [smem:$0x3FFB];
	_ =	sdelay $0x3  }
0x92: {  	_ =	strace s18  }
0x93: {  	s3 =	sld [smem:$0x3FFC];
	_ =	sdelay $0x3  }
0x94: {  	_ =	strace s3  }
0x95: {  	s3 =	sld [smem:$0x3FFD];
	_ =	sdelay $0x3  }
0x96: {  	_ =	strace s3  }
0x97: {  	_ =	strace $0x8FFFFFFF  }
0x98: {  	s19 =	sld [smem:$0x3FDB];
	_ =	sdelay $0x1  }
0x99: {  	s4 =	simm.s32 $_scs_section_size  }
0x9a: {  	s5 =	simm.s32 $_size__tile_overlayer_lowered;
	s6 =	simm.s32 $_tile_overlayer_lowered  }
0x9b: {  	s22 =	simm.s32 $0x1BFF;
	s21 =	sshll.u32 s6, $0x1;
	s3 =	sadd.s32 s4, s19  }
0x9c: {  	s7 =	simm.s32 $0x0;
	s20 =	sshll.u32 s5, $0x1;
	s5 =	sadd.s32 s21, s3  }
0x9d: {  	[timem:s7], [sflag:s22] =	dma.local [hbm:s5], s20  }
0x9e: {  	_ =	swait.ge [sflag:s22], s20  }
0x9f: {  	s4 =	ssub.s32 $0x0, s20;
	[sflag:s22] =	ssyncset.done $0x0  }
0xa0: {  	[sflag:s22] =	ssyncadd.s32 s4;
	_ =	sdelay $0x1  }
0xa1: {  	s23 =	simm.s32 $0x1B8B  }
0xa2: {  	_ =	swait.ge [sflag:s23], $0x1  }
0xa3: {  	[sflag:s23] =	ssyncset.done $0x0  }
0xa4: {  	s25 =	simm.s32 $0x1B8E;
	s24 =	sld [smem:$0x3FFE];
	[sflag:s23] =	ssyncadd.s32 $0xFFFFFFFF  }
0xa5: {  	s26 =	simm.s32 $execute0_lowered;
	[smem:$0x3FD2] =	sst s25  }
0xa6: {  	s5 =	sshll.u32 s26, $0x1;
	_ =	strace $0x80000046;
	[dreg:$0x1] =	wrdreg $0xFFFFFFFF  }
0xa7: {  	s28 =	simm.s32 $_size_execute0_lowered;
	s3 =	sadd.s32 s3, s5;
	[dreg:$0x0] =	wrdreg $0x0  }
0xa8: {  	s5 =	sshll.u32 s28, $0x1;
	[dreg:$0x2] =	wrdreg s3  }
0xa9: {  	[dreg:$0x3] =	wrdreg s5  }
0xaa: {  	[dreg:$0x4] =	wrdreg $0xC0  }
0xab: {  	_ =	task [dreg:s7], $0x5FFFF  }
0xac: {  	[dreg:$0x1] =	wrdreg $0xFFFFFFFF  }
0xad: {  	[dreg:$0x0] =	wrdreg $0x60  }
0xae: {  	[dreg:$0x2] =	wrdreg s24  }
0xaf: {  	[dreg:$0x3] =	wrdreg s2  }
0xb0: {  	[dreg:$0x4] =	wrdreg $0x9  }
0xb1: {  	_ =	task.clear_ibuf [dreg:s7], $0x5FFFF;
	_ =	strace $0x90000046  }
0xb2: {  	s29 =	simm.s32 $0x9;
	_ =	strace $0x80000048  }
0xb3: {  	_ =	swait.ge [sflag:s29], $0x1  }
0xb4: {  	[sflag:s29] =	ssyncadd.s32 $0xFFFFFFFF  }
0xb5: {  	_ =	strace $0x90000048  }
0xb6: {  	_ =	sfence  }
0xb7: {  	s30 =	sld [smem:$0x0];
	_ =	sdelay $0x2  }
0xb8: {  	s31 =	sshll.u32 s1, $0xD;
	s1 =	sshrl.u32 s1, $0x2  }
0xb9: {  	s3 =	sand.u32 $0x4000, s31;
	s1 =	sadd.s32 s1, s30  }
0xba: {  	s0 =	sor.u32 s3, s0;
	s1 =	sshll.u32 s1, $0x11  }
0xbb: {  	s0 =	sor.u32 s1, s0  }
0xbc: {  	s0 =	sadd.s32 $0x8F2B, s0  }
0xbd: {  	[sflag:s0] =	ssyncadd.remote.s32 $0x1  }
0xbe: {  	_ =	sfence.sel $0xFFFF  }
0xbf: {  	[dreg:$0x0] =	wrdreg $0xFFFFFFFF;
	(pc) =	sbr.abs _section_cstart, $3  }
0xc0: {  	[dreg:$0x1] =	wrdreg $0xFFFFFFFF  }
0xc1: {  	_ =	task.clear_ibuf [dreg:s7], $0x2FFFF;
	_ =	strace $0x9FFFFFFF  }
0xc2: {  	(tm) =	ssettm $0x7FFFFFFF  }
0xc3: {  	_ =	shalt  }
tec
execute0_lowered:
.L_overlay_start_1:
0x0: {  	(tag) =	ssettag $0x1  }
0x1: {  	s0 =	srdreg.scid;
	s3 =	stileid.u32  }
0x2: {  	s0 =	sand.u32 $0x1, s0;
	s3 =	sshll.u32 s3, $0x1  }
0x3: {  	s1 =	rddreg [dreg:$0x0];
	s4 =	sor.u32 s0, s3  }
0x4: {  	s2 =	rddreg [dreg:$0x1];
	s5 =	sshll.u32 s4, $0x9  }
0x5: {  	s3 =	simm.s32 $0x0;
	s6 =	smul.u32 $0x18000, s4;
	s5 =	sadd.s32 s5, s1  }
0x6: {  	[smem:$0x7FF] =	sst s3;
	s1 =	sadd.s32 $0x4800, s1;
	s5 =	sadd.s32 $0x800, s5  }
0x7: {  	_ =	strace $0x80000047;
	s6 =	sadd.s32 s1, s6;
	[dreg:$0x3] =	wrdreg s5  }
0x8: {  	s23 =	sadd.s32 $0xC00, s6;
	[smem:$0x7FA] =	sst s6  }
0x9: {  	s24 =	sadd.s32 $0x1800, s6;
	[dreg:$0x4] =	wrdreg s23  }
0xa: {  	s25 =	sadd.s32 $0x2400, s6;
	[dreg:$0x5] =	wrdreg s24  }
0xb: {  	s26 =	sadd.s32 $0x3000, s6;
	[dreg:$0x6] =	wrdreg s25  }
0xc: {  	s28 =	sadd.s32 $0x3C00, s6;
	[dreg:$0x7] =	wrdreg s26  }
0xd: {  	s29 =	sadd.s32 $0x4800, s6;
	[dreg:$0x8] =	wrdreg s28  }
0xe: {  	s4 =	smul.u32 $0xC0000, s4;
	s30 =	sadd.s32 $0x5400, s6;
	[dreg:$0x9] =	wrdreg s29  }
0xf: {  	s7 =	sadd.s32 $0x6000, s6;
	[dreg:$0xa] =	wrdreg s30  }
0x10: {  	s4 =	sshrl.u32 s4, $0x3;
	s8 =	sadd.s32 $0x6C00, s6;
	[dreg:$0xb] =	wrdreg s7  }
0x11: {  	s9 =	sadd.s32 $0x7800, s6;
	s1 =	sadd.s32 s1, s4;
	[dreg:$0xc] =	wrdreg s8  }
0x12: {  	[dreg:$0xd] =	wrdreg s9;
	s4 =	sadd.s32 $0x8400, s1  }
0x13: {  	s10 =	sadd.s32 $0x9000, s1;
	[dreg:$0xe] =	wrdreg s4  }
0x14: {  	s11 =	sadd.s32 $0x9C00, s1;
	[dreg:$0xf] =	wrdreg s10  }
0x15: {  	s12 =	sadd.s32 $0xA800, s1;
	[dreg:$0x10] =	wrdreg s11  }
0x16: {  	s13 =	sadd.s32 $0xB400, s1;
	[dreg:$0x11] =	wrdreg s12  }
0x17: {  	s14 =	sadd.s32 $0xC000, s1;
	[dreg:$0x12] =	wrdreg s13  }
0x18: {  	s15 =	sadd.s32 $0xCC00, s1;
	[dreg:$0x13] =	wrdreg s14  }
0x19: {  	s16 =	sadd.s32 $0xD800, s1;
	[dreg:$0x14] =	wrdreg s15  }
0x1a: {  	s17 =	sadd.s32 $0xE400, s1;
	[dreg:$0x15] =	wrdreg s16  }
0x1b: {  	s18 =	sadd.s32 $0xF000, s1;
	[dreg:$0x16] =	wrdreg s17  }
0x1c: {  	s19 =	sadd.s32 $0xFC00, s1;
	[dreg:$0x17] =	wrdreg s18  }
0x1d: {  	s20 =	sadd.s32 $0x10800, s1;
	[dreg:$0x18] =	wrdreg s19  }
0x1e: {  	s21 =	sadd.s32 $0x11400, s1;
	[dreg:$0x19] =	wrdreg s20  }
0x1f: {  	s31 =	simm.s32 $0x1000;
	s22 =	sadd.s32 $0x12000, s1;
	[dreg:$0x1a] =	wrdreg s21  }
0x20: {  	s0 =	ssub.s32 $0x2, s0;
	s23 =	sadd.s32 $0x12C00, s1;
	[dreg:$0x1b] =	wrdreg s22  }
0x21: {  	s5 =	sadd.s32 $0x100, s2;
	s24 =	sadd.s32 $0x13800, s1;
	[dreg:$0x1c] =	wrdreg s23  }
0x22: {  	s6 =	sadd.s32 $0x200, s2;
	s25 =	sadd.s32 $0x14400, s1;
	[dreg:$0x1d] =	wrdreg s24  }
0x23: {  	s26 =	sadd.s32 $0x15000, s1;
	s28 =	sshrl.u32 s0, $0x1;
	[dreg:$0x1e] =	wrdreg s25  }
0x24: {  	s29 =	sadd.s32 $0x15C00, s1;
	s30 =	sadd.s32 $0x16800, s1;
	[dreg:$0x1f] =	wrdreg s26  }
0x25: {  	s1 =	sadd.s32 $0x17400, s1;
	s7 =	sadd.s32 $0x300, s2;
	[smem:$0x7FB] =	sst s29  }
0x26: {  	v2 =	vlaneseq.u32;
	vm1 =	vcmask $0x2F20;
	vm2 =	vcmask $0xF00;
	s9 =	simm.s32 $0x1;
	s8 =	simm.s32 $0x3;
	[smem:$0x7FC] =	sst s30  }
0x27: {  	vm0 =	vmmov $0xffff;
	v0 =	vand.u32 $0x7, v2;
	v1 =	vshrl.u32 v2, $0x3;
	s0 =	ssub.s32 s0, s28;
	[smem:$0x7FD] =	sst s1;
	s22 =	simm.s32 $0x7000  }
0x28: {  	v2 =	vor.u32 $0x8, v2;
	vm1 =	vmor vm2, vm1;
	v1 =	vmul.u32 $0x8, v1;
	s11 =	simm.s32 $0x2;
	s12 =	simm.s32 $0x4;
	s13 =	smax.u32 s0, $0x1  }
.LBB2_1:
0x29: {  	[smem:$0x7F9] =	sst s13  }
0x2a: {  	s17 =	rddreg [dreg:$0x3];
	s18 =	simm.s32 $0x5  }
0x2b: {  	[tilespmem:s3], [sflag:$0x5] =	stream.linear.gather [hbm4b:s17+s3], $0x1000, $0x38;
	[tilespmem:$0xD000] =	vst v63  }
0x2c: {  	_ =	swait.ge [sflag:s18], $0x1000  }
0x2d: {  	[sflag:s18] =	ssyncset.done $0x0  }
0x2e: {  	[sflag:s18] =	ssyncadd.s32 $0xFFFFF000  }
0x2f: {  	v3 =	vld [tilespmem:$0x0];
	_ =	sdelay $0x4  }
0x30: {  	v4 =	vshll.u32 v3, $0x3  }
0x31: {  	v3 =	vand.u32 $0x7, v3;
	v4 =	vand.u32 $0xFFFFFFC0, v4  }
0x32: {  	v3 =	vor.u32 v3, v4  }
0x33: {  	v4 =	vperm.xlane v3, v0;
	_ =	sdelay $0x1  }
0x34: {  	v4 =	vadd.s32 v1, v4;
	_ =	sdelay $0x4  }
0x35: {  	[tilespmem:s31], [sflag:$0x1] =	stream.indirect_vreg.gather [hbm4b:s2+s3], $0x80, v4, vm0, $0xb8;
	[tilespmem:$0xD000] =	vst v63  }
0x36: {  	s0 =	simm.s32 $0x1800;
	v3 =	vperm.xlane v3, v2  }
0x37: {  	[tilespmem:s0], [sflag:$0x1] =	stream.indirect_vreg.gather [hbm4b:s5+s3], $0x80, v4, vm0, $0xb8;
	[tilespmem:$0xD000] =	vst v63  }
0x38: {  	s19 =	simm.s32 $0x2000;
	v3 =	vadd.s32 v1, v3  }
0x39: {  	[tilespmem:s19], [sflag:$0x1] =	stream.indirect_vreg.gather [hbm4b:s6+s3], $0x80, v4, vm0, $0xb8;
	[tilespmem:$0xD000] =	vst v63  }
0x3a: {  	s20 =	simm.s32 $0x2800  }
0x3b: {  	[tilespmem:s20], [sflag:$0x1] =	stream.indirect_vreg.gather [hbm4b:s7+s3], $0x80, v4, vm0, $0xb8;
	[tilespmem:$0xD000] =	vst v63  }
0x3c: {  	s21 =	simm.s32 $0x3000  }
0x3d: {  	[tilespmem:s21], [sflag:$0x1] =	stream.indirect_vreg.gather [hbm4b:s2+s3], $0x80, v3, vm0, $0xb8;
	[tilespmem:$0xD000] =	vst v63  }
0x3e: {  	s23 =	simm.s32 $0x3800  }
0x3f: {  	[tilespmem:s23], [sflag:$0x1] =	stream.indirect_vreg.gather [hbm4b:s5+s3], $0x80, v3, vm0, $0xb8;
	[tilespmem:$0xD000] =	vst v63  }
0x40: {  	s29 =	simm.s32 $0x4000  }
0x41: {  	[tilespmem:s29], [sflag:$0x1] =	stream.indirect_vreg.gather [hbm4b:s6+s3], $0x80, v3, vm0, $0xb8;
	[tilespmem:$0xD000] =	vst v63  }
0x42: {  	s30 =	simm.s32 $0x4800  }
0x43: {  	[tilespmem:s30], [sflag:$0x1] =	stream.indirect_vreg.gather [hbm4b:s7+s3], $0x80, v3, vm0, $0xb8;
	[tilespmem:$0xD000] =	vst v63  }
0x44: {  	v3 =	vld.msk [tilespmem:$0x10], $0xf;
	_ =	sdelay $0x4  }
0x45: {  	v57 =	vshll.u32 v3, $0x3  }
0x46: {  	v3 =	vand.u32 $0x7, v3;
	v4 =	vand.u32 $0xFFFFFFC0, v57  }
0x47: {  	v3 =	vor.u32 v3, v4  }
0x48: {  	v3 =	vperm.xlane v3, v0;
	_ =	sdelay $0x1  }
0x49: {  	v3 =	vadd.s32 v1, v3;
	_ =	sdelay $0x3  }
0x4a: {  	s1 =	simm.s32 $0x5000  }
0x4b: {  	[tilespmem:s1], [sflag:$0x1] =	stream.indirect_vreg.gather [hbm4b:s2+s3], $0x80, v3, vm1, $0xb8;
	[tilespmem:$0xD000] =	vst v63  }
0x4c: {  	s13 =	simm.s32 $0x5800  }
0x4d: {  	[tilespmem:s13], [sflag:$0x1] =	stream.indirect_vreg.gather [hbm4b:s5+s3], $0x80, v3, vm1, $0xb8;
	[tilespmem:$0xD000] =	vst v63  }
0x4e: {  	s16 =	simm.s32 $0x6000  }
0x4f: {  	[tilespmem:s16], [sflag:$0x1] =	stream.indirect_vreg.gather [hbm4b:s6+s3], $0x80, v3, vm1, $0xb8;
	[tilespmem:$0xD000] =	vst v63  }
0x50: {  	s17 =	simm.s32 $0x6800  }
0x51: {  	[tilespmem:s17], [sflag:$0x1] =	stream.indirect_vreg.gather [hbm4b:s7+s3], $0x80, v3, vm1, $0xb8;
	[tilespmem:$0xD000] =	vst v63  }
0x52: {  	v3 =	vld [tilespmem:$0x80];
	_ =	sdelay $0x4  }
0x53: {  	v58 =	vshll.u32 v3, $0x3  }
0x54: {  	v3 =	vand.u32 $0x7, v3;
	v4 =	vand.u32 $0xFFFFFFC0, v58  }
0x55: {  	v3 =	vor.u32 v3, v4  }
0x56: {  	v4 =	vperm.xlane v3, v0;
	_ =	sdelay $0x1  }
0x57: {  	v4 =	vadd.s32 v1, v4;
	_ =	sdelay $0x4  }
0x58: {  	[tilespmem:s22], [sflag:$0x2] =	stream.indirect_vreg.gather [hbm4b:s2+s3], $0x80, v4, vm0, $0xb8;
	[tilespmem:$0xD000] =	vst v63  }
0x59: {  	s18 =	simm.s32 $0x7800;
	v3 =	vperm.xlane v3, v2  }
0x5a: {  	[tilespmem:s18], [sflag:$0x2] =	stream.indirect_vreg.gather [hbm4b:s5+s3], $0x80, v4, vm0, $0xb8;
	[tilespmem:$0xD000] =	vst v63  }
0x5b: {  	s19 =	simm.s32 $0x8000;
	v3 =	vadd.s32 v1, v3  }
0x5c: {  	[tilespmem:s19], [sflag:$0x2] =	stream.indirect_vreg.gather [hbm4b:s6+s3], $0x80, v4, vm0, $0xb8;
	[tilespmem:$0xD000] =	vst v63  }
0x5d: {  	s23 =	simm.s32 $0x8800  }
0x5e: {  	[tilespmem:s23], [sflag:$0x2] =	stream.indirect_vreg.gather [hbm4b:s7+s3], $0x80, v4, vm0, $0xb8;
	[tilespmem:$0xD000] =	vst v63  }
0x5f: {  	s29 =	simm.s32 $0x9000  }
0x60: {  	[tilespmem:s29], [sflag:$0x2] =	stream.indirect_vreg.gather [hbm4b:s2+s3], $0x80, v3, vm0, $0xb8;
	[tilespmem:$0xD000] =	vst v63  }
0x61: {  	s30 =	simm.s32 $0x9800  }
0x62: {  	[tilespmem:s30], [sflag:$0x2] =	stream.indirect_vreg.gather [hbm4b:s5+s3], $0x80, v3, vm0, $0xb8;
	[tilespmem:$0xD000] =	vst v63  }
0x63: {  	s13 =	simm.s32 $0xA000  }
0x64: {  	[tilespmem:s13], [sflag:$0x2] =	stream.indirect_vreg.gather [hbm4b:s6+s3], $0x80, v3, vm0, $0xb8;
	[tilespmem:$0xD000] =	vst v63  }
0x65: {  	s16 =	simm.s32 $0xA800  }
0x66: {  	[tilespmem:s16], [sflag:$0x2] =	stream.indirect_vreg.gather [hbm4b:s7+s3], $0x80, v3, vm0, $0xb8;
	[tilespmem:$0xD000] =	vst v63  }
0x67: {  	v3 =	vld.msk [tilespmem:$0x90], $0xf;
	_ =	sdelay $0x4  }
0x68: {  	v59 =	vshll.u32 v3, $0x3  }
0x69: {  	v3 =	vand.u32 $0x7, v3;
	v4 =	vand.u32 $0xFFFFFFC0, v59  }
0x6a: {  	v3 =	vor.u32 v3, v4  }
0x6b: {  	v3 =	vperm.xlane v3, v0;
	_ =	sdelay $0x1  }
0x6c: {  	v3 =	vadd.s32 v1, v3;
	_ =	sdelay $0x3  }
0x6d: {  	s18 =	simm.s32 $0xB000  }
0x6e: {  	[tilespmem:s18], [sflag:$0x2] =	stream.indirect_vreg.gather [hbm4b:s2+s3], $0x80, v3, vm1, $0xb8;
	[tilespmem:$0xD000] =	vst v63  }
0x6f: {  	s19 =	simm.s32 $0xB800  }
0x70: {  	[tilespmem:s19], [sflag:$0x2] =	stream.indirect_vreg.gather [hbm4b:s5+s3], $0x80, v3, vm1, $0xb8;
	[tilespmem:$0xD000] =	vst v63  }
0x71: {  	s29 =	simm.s32 $0xC000  }
0x72: {  	[tilespmem:s29], [sflag:$0x2] =	stream.indirect_vreg.gather [hbm4b:s6+s3], $0x80, v3, vm1, $0xb8;
	[tilespmem:$0xD000] =	vst v63  }
0x73: {  	s30 =	simm.s32 $0xC800  }
0x74: {  	[tilespmem:s30], [sflag:$0x2] =	stream.indirect_vreg.gather [hbm4b:s7+s3], $0x80, v3, vm1, $0xb8;
	[tilespmem:$0xD000] =	vst v63  }
0x75: {  	_ =	swait.ge [sflag:s9], $0x5000  }
0x76: {  	s0 =	sld [smem:$0x7FA]  }
0x77: {  	[sflag:s9] =	ssyncset.done $0x0  }
0x78: {  	[sflag:s9] =	ssyncadd.s32 $0xFFFFB000  }
0x79: {  	[hbm4b:s0+s3] =	stream.linear.scatter [tilespmem:s31], [sflag:$0x3], $0x6000, $0x38;
	[tilespmem:$0xD000] =	vst v63  }
0x7a: {  	_ =	swait.ge [sflag:s8], $0x6000  }
0x7b: {  	[sflag:s8] =	ssyncset.done $0x0  }
0x7c: {  	[sflag:s8] =	ssyncadd.s32 $0xFFFFA000  }
0x7d: {  	v3 =	vld [tilespmem:$0x100];
	_ =	sdelay $0x4  }
0x7e: {  	v60 =	vshll.u32 v3, $0x3  }
0x7f: {  	v3 =	vand.u32 $0x7, v3;
	v4 =	vand.u32 $0xFFFFFFC0, v60  }
0x80: {  	v3 =	vor.u32 v3, v4  }
0x81: {  	v4 =	vperm.xlane v3, v0;
	_ =	sdelay $0x1  }
0x82: {  	v4 =	vadd.s32 v1, v4;
	_ =	sdelay $0x4  }
0x83: {  	[tilespmem:s31], [sflag:$0x1] =	stream.indirect_vreg.gather [hbm4b:s2+s3], $0x80, v4, vm0, $0xb8;
	[tilespmem:$0xD000] =	vst v63  }
0x84: {  	s24 =	simm.s32 $0x1800;
	v3 =	vperm.xlane v3, v2  }
0x85: {  	[tilespmem:s24], [sflag:$0x1] =	stream.indirect_vreg.gather [hbm4b:s5+s3], $0x80, v4, vm0, $0xb8;
	[tilespmem:$0xD000] =	vst v63  }
0x86: {  	s25 =	simm.s32 $0x2000;
	v3 =	vadd.s32 v1, v3  }
0x87: {  	[tilespmem:s25], [sflag:$0x1] =	stream.indirect_vreg.gather [hbm4b:s6+s3], $0x80, v4, vm0, $0xb8;
	[tilespmem:$0xD000] =	vst v63  }
0x88: {  	s26 =	simm.s32 $0x2800  }
0x89: {  	[tilespmem:s26], [sflag:$0x1] =	stream.indirect_vreg.gather [hbm4b:s7+s3], $0x80, v4, vm0, $0xb8;
	[tilespmem:$0xD000] =	vst v63  }
0x8a: {  	s28 =	simm.s32 $0x3000  }
0x8b: {  	[tilespmem:s28], [sflag:$0x1] =	stream.indirect_vreg.gather [hbm4b:s2+s3], $0x80, v3, vm0, $0xb8;
	[tilespmem:$0xD000] =	vst v63  }
0x8c: {  	s4 =	simm.s32 $0x3800  }
0x8d: {  	[tilespmem:s4], [sflag:$0x1] =	stream.indirect_vreg.gather [hbm4b:s5+s3], $0x80, v3, vm0, $0xb8;
	[tilespmem:$0xD000] =	vst v63  }
0x8e: {  	s10 =	simm.s32 $0x4000  }
0x8f: {  	[tilespmem:s10], [sflag:$0x1] =	stream.indirect_vreg.gather [hbm4b:s6+s3], $0x80, v3, vm0, $0xb8;
	[tilespmem:$0xD000] =	vst v63  }
0x90: {  	s14 =	simm.s32 $0x4800  }
0x91: {  	[tilespmem:s14], [sflag:$0x1] =	stream.indirect_vreg.gather [hbm4b:s7+s3], $0x80, v3, vm0, $0xb8;
	[tilespmem:$0xD000] =	vst v63  }
0x92: {  	v3 =	vld.msk [tilespmem:$0x110], $0xf;
	_ =	sdelay $0x4  }
0x93: {  	v61 =	vshll.u32 v3, $0x3  }
0x94: {  	v3 =	vand.u32 $0x7, v3;
	v4 =	vand.u32 $0xFFFFFFC0, v61  }
0x95: {  	v3 =	vor.u32 v3, v4  }
0x96: {  	v3 =	vperm.xlane v3, v0;
	_ =	sdelay $0x1  }
0x97: {  	v3 =	vadd.s32 v1, v3;
	_ =	sdelay $0x3  }
0x98: {  	s15 =	simm.s32 $0x5000  }
0x99: {  	[tilespmem:s15], [sflag:$0x1] =	stream.indirect_vreg.gather [hbm4b:s2+s3], $0x80, v3, vm1, $0xb8;
	[tilespmem:$0xD000] =	vst v63  }
0x9a: {  	s20 =	simm.s32 $0x5800  }
0x9b: {  	[tilespmem:s20], [sflag:$0x1] =	stream.indirect_vreg.gather [hbm4b:s5+s3], $0x80, v3, vm1, $0xb8;
	[tilespmem:$0xD000] =	vst v63  }
0x9c: {  	s21 =	simm.s32 $0x6000  }
0x9d: {  	[tilespmem:s21], [sflag:$0x1] =	stream.indirect_vreg.gather [hbm4b:s6+s3], $0x80, v3, vm1, $0xb8;
	[tilespmem:$0xD000] =	vst v63  }
0x9e: {  	s1 =	simm.s32 $0x6800  }
0x9f: {  	[tilespmem:s1], [sflag:$0x1] =	stream.indirect_vreg.gather [hbm4b:s7+s3], $0x80, v3, vm1, $0xb8;
	[tilespmem:$0xD000] =	vst v63  }
0xa0: {  	_ =	swait.ge [sflag:s11], $0x5000  }
0xa1: {  	[sflag:s11] =	ssyncset.done $0x0  }
0xa2: {  	s21 =	rddreg [dreg:$0x4];
	[sflag:s11] =	ssyncadd.s32 $0xFFFFB000  }
0xa3: {  	[hbm4b:s21+s3] =	stream.linear.scatter [tilespmem:s22], [sflag:$0x4], $0x6000, $0x38;
	[tilespmem:$0xD000] =	vst v63  }
0xa4: {  	_ =	swait.ge [sflag:s12], $0x6000  }
0xa5: {  	[sflag:s12] =	ssyncset.done $0x0  }
0xa6: {  	[sflag:s12] =	ssyncadd.s32 $0xFFFFA000  }
0xa7: {  	v3 =	vld [tilespmem:$0x180];
	_ =	sdelay $0x4  }
0xa8: {  	v62 =	vshll.u32 v3, $0x3  }
0xa9: {  	v3 =	vand.u32 $0x7, v3;
	v4 =	vand.u32 $0xFFFFFFC0, v62  }
0xaa: {  	v3 =	vor.u32 v3, v4  }
0xab: {  	v4 =	vperm.xlane v3, v0;
	_ =	sdelay $0x1  }
0xac: {  	v4 =	vadd.s32 v1, v4;
	_ =	sdelay $0x4  }
0xad: {  	[tilespmem:s22], [sflag:$0x2] =	stream.indirect_vreg.gather [hbm4b:s2+s3], $0x80, v4, vm0, $0xb8;
	[tilespmem:$0xD000] =	vst v63  }
0xae: {  	s17 =	simm.s32 $0x7800;
	v3 =	vperm.xlane v3, v2  }
0xaf: {  	[tilespmem:s17], [sflag:$0x2] =	stream.indirect_vreg.gather [hbm4b:s5+s3], $0x80, v4, vm0, $0xb8;
	[tilespmem:$0xD000] =	vst v63  }
0xb0: {  	s1 =	simm.s32 $0x8000;
	v3 =	vadd.s32 v1, v3  }
0xb1: {  	[tilespmem:s1], [sflag:$0x2] =	stream.indirect_vreg.gather [hbm4b:s6+s3], $0x80, v4, vm0, $0xb8;
	[tilespmem:$0xD000] =	vst v63  }
0xb2: {  	s4 =	simm.s32 $0x8800  }
0xb3: {  	[tilespmem:s4], [sflag:$0x2] =	stream.indirect_vreg.gather [hbm4b:s7+s3], $0x80, v4, vm0, $0xb8;
	[tilespmem:$0xD000] =	vst v63  }
0xb4: {  	s10 =	simm.s32 $0x9000  }
0xb5: {  	[tilespmem:s10], [sflag:$0x2] =	stream.indirect_vreg.gather [hbm4b:s2+s3], $0x80, v3, vm0, $0xb8;
	[tilespmem:$0xD000] =	vst v63  }
0xb6: {  	s14 =	simm.s32 $0x9800  }
0xb7: {  	[tilespmem:s14], [sflag:$0x2] =	stream.indirect_vreg.gather [hbm4b:s5+s3], $0x80, v3, vm0, $0xb8;
	[tilespmem:$0xD000] =	vst v63  }
0xb8: {  	s0 =	simm.s32 $0xA000  }
0xb9: {  	[tilespmem:s0], [sflag:$0x2] =	stream.indirect_vreg.gather [hbm4b:s6+s3], $0x80, v3, vm0, $0xb8;
	[tilespmem:$0xD000] =	vst v63  }
0xba: {  	s15 =	simm.s32 $0xA800  }
0xbb: {  	[tilespmem:s15], [sflag:$0x2] =	stream.indirect_vreg.gather [hbm4b:s7+s3], $0x80, v3, vm0, $0xb8;
	[tilespmem:$0xD000] =	vst v63  }
0xbc: {  	v3 =	vld.msk [tilespmem:$0x190], $0xf;
	_ =	sdelay $0x4  }
0xbd: {  	v63 =	vshll.u32 v3, $0x3  }
0xbe: {  	v3 =	vand.u32 $0x7, v3;
	v4 =	vand.u32 $0xFFFFFFC0, v63  }
0xbf: {  	v3 =	vor.u32 v3, v4  }
0xc0: {  	v3 =	vperm.xlane v3, v0;
	_ =	sdelay $0x1  }
0xc1: {  	v3 =	vadd.s32 v1, v3;
	_ =	sdelay $0x3  }
0xc2: {  	s23 =	simm.s32 $0xB000  }
0xc3: {  	[tilespmem:s23], [sflag:$0x2] =	stream.indirect_vreg.gather [hbm4b:s2+s3], $0x80, v3, vm1, $0xb8;
	[tilespmem:$0xD000] =	vst v63  }
0xc4: {  	s19 =	simm.s32 $0xB800  }
0xc5: {  	[tilespmem:s19], [sflag:$0x2] =	stream.indirect_vreg.gather [hbm4b:s5+s3], $0x80, v3, vm1, $0xb8;
	[tilespmem:$0xD000] =	vst v63  }
0xc6: {  	s18 =	simm.s32 $0xC000  }
0xc7: {  	[tilespmem:s18], [sflag:$0x2] =	stream.indirect_vreg.gather [hbm4b:s6+s3], $0x80, v3, vm1, $0xb8;
	[tilespmem:$0xD000] =	vst v63  }
0xc8: {  	s16 =	simm.s32 $0xC800  }
0xc9: {  	[tilespmem:s16], [sflag:$0x2] =	stream.indirect_vreg.gather [hbm4b:s7+s3], $0x80, v3, vm1, $0xb8;
	[tilespmem:$0xD000] =	vst v63  }
0xca: {  	_ =	swait.ge [sflag:s9], $0x5000  }
0xcb: {  	[sflag:s9] =	ssyncset.done $0x0  }
0xcc: {  	s23 =	rddreg [dreg:$0x5];
	[sflag:s9] =	ssyncadd.s32 $0xFFFFB000  }
0xcd: {  	[hbm4b:s23+s3] =	stream.linear.scatter [tilespmem:s31], [sflag:$0x3], $0x6000, $0x38;
	[tilespmem:$0xD000] =	vst v63  }
0xce: {  	_ =	swait.ge [sflag:s8], $0x6000  }
0xcf: {  	[sflag:s8] =	ssyncset.done $0x0  }
0xd0: {  	[sflag:s8] =	ssyncadd.s32 $0xFFFFA000  }
0xd1: {  	v3 =	vld [tilespmem:$0x200];
	_ =	sdelay $0x4  }
0xd2: {  	v8 =	vshll.u32 v3, $0x3  }
0xd3: {  	v3 =	vand.u32 $0x7, v3;
	v4 =	vand.u32 $0xFFFFFFC0, v8  }
0xd4: {  	v3 =	vor.u32 v3, v4  }
0xd5: {  	v4 =	vperm.xlane v3, v0;
	_ =	sdelay $0x1  }
0xd6: {  	v4 =	vadd.s32 v1, v4;
	_ =	sdelay $0x4  }
0xd7: {  	[tilespmem:s31], [sflag:$0x1] =	stream.indirect_vreg.gather [hbm4b:s2+s3], $0x80, v4, vm0, $0xb8;
	[tilespmem:$0xD000] =	vst v63  }
0xd8: {  	s18 =	simm.s32 $0x1800;
	v3 =	vperm.xlane v3, v2  }
0xd9: {  	[tilespmem:s18], [sflag:$0x1] =	stream.indirect_vreg.gather [hbm4b:s5+s3], $0x80, v4, vm0, $0xb8;
	[tilespmem:$0xD000] =	vst v63  }
0xda: {  	s23 =	simm.s32 $0x2000;
	v3 =	vadd.s32 v1, v3  }
0xdb: {  	[tilespmem:s23], [sflag:$0x1] =	stream.indirect_vreg.gather [hbm4b:s6+s3], $0x80, v4, vm0, $0xb8;
	[tilespmem:$0xD000] =	vst v63  }
0xdc: {  	s18 =	simm.s32 $0x2800  }
0xdd: {  	[tilespmem:s18], [sflag:$0x1] =	stream.indirect_vreg.gather [hbm4b:s7+s3], $0x80, v4, vm0, $0xb8;
	[tilespmem:$0xD000] =	vst v63  }
0xde: {  	s23 =	simm.s32 $0x3000  }
0xdf: {  	[tilespmem:s23], [sflag:$0x1] =	stream.indirect_vreg.gather [hbm4b:s2+s3], $0x80, v3, vm0, $0xb8;
	[tilespmem:$0xD000] =	vst v63  }
0xe0: {  	s26 =	simm.s32 $0x3800  }
0xe1: {  	[tilespmem:s26], [sflag:$0x1] =	stream.indirect_vreg.gather [hbm4b:s5+s3], $0x80, v3, vm0, $0xb8;
	[tilespmem:$0xD000] =	vst v63  }
0xe2: {  	s24 =	simm.s32 $0x4000  }
0xe3: {  	[tilespmem:s24], [sflag:$0x1] =	stream.indirect_vreg.gather [hbm4b:s6+s3], $0x80, v3, vm0, $0xb8;
	[tilespmem:$0xD000] =	vst v63  }
0xe4: {  	s25 =	simm.s32 $0x4800  }
0xe5: {  	[tilespmem:s25], [sflag:$0x1] =	stream.indirect_vreg.gather [hbm4b:s7+s3], $0x80, v3, vm0, $0xb8;
	[tilespmem:$0xD000] =	vst v63  }
0xe6: {  	v3 =	vld.msk [tilespmem:$0x210], $0xf;
	_ =	sdelay $0x4  }
0xe7: {  	v9 =	vshll.u32 v3, $0x3  }
0xe8: {  	v3 =	vand.u32 $0x7, v3;
	v4 =	vand.u32 $0xFFFFFFC0, v9  }
0xe9: {  	v3 =	vor.u32 v3, v4  }
0xea: {  	v3 =	vperm.xlane v3, v0;
	_ =	sdelay $0x1  }
0xeb: {  	v3 =	vadd.s32 v1, v3;
	_ =	sdelay $0x3  }
0xec: {  	s28 =	simm.s32 $0x5000  }
0xed: {  	[tilespmem:s28], [sflag:$0x1] =	stream.indirect_vreg.gather [hbm4b:s2+s3], $0x80, v3, vm1, $0xb8;
	[tilespmem:$0xD000] =	vst v63  }
0xee: {  	s29 =	simm.s32 $0x5800  }
0xef: {  	[tilespmem:s29], [sflag:$0x1] =	stream.indirect_vreg.gather [hbm4b:s5+s3], $0x80, v3, vm1, $0xb8;
	[tilespmem:$0xD000] =	vst v63  }
0xf0: {  	s30 =	simm.s32 $0x6000  }
0xf1: {  	[tilespmem:s30], [sflag:$0x1] =	stream.indirect_vreg.gather [hbm4b:s6+s3], $0x80, v3, vm1, $0xb8;
	[tilespmem:$0xD000] =	vst v63  }
0xf2: {  	s30 =	simm.s32 $0x6800  }
0xf3: {  	[tilespmem:s30], [sflag:$0x1] =	stream.indirect_vreg.gather [hbm4b:s7+s3], $0x80, v3, vm1, $0xb8;
	[tilespmem:$0xD000] =	vst v63  }
0xf4: {  	_ =	swait.ge [sflag:s11], $0x5000  }
0xf5: {  	[sflag:s11] =	ssyncset.done $0x0  }
0xf6: {  	s23 =	rddreg [dreg:$0x6];
	[sflag:s11] =	ssyncadd.s32 $0xFFFFB000  }
0xf7: {  	[hbm4b:s23+s3] =	stream.linear.scatter [tilespmem:s22], [sflag:$0x4], $0x6000, $0x38;
	[tilespmem:$0xD000] =	vst v63  }
0xf8: {  	_ =	swait.ge [sflag:s12], $0x6000  }
0xf9: {  	[sflag:s12] =	ssyncset.done $0x0  }
0xfa: {  	[sflag:s12] =	ssyncadd.s32 $0xFFFFA000  }
0xfb: {  	v3 =	vld [tilespmem:$0x280];
	_ =	sdelay $0x4  }
0xfc: {  	v10 =	vshll.u32 v3, $0x3  }
0xfd: {  	v3 =	vand.u32 $0x7, v3;
	v4 =	vand.u32 $0xFFFFFFC0, v10  }
0xfe: {  	v3 =	vor.u32 v3, v4  }
0xff: {  	v4 =	vperm.xlane v3, v0;
	_ =	sdelay $0x1  }
0x100: {  	v4 =	vadd.s32 v1, v4;
	_ =	sdelay $0x4  }
0x101: {  	[tilespmem:s22], [sflag:$0x2] =	stream.indirect_vreg.gather [hbm4b:s2+s3], $0x80, v4, vm0, $0xb8;
	[tilespmem:$0xD000] =	vst v63  }
0x102: {  	s21 =	simm.s32 $0x7800;
	v3 =	vperm.xlane v3, v2  }
0x103: {  	[tilespmem:s21], [sflag:$0x2] =	stream.indirect_vreg.gather [hbm4b:s5+s3], $0x80, v4, vm0, $0xb8;
	[tilespmem:$0xD000] =	vst v63  }
0x104: {  	v3 =	vadd.s32 v1, v3  }
0x105: {  	[tilespmem:s1], [sflag:$0x2] =	stream.indirect_vreg.gather [hbm4b:s6+s3], $0x80, v4, vm0, $0xb8;
	[tilespmem:$0xD000] =	vst v63  }
0x106: {  	_ = 	snop  }
0x107: {  	[tilespmem:s4], [sflag:$0x2] =	stream.indirect_vreg.gather [hbm4b:s7+s3], $0x80, v4, vm0, $0xb8;
	[tilespmem:$0xD000] =	vst v63  }
0x108: {  	_ = 	snop  }
0x109: {  	[tilespmem:s10], [sflag:$0x2] =	stream.indirect_vreg.gather [hbm4b:s2+s3], $0x80, v3, vm0, $0xb8;
	[tilespmem:$0xD000] =	vst v63  }
0x10a: {  	_ = 	snop  }
0x10b: {  	[tilespmem:s14], [sflag:$0x2] =	stream.indirect_vreg.gather [hbm4b:s5+s3], $0x80, v3, vm0, $0xb8;
	[tilespmem:$0xD000] =	vst v63  }
0x10c: {  	_ = 	snop  }
0x10d: {  	[tilespmem:s0], [sflag:$0x2] =	stream.indirect_vreg.gather [hbm4b:s6+s3], $0x80, v3, vm0, $0xb8;
	[tilespmem:$0xD000] =	vst v63  }
0x10e: {  	_ = 	snop  }
0x10f: {  	[tilespmem:s15], [sflag:$0x2] =	stream.indirect_vreg.gather [hbm4b:s7+s3], $0x80, v3, vm0, $0xb8;
	[tilespmem:$0xD000] =	vst v63  }
0x110: {  	v3 =	vld.msk [tilespmem:$0x290], $0xf;
	_ =	sdelay $0x4  }
0x111: {  	v11 =	vshll.u32 v3, $0x3  }
0x112: {  	v3 =	vand.u32 $0x7, v3;
	v4 =	vand.u32 $0xFFFFFFC0, v11  }
0x113: {  	v3 =	vor.u32 v3, v4  }
0x114: {  	v3 =	vperm.xlane v3, v0;
	_ =	sdelay $0x1  }
0x115: {  	v3 =	vadd.s32 v1, v3;
	_ =	sdelay $0x3  }
0x116: {  	s20 =	simm.s32 $0xB000  }
0x117: {  	[tilespmem:s20], [sflag:$0x2] =	stream.indirect_vreg.gather [hbm4b:s2+s3], $0x80, v3, vm1, $0xb8;
	[tilespmem:$0xD000] =	vst v63  }
0x118: {  	s19 =	simm.s32 $0xB800  }
0x119: {  	[tilespmem:s19], [sflag:$0x2] =	stream.indirect_vreg.gather [hbm4b:s5+s3], $0x80, v3, vm1, $0xb8;
	[tilespmem:$0xD000] =	vst v63  }
0x11a: {  	s17 =	simm.s32 $0xC000  }
0x11b: {  	[tilespmem:s17], [sflag:$0x2] =	stream.indirect_vreg.gather [hbm4b:s6+s3], $0x80, v3, vm1, $0xb8;
	[tilespmem:$0xD000] =	vst v63  }
0x11c: {  	s16 =	simm.s32 $0xC800  }
0x11d: {  	[tilespmem:s16], [sflag:$0x2] =	stream.indirect_vreg.gather [hbm4b:s7+s3], $0x80, v3, vm1, $0xb8;
	[tilespmem:$0xD000] =	vst v63  }
0x11e: {  	_ =	swait.ge [sflag:s9], $0x5000  }
0x11f: {  	[sflag:s9] =	ssyncset.done $0x0  }
0x120: {  	s17 =	rddreg [dreg:$0x7];
	[sflag:s9] =	ssyncadd.s32 $0xFFFFB000  }
0x121: {  	[hbm4b:s17+s3] =	stream.linear.scatter [tilespmem:s31], [sflag:$0x3], $0x6000, $0x38;
	[tilespmem:$0xD000] =	vst v63  }
0x122: {  	_ =	swait.ge [sflag:s8], $0x6000  }
0x123: {  	[sflag:s8] =	ssyncset.done $0x0  }
0x124: {  	[sflag:s8] =	ssyncadd.s32 $0xFFFFA000  }
0x125: {  	v3 =	vld [tilespmem:$0x300];
	_ =	sdelay $0x4  }
0x126: {  	v12 =	vshll.u32 v3, $0x3  }
0x127: {  	v3 =	vand.u32 $0x7, v3;
	v4 =	vand.u32 $0xFFFFFFC0, v12  }
0x128: {  	v3 =	vor.u32 v3, v4  }
0x129: {  	v4 =	vperm.xlane v3, v0;
	_ =	sdelay $0x1  }
0x12a: {  	v4 =	vadd.s32 v1, v4;
	_ =	sdelay $0x4  }
0x12b: {  	[tilespmem:s31], [sflag:$0x1] =	stream.indirect_vreg.gather [hbm4b:s2+s3], $0x80, v4, vm0, $0xb8;
	[tilespmem:$0xD000] =	vst v63  }
0x12c: {  	s17 =	simm.s32 $0x1800;
	v3 =	vperm.xlane v3, v2  }
0x12d: {  	[tilespmem:s17], [sflag:$0x1] =	stream.indirect_vreg.gather [hbm4b:s5+s3], $0x80, v4, vm0, $0xb8;
	[tilespmem:$0xD000] =	vst v63  }
0x12e: {  	v3 =	vadd.s32 v1, v3;
	s17 =	simm.s32 $0x2000  }
0x12f: {  	[tilespmem:s17], [sflag:$0x1] =	stream.indirect_vreg.gather [hbm4b:s6+s3], $0x80, v4, vm0, $0xb8;
	[tilespmem:$0xD000] =	vst v63  }
0x130: {  	s17 =	simm.s32 $0x2800  }
0x131: {  	[tilespmem:s17], [sflag:$0x1] =	stream.indirect_vreg.gather [hbm4b:s7+s3], $0x80, v4, vm0, $0xb8;
	[tilespmem:$0xD000] =	vst v63  }
0x132: {  	s17 =	simm.s32 $0x3000  }
0x133: {  	[tilespmem:s17], [sflag:$0x1] =	stream.indirect_vreg.gather [hbm4b:s2+s3], $0x80, v3, vm0, $0xb8;
	[tilespmem:$0xD000] =	vst v63  }
0x134: {  	s18 =	simm.s32 $0x3800  }
0x135: {  	[tilespmem:s18], [sflag:$0x1] =	stream.indirect_vreg.gather [hbm4b:s5+s3], $0x80, v3, vm0, $0xb8;
	[tilespmem:$0xD000] =	vst v63  }
0x136: {  	s24 =	simm.s32 $0x4000  }
0x137: {  	[tilespmem:s24], [sflag:$0x1] =	stream.indirect_vreg.gather [hbm4b:s6+s3], $0x80, v3, vm0, $0xb8;
	[tilespmem:$0xD000] =	vst v63  }
0x138: {  	s25 =	simm.s32 $0x4800  }
0x139: {  	[tilespmem:s25], [sflag:$0x1] =	stream.indirect_vreg.gather [hbm4b:s7+s3], $0x80, v3, vm0, $0xb8;
	[tilespmem:$0xD000] =	vst v63  }
0x13a: {  	v3 =	vld.msk [tilespmem:$0x310], $0xf;
	_ =	sdelay $0x4  }
0x13b: {  	v13 =	vshll.u32 v3, $0x3  }
0x13c: {  	v3 =	vand.u32 $0x7, v3;
	v4 =	vand.u32 $0xFFFFFFC0, v13  }
0x13d: {  	v3 =	vor.u32 v3, v4  }
0x13e: {  	v3 =	vperm.xlane v3, v0;
	_ =	sdelay $0x1  }
0x13f: {  	v3 =	vadd.s32 v1, v3;
	_ =	sdelay $0x3  }
0x140: {  	s26 =	simm.s32 $0x5000  }
0x141: {  	[tilespmem:s26], [sflag:$0x1] =	stream.indirect_vreg.gather [hbm4b:s2+s3], $0x80, v3, vm1, $0xb8;
	[tilespmem:$0xD000] =	vst v63  }
0x142: {  	s28 =	simm.s32 $0x5800  }
0x143: {  	[tilespmem:s28], [sflag:$0x1] =	stream.indirect_vreg.gather [hbm4b:s5+s3], $0x80, v3, vm1, $0xb8;
	[tilespmem:$0xD000] =	vst v63  }
0x144: {  	s29 =	simm.s32 $0x6000  }
0x145: {  	[tilespmem:s29], [sflag:$0x1] =	stream.indirect_vreg.gather [hbm4b:s6+s3], $0x80, v3, vm1, $0xb8;
	[tilespmem:$0xD000] =	vst v63  }
0x146: {  	s30 =	simm.s32 $0x6800  }
0x147: {  	[tilespmem:s30], [sflag:$0x1] =	stream.indirect_vreg.gather [hbm4b:s7+s3], $0x80, v3, vm1, $0xb8;
	[tilespmem:$0xD000] =	vst v63  }
0x148: {  	_ =	swait.ge [sflag:s11], $0x5000  }
0x149: {  	[sflag:s11] =	ssyncset.done $0x0  }
0x14a: {  	s24 =	rddreg [dreg:$0x8];
	[sflag:s11] =	ssyncadd.s32 $0xFFFFB000  }
0x14b: {  	[hbm4b:s24+s3] =	stream.linear.scatter [tilespmem:s22], [sflag:$0x4], $0x6000, $0x38;
	[tilespmem:$0xD000] =	vst v63  }
0x14c: {  	_ =	swait.ge [sflag:s12], $0x6000  }
0x14d: {  	[sflag:s12] =	ssyncset.done $0x0  }
0x14e: {  	[sflag:s12] =	ssyncadd.s32 $0xFFFFA000  }
0x14f: {  	v3 =	vld [tilespmem:$0x380];
	_ =	sdelay $0x4  }
0x150: {  	v14 =	vshll.u32 v3, $0x3  }
0x151: {  	v3 =	vand.u32 $0x7, v3;
	v4 =	vand.u32 $0xFFFFFFC0, v14  }
0x152: {  	v3 =	vor.u32 v3, v4  }
0x153: {  	v4 =	vperm.xlane v3, v0;
	_ =	sdelay $0x1  }
0x154: {  	v4 =	vadd.s32 v1, v4;
	_ =	sdelay $0x4  }
0x155: {  	[tilespmem:s22], [sflag:$0x2] =	stream.indirect_vreg.gather [hbm4b:s2+s3], $0x80, v4, vm0, $0xb8;
	[tilespmem:$0xD000] =	vst v63  }
0x156: {  	s21 =	simm.s32 $0x7800;
	v3 =	vperm.xlane v3, v2  }
0x157: {  	[tilespmem:s21], [sflag:$0x2] =	stream.indirect_vreg.gather [hbm4b:s5+s3], $0x80, v4, vm0, $0xb8;
	[tilespmem:$0xD000] =	vst v63  }
0x158: {  	s23 =	simm.s32 $0x8000;
	v3 =	vadd.s32 v1, v3  }
0x159: {  	[tilespmem:s23], [sflag:$0x2] =	stream.indirect_vreg.gather [hbm4b:s6+s3], $0x80, v4, vm0, $0xb8;
	[tilespmem:$0xD000] =	vst v63  }
0x15a: {  	s1 =	simm.s32 $0x8800  }
0x15b: {  	[tilespmem:s1], [sflag:$0x2] =	stream.indirect_vreg.gather [hbm4b:s7+s3], $0x80, v4, vm0, $0xb8;
	[tilespmem:$0xD000] =	vst v63  }
0x15c: {  	s10 =	simm.s32 $0x9000  }
0x15d: {  	[tilespmem:s10], [sflag:$0x2] =	stream.indirect_vreg.gather [hbm4b:s2+s3], $0x80, v3, vm0, $0xb8;
	[tilespmem:$0xD000] =	vst v63  }
0x15e: {  	s14 =	simm.s32 $0x9800  }
0x15f: {  	[tilespmem:s14], [sflag:$0x2] =	stream.indirect_vreg.gather [hbm4b:s5+s3], $0x80, v3, vm0, $0xb8;
	[tilespmem:$0xD000] =	vst v63  }
0x160: {  	s0 =	simm.s32 $0xA000  }
0x161: {  	[tilespmem:s0], [sflag:$0x2] =	stream.indirect_vreg.gather [hbm4b:s6+s3], $0x80, v3, vm0, $0xb8;
	[tilespmem:$0xD000] =	vst v63  }
0x162: {  	s4 =	simm.s32 $0xA800  }
0x163: {  	[tilespmem:s4], [sflag:$0x2] =	stream.indirect_vreg.gather [hbm4b:s7+s3], $0x80, v3, vm0, $0xb8;
	[tilespmem:$0xD000] =	vst v63  }
0x164: {  	v3 =	vld.msk [tilespmem:$0x390], $0xf;
	_ =	sdelay $0x4  }
0x165: {  	v15 =	vshll.u32 v3, $0x3  }
0x166: {  	v3 =	vand.u32 $0x7, v3;
	v4 =	vand.u32 $0xFFFFFFC0, v15  }
0x167: {  	v3 =	vor.u32 v3, v4  }
0x168: {  	v3 =	vperm.xlane v3, v0;
	_ =	sdelay $0x1  }
0x169: {  	v3 =	vadd.s32 v1, v3;
	_ =	sdelay $0x3  }
0x16a: {  	s20 =	simm.s32 $0xB000  }
0x16b: {  	[tilespmem:s20], [sflag:$0x2] =	stream.indirect_vreg.gather [hbm4b:s2+s3], $0x80, v3, vm1, $0xb8;
	[tilespmem:$0xD000] =	vst v63  }
0x16c: {  	s19 =	simm.s32 $0xB800  }
0x16d: {  	[tilespmem:s19], [sflag:$0x2] =	stream.indirect_vreg.gather [hbm4b:s5+s3], $0x80, v3, vm1, $0xb8;
	[tilespmem:$0xD000] =	vst v63  }
0x16e: {  	s15 =	simm.s32 $0xC000  }
0x16f: {  	[tilespmem:s15], [sflag:$0x2] =	stream.indirect_vreg.gather [hbm4b:s6+s3], $0x80, v3, vm1, $0xb8;
	[tilespmem:$0xD000] =	vst v63  }
0x170: {  	s16 =	simm.s32 $0xC800  }
0x171: {  	[tilespmem:s16], [sflag:$0x2] =	stream.indirect_vreg.gather [hbm4b:s7+s3], $0x80, v3, vm1, $0xb8;
	[tilespmem:$0xD000] =	vst v63  }
0x172: {  	_ =	swait.ge [sflag:s9], $0x5000  }
0x173: {  	[sflag:s9] =	ssyncset.done $0x0  }
0x174: {  	s16 =	rddreg [dreg:$0x9];
	[sflag:s9] =	ssyncadd.s32 $0xFFFFB000  }
0x175: {  	[hbm4b:s16+s3] =	stream.linear.scatter [tilespmem:s31], [sflag:$0x3], $0x6000, $0x38;
	[tilespmem:$0xD000] =	vst v63  }
0x176: {  	_ =	swait.ge [sflag:s8], $0x6000  }
0x177: {  	[sflag:s8] =	ssyncset.done $0x0  }
0x178: {  	[sflag:s8] =	ssyncadd.s32 $0xFFFFA000  }
0x179: {  	v3 =	vld [tilespmem:$0x400];
	_ =	sdelay $0x4  }
0x17a: {  	v16 =	vshll.u32 v3, $0x3  }
0x17b: {  	v3 =	vand.u32 $0x7, v3;
	v4 =	vand.u32 $0xFFFFFFC0, v16  }
0x17c: {  	v3 =	vor.u32 v3, v4  }
0x17d: {  	v4 =	vperm.xlane v3, v0;
	_ =	sdelay $0x1  }
0x17e: {  	v4 =	vadd.s32 v1, v4;
	_ =	sdelay $0x4  }
0x17f: {  	[tilespmem:s31], [sflag:$0x1] =	stream.indirect_vreg.gather [hbm4b:s2+s3], $0x80, v4, vm0, $0xb8;
	[tilespmem:$0xD000] =	vst v63  }
0x180: {  	s19 =	simm.s32 $0x1800;
	v3 =	vperm.xlane v3, v2  }
0x181: {  	[tilespmem:s19], [sflag:$0x1] =	stream.indirect_vreg.gather [hbm4b:s5+s3], $0x80, v4, vm0, $0xb8;
	[tilespmem:$0xD000] =	vst v63  }
0x182: {  	s16 =	simm.s32 $0x2000;
	v3 =	vadd.s32 v1, v3  }
0x183: {  	[tilespmem:s16], [sflag:$0x1] =	stream.indirect_vreg.gather [hbm4b:s6+s3], $0x80, v4, vm0, $0xb8;
	[tilespmem:$0xD000] =	vst v63  }
0x184: {  	s19 =	simm.s32 $0x2800  }
0x185: {  	[tilespmem:s19], [sflag:$0x1] =	stream.indirect_vreg.gather [hbm4b:s7+s3], $0x80, v4, vm0, $0xb8;
	[tilespmem:$0xD000] =	vst v63  }
0x186: {  	s16 =	simm.s32 $0x3000  }
0x187: {  	[tilespmem:s16], [sflag:$0x1] =	stream.indirect_vreg.gather [hbm4b:s2+s3], $0x80, v3, vm0, $0xb8;
	[tilespmem:$0xD000] =	vst v63  }
0x188: {  	s17 =	simm.s32 $0x3800  }
0x189: {  	[tilespmem:s17], [sflag:$0x1] =	stream.indirect_vreg.gather [hbm4b:s5+s3], $0x80, v3, vm0, $0xb8;
	[tilespmem:$0xD000] =	vst v63  }
0x18a: {  	s19 =	simm.s32 $0x4000  }
0x18b: {  	[tilespmem:s19], [sflag:$0x1] =	stream.indirect_vreg.gather [hbm4b:s6+s3], $0x80, v3, vm0, $0xb8;
	[tilespmem:$0xD000] =	vst v63  }
0x18c: {  	s25 =	simm.s32 $0x4800  }
0x18d: {  	[tilespmem:s25], [sflag:$0x1] =	stream.indirect_vreg.gather [hbm4b:s7+s3], $0x80, v3, vm0, $0xb8;
	[tilespmem:$0xD000] =	vst v63  }
0x18e: {  	v3 =	vld.msk [tilespmem:$0x410], $0xf;
	_ =	sdelay $0x4  }
0x18f: {  	v17 =	vshll.u32 v3, $0x3  }
0x190: {  	v3 =	vand.u32 $0x7, v3;
	v4 =	vand.u32 $0xFFFFFFC0, v17  }
0x191: {  	v3 =	vor.u32 v3, v4  }
0x192: {  	v3 =	vperm.xlane v3, v0;
	_ =	sdelay $0x1  }
0x193: {  	v3 =	vadd.s32 v1, v3;
	_ =	sdelay $0x3  }
0x194: {  	s26 =	simm.s32 $0x5000  }
0x195: {  	[tilespmem:s26], [sflag:$0x1] =	stream.indirect_vreg.gather [hbm4b:s2+s3], $0x80, v3, vm1, $0xb8;
	[tilespmem:$0xD000] =	vst v63  }
0x196: {  	s28 =	simm.s32 $0x5800  }
0x197: {  	[tilespmem:s28], [sflag:$0x1] =	stream.indirect_vreg.gather [hbm4b:s5+s3], $0x80, v3, vm1, $0xb8;
	[tilespmem:$0xD000] =	vst v63  }
0x198: {  	s29 =	simm.s32 $0x6000  }
0x199: {  	[tilespmem:s29], [sflag:$0x1] =	stream.indirect_vreg.gather [hbm4b:s6+s3], $0x80, v3, vm1, $0xb8;
	[tilespmem:$0xD000] =	vst v63  }
0x19a: {  	s30 =	simm.s32 $0x6800  }
0x19b: {  	[tilespmem:s30], [sflag:$0x1] =	stream.indirect_vreg.gather [hbm4b:s7+s3], $0x80, v3, vm1, $0xb8;
	[tilespmem:$0xD000] =	vst v63  }
0x19c: {  	_ =	swait.ge [sflag:s11], $0x5000  }
0x19d: {  	[sflag:s11] =	ssyncset.done $0x0  }
0x19e: {  	s25 =	rddreg [dreg:$0xa];
	[sflag:s11] =	ssyncadd.s32 $0xFFFFB000  }
0x19f: {  	[hbm4b:s25+s3] =	stream.linear.scatter [tilespmem:s22], [sflag:$0x4], $0x6000, $0x38;
	[tilespmem:$0xD000] =	vst v63  }
0x1a0: {  	_ =	swait.ge [sflag:s12], $0x6000  }
0x1a1: {  	[sflag:s12] =	ssyncset.done $0x0  }
0x1a2: {  	[sflag:s12] =	ssyncadd.s32 $0xFFFFA000  }
0x1a3: {  	v3 =	vld [tilespmem:$0x480];
	_ =	sdelay $0x4  }
0x1a4: {  	v18 =	vshll.u32 v3, $0x3  }
0x1a5: {  	v3 =	vand.u32 $0x7, v3;
	v4 =	vand.u32 $0xFFFFFFC0, v18  }
0x1a6: {  	v3 =	vor.u32 v3, v4  }
0x1a7: {  	v4 =	vperm.xlane v3, v0;
	_ =	sdelay $0x1  }
0x1a8: {  	v4 =	vadd.s32 v1, v4;
	_ =	sdelay $0x4  }
0x1a9: {  	[tilespmem:s22], [sflag:$0x2] =	stream.indirect_vreg.gather [hbm4b:s2+s3], $0x80, v4, vm0, $0xb8;
	[tilespmem:$0xD000] =	vst v63  }
0x1aa: {  	s18 =	simm.s32 $0x7800;
	v3 =	vperm.xlane v3, v2  }
0x1ab: {  	[tilespmem:s18], [sflag:$0x2] =	stream.indirect_vreg.gather [hbm4b:s5+s3], $0x80, v4, vm0, $0xb8;
	[tilespmem:$0xD000] =	vst v63  }
0x1ac: {  	s24 =	simm.s32 $0x8000;
	v3 =	vadd.s32 v1, v3  }
0x1ad: {  	[tilespmem:s24], [sflag:$0x2] =	stream.indirect_vreg.gather [hbm4b:s6+s3], $0x80, v4, vm0, $0xb8;
	[tilespmem:$0xD000] =	vst v63  }
0x1ae: {  	s1 =	simm.s32 $0x8800  }
0x1af: {  	[tilespmem:s1], [sflag:$0x2] =	stream.indirect_vreg.gather [hbm4b:s7+s3], $0x80, v4, vm0, $0xb8;
	[tilespmem:$0xD000] =	vst v63  }
0x1b0: {  	s23 =	simm.s32 $0x9000  }
0x1b1: {  	[tilespmem:s23], [sflag:$0x2] =	stream.indirect_vreg.gather [hbm4b:s2+s3], $0x80, v3, vm0, $0xb8;
	[tilespmem:$0xD000] =	vst v63  }
0x1b2: {  	s14 =	simm.s32 $0x9800  }
0x1b3: {  	[tilespmem:s14], [sflag:$0x2] =	stream.indirect_vreg.gather [hbm4b:s5+s3], $0x80, v3, vm0, $0xb8;
	[tilespmem:$0xD000] =	vst v63  }
0x1b4: {  	s0 =	simm.s32 $0xA000  }
0x1b5: {  	[tilespmem:s0], [sflag:$0x2] =	stream.indirect_vreg.gather [hbm4b:s6+s3], $0x80, v3, vm0, $0xb8;
	[tilespmem:$0xD000] =	vst v63  }
0x1b6: {  	s4 =	simm.s32 $0xA800  }
0x1b7: {  	[tilespmem:s4], [sflag:$0x2] =	stream.indirect_vreg.gather [hbm4b:s7+s3], $0x80, v3, vm0, $0xb8;
	[tilespmem:$0xD000] =	vst v63  }
0x1b8: {  	v3 =	vld.msk [tilespmem:$0x490], $0xf;
	_ =	sdelay $0x4  }
0x1b9: {  	v19 =	vshll.u32 v3, $0x3  }
0x1ba: {  	v3 =	vand.u32 $0x7, v3;
	v4 =	vand.u32 $0xFFFFFFC0, v19  }
0x1bb: {  	v3 =	vor.u32 v3, v4  }
0x1bc: {  	v3 =	vperm.xlane v3, v0;
	_ =	sdelay $0x1  }
0x1bd: {  	v3 =	vadd.s32 v1, v3;
	_ =	sdelay $0x3  }
0x1be: {  	s10 =	simm.s32 $0xB000  }
0x1bf: {  	[tilespmem:s10], [sflag:$0x2] =	stream.indirect_vreg.gather [hbm4b:s2+s3], $0x80, v3, vm1, $0xb8;
	[tilespmem:$0xD000] =	vst v63  }
0x1c0: {  	s21 =	simm.s32 $0xB800  }
0x1c1: {  	[tilespmem:s21], [sflag:$0x2] =	stream.indirect_vreg.gather [hbm4b:s5+s3], $0x80, v3, vm1, $0xb8;
	[tilespmem:$0xD000] =	vst v63  }
0x1c2: {  	s20 =	simm.s32 $0xC000  }
0x1c3: {  	[tilespmem:s20], [sflag:$0x2] =	stream.indirect_vreg.gather [hbm4b:s6+s3], $0x80, v3, vm1, $0xb8;
	[tilespmem:$0xD000] =	vst v63  }
0x1c4: {  	s15 =	simm.s32 $0xC800  }
0x1c5: {  	[tilespmem:s15], [sflag:$0x2] =	stream.indirect_vreg.gather [hbm4b:s7+s3], $0x80, v3, vm1, $0xb8;
	[tilespmem:$0xD000] =	vst v63  }
0x1c6: {  	_ =	swait.ge [sflag:s9], $0x5000  }
0x1c7: {  	[sflag:s9] =	ssyncset.done $0x0  }
0x1c8: {  	s15 =	rddreg [dreg:$0xb];
	[sflag:s9] =	ssyncadd.s32 $0xFFFFB000  }
0x1c9: {  	[hbm4b:s15+s3] =	stream.linear.scatter [tilespmem:s31], [sflag:$0x3], $0x6000, $0x38;
	[tilespmem:$0xD000] =	vst v63  }
0x1ca: {  	_ =	swait.ge [sflag:s8], $0x6000  }
0x1cb: {  	[sflag:s8] =	ssyncset.done $0x0  }
0x1cc: {  	[sflag:s8] =	ssyncadd.s32 $0xFFFFA000  }
0x1cd: {  	v3 =	vld [tilespmem:$0x500];
	_ =	sdelay $0x4  }
0x1ce: {  	v20 =	vshll.u32 v3, $0x3  }
0x1cf: {  	v3 =	vand.u32 $0x7, v3;
	v4 =	vand.u32 $0xFFFFFFC0, v20  }
0x1d0: {  	v3 =	vor.u32 v3, v4  }
0x1d1: {  	v4 =	vperm.xlane v3, v0;
	_ =	sdelay $0x1  }
0x1d2: {  	v4 =	vadd.s32 v1, v4;
	_ =	sdelay $0x4  }
0x1d3: {  	[tilespmem:s31], [sflag:$0x1] =	stream.indirect_vreg.gather [hbm4b:s2+s3], $0x80, v4, vm0, $0xb8;
	[tilespmem:$0xD000] =	vst v63  }
0x1d4: {  	s21 =	simm.s32 $0x1800;
	v3 =	vperm.xlane v3, v2  }
0x1d5: {  	[tilespmem:s21], [sflag:$0x1] =	stream.indirect_vreg.gather [hbm4b:s5+s3], $0x80, v4, vm0, $0xb8;
	[tilespmem:$0xD000] =	vst v63  }
0x1d6: {  	s15 =	simm.s32 $0x2000;
	v3 =	vadd.s32 v1, v3  }
0x1d7: {  	[tilespmem:s15], [sflag:$0x1] =	stream.indirect_vreg.gather [hbm4b:s6+s3], $0x80, v4, vm0, $0xb8;
	[tilespmem:$0xD000] =	vst v63  }
0x1d8: {  	s21 =	simm.s32 $0x2800  }
0x1d9: {  	[tilespmem:s21], [sflag:$0x1] =	stream.indirect_vreg.gather [hbm4b:s7+s3], $0x80, v4, vm0, $0xb8;
	[tilespmem:$0xD000] =	vst v63  }
0x1da: {  	s15 =	simm.s32 $0x3000  }
0x1db: {  	[tilespmem:s15], [sflag:$0x1] =	stream.indirect_vreg.gather [hbm4b:s2+s3], $0x80, v3, vm0, $0xb8;
	[tilespmem:$0xD000] =	vst v63  }
0x1dc: {  	s17 =	simm.s32 $0x3800  }
0x1dd: {  	[tilespmem:s17], [sflag:$0x1] =	stream.indirect_vreg.gather [hbm4b:s5+s3], $0x80, v3, vm0, $0xb8;
	[tilespmem:$0xD000] =	vst v63  }
0x1de: {  	s16 =	simm.s32 $0x4000  }
0x1df: {  	[tilespmem:s16], [sflag:$0x1] =	stream.indirect_vreg.gather [hbm4b:s6+s3], $0x80, v3, vm0, $0xb8;
	[tilespmem:$0xD000] =	vst v63  }
0x1e0: {  	s21 =	simm.s32 $0x4800  }
0x1e1: {  	[tilespmem:s21], [sflag:$0x1] =	stream.indirect_vreg.gather [hbm4b:s7+s3], $0x80, v3, vm0, $0xb8;
	[tilespmem:$0xD000] =	vst v63  }
0x1e2: {  	v3 =	vld.msk [tilespmem:$0x510], $0xf;
	_ =	sdelay $0x4  }
0x1e3: {  	v21 =	vshll.u32 v3, $0x3  }
0x1e4: {  	v3 =	vand.u32 $0x7, v3;
	v4 =	vand.u32 $0xFFFFFFC0, v21  }
0x1e5: {  	v3 =	vor.u32 v3, v4  }
0x1e6: {  	v3 =	vperm.xlane v3, v0;
	_ =	sdelay $0x1  }
0x1e7: {  	v3 =	vadd.s32 v1, v3;
	_ =	sdelay $0x3  }
0x1e8: {  	s26 =	simm.s32 $0x5000  }
0x1e9: {  	[tilespmem:s26], [sflag:$0x1] =	stream.indirect_vreg.gather [hbm4b:s2+s3], $0x80, v3, vm1, $0xb8;
	[tilespmem:$0xD000] =	vst v63  }
0x1ea: {  	s28 =	simm.s32 $0x5800  }
0x1eb: {  	[tilespmem:s28], [sflag:$0x1] =	stream.indirect_vreg.gather [hbm4b:s5+s3], $0x80, v3, vm1, $0xb8;
	[tilespmem:$0xD000] =	vst v63  }
0x1ec: {  	s29 =	simm.s32 $0x6000  }
0x1ed: {  	[tilespmem:s29], [sflag:$0x1] =	stream.indirect_vreg.gather [hbm4b:s6+s3], $0x80, v3, vm1, $0xb8;
	[tilespmem:$0xD000] =	vst v63  }
0x1ee: {  	s30 =	simm.s32 $0x6800  }
0x1ef: {  	[tilespmem:s30], [sflag:$0x1] =	stream.indirect_vreg.gather [hbm4b:s7+s3], $0x80, v3, vm1, $0xb8;
	[tilespmem:$0xD000] =	vst v63  }
0x1f0: {  	_ =	swait.ge [sflag:s11], $0x5000  }
0x1f1: {  	[sflag:s11] =	ssyncset.done $0x0  }
0x1f2: {  	s30 =	rddreg [dreg:$0xc];
	[sflag:s11] =	ssyncadd.s32 $0xFFFFB000  }
0x1f3: {  	[hbm4b:s30+s3] =	stream.linear.scatter [tilespmem:s22], [sflag:$0x4], $0x6000, $0x38;
	[tilespmem:$0xD000] =	vst v63  }
0x1f4: {  	_ =	swait.ge [sflag:s12], $0x6000  }
0x1f5: {  	[sflag:s12] =	ssyncset.done $0x0  }
0x1f6: {  	[sflag:s12] =	ssyncadd.s32 $0xFFFFA000  }
0x1f7: {  	v3 =	vld [tilespmem:$0x580];
	_ =	sdelay $0x4  }
0x1f8: {  	v22 =	vshll.u32 v3, $0x3  }
0x1f9: {  	v3 =	vand.u32 $0x7, v3;
	v4 =	vand.u32 $0xFFFFFFC0, v22  }
0x1fa: {  	v3 =	vor.u32 v3, v4  }
0x1fb: {  	v4 =	vperm.xlane v3, v0;
	_ =	sdelay $0x1  }
0x1fc: {  	v4 =	vadd.s32 v1, v4;
	_ =	sdelay $0x4  }
0x1fd: {  	[tilespmem:s22], [sflag:$0x2] =	stream.indirect_vreg.gather [hbm4b:s2+s3], $0x80, v4, vm0, $0xb8;
	[tilespmem:$0xD000] =	vst v63  }
0x1fe: {  	s18 =	simm.s32 $0x7800;
	v3 =	vperm.xlane v3, v2  }
0x1ff: {  	[tilespmem:s18], [sflag:$0x2] =	stream.indirect_vreg.gather [hbm4b:s5+s3], $0x80, v4, vm0, $0xb8;
	[tilespmem:$0xD000] =	vst v63  }
0x200: {  	s25 =	simm.s32 $0x8000;
	v3 =	vadd.s32 v1, v3  }
0x201: {  	[tilespmem:s25], [sflag:$0x2] =	stream.indirect_vreg.gather [hbm4b:s6+s3], $0x80, v4, vm0, $0xb8;
	[tilespmem:$0xD000] =	vst v63  }
0x202: {  	s1 =	simm.s32 $0x8800  }
0x203: {  	[tilespmem:s1], [sflag:$0x2] =	stream.indirect_vreg.gather [hbm4b:s7+s3], $0x80, v4, vm0, $0xb8;
	[tilespmem:$0xD000] =	vst v63  }
0x204: {  	s24 =	simm.s32 $0x9000  }
0x205: {  	[tilespmem:s24], [sflag:$0x2] =	stream.indirect_vreg.gather [hbm4b:s2+s3], $0x80, v3, vm0, $0xb8;
	[tilespmem:$0xD000] =	vst v63  }
0x206: {  	s19 =	simm.s32 $0x9800  }
0x207: {  	[tilespmem:s19], [sflag:$0x2] =	stream.indirect_vreg.gather [hbm4b:s5+s3], $0x80, v3, vm0, $0xb8;
	[tilespmem:$0xD000] =	vst v63  }
0x208: {  	s0 =	simm.s32 $0xA000  }
0x209: {  	[tilespmem:s0], [sflag:$0x2] =	stream.indirect_vreg.gather [hbm4b:s6+s3], $0x80, v3, vm0, $0xb8;
	[tilespmem:$0xD000] =	vst v63  }
0x20a: {  	s4 =	simm.s32 $0xA800  }
0x20b: {  	[tilespmem:s4], [sflag:$0x2] =	stream.indirect_vreg.gather [hbm4b:s7+s3], $0x80, v3, vm0, $0xb8;
	[tilespmem:$0xD000] =	vst v63  }
0x20c: {  	v3 =	vld.msk [tilespmem:$0x590], $0xf;
	_ =	sdelay $0x4  }
0x20d: {  	v23 =	vshll.u32 v3, $0x3  }
0x20e: {  	v3 =	vand.u32 $0x7, v3;
	v4 =	vand.u32 $0xFFFFFFC0, v23  }
0x20f: {  	v3 =	vor.u32 v3, v4  }
0x210: {  	v3 =	vperm.xlane v3, v0;
	_ =	sdelay $0x1  }
0x211: {  	v3 =	vadd.s32 v1, v3;
	_ =	sdelay $0x3  }
0x212: {  	s10 =	simm.s32 $0xB000  }
0x213: {  	[tilespmem:s10], [sflag:$0x2] =	stream.indirect_vreg.gather [hbm4b:s2+s3], $0x80, v3, vm1, $0xb8;
	[tilespmem:$0xD000] =	vst v63  }
0x214: {  	s23 =	simm.s32 $0xB800  }
0x215: {  	[tilespmem:s23], [sflag:$0x2] =	stream.indirect_vreg.gather [hbm4b:s5+s3], $0x80, v3, vm1, $0xb8;
	[tilespmem:$0xD000] =	vst v63  }
0x216: {  	s20 =	simm.s32 $0xC000  }
0x217: {  	[tilespmem:s20], [sflag:$0x2] =	stream.indirect_vreg.gather [hbm4b:s6+s3], $0x80, v3, vm1, $0xb8;
	[tilespmem:$0xD000] =	vst v63  }
0x218: {  	s14 =	simm.s32 $0xC800  }
0x219: {  	[tilespmem:s14], [sflag:$0x2] =	stream.indirect_vreg.gather [hbm4b:s7+s3], $0x80, v3, vm1, $0xb8;
	[tilespmem:$0xD000] =	vst v63  }
0x21a: {  	_ =	swait.ge [sflag:s9], $0x5000  }
0x21b: {  	[sflag:s9] =	ssyncset.done $0x0  }
0x21c: {  	s20 =	rddreg [dreg:$0xd];
	[sflag:s9] =	ssyncadd.s32 $0xFFFFB000  }
0x21d: {  	[hbm4b:s20+s3] =	stream.linear.scatter [tilespmem:s31], [sflag:$0x3], $0x6000, $0x38;
	[tilespmem:$0xD000] =	vst v63  }
0x21e: {  	_ =	swait.ge [sflag:s8], $0x6000  }
0x21f: {  	[sflag:s8] =	ssyncset.done $0x0  }
0x220: {  	[sflag:s8] =	ssyncadd.s32 $0xFFFFA000  }
0x221: {  	v3 =	vld [tilespmem:$0x600];
	_ =	sdelay $0x4  }
0x222: {  	v24 =	vshll.u32 v3, $0x3  }
0x223: {  	v3 =	vand.u32 $0x7, v3;
	v4 =	vand.u32 $0xFFFFFFC0, v24  }
0x224: {  	v3 =	vor.u32 v3, v4  }
0x225: {  	v4 =	vperm.xlane v3, v0;
	_ =	sdelay $0x1  }
0x226: {  	v4 =	vadd.s32 v1, v4;
	_ =	sdelay $0x4  }
0x227: {  	[tilespmem:s31], [sflag:$0x1] =	stream.indirect_vreg.gather [hbm4b:s2+s3], $0x80, v4, vm0, $0xb8;
	[tilespmem:$0xD000] =	vst v63  }
0x228: {  	s23 =	simm.s32 $0x1800;
	v3 =	vperm.xlane v3, v2  }
0x229: {  	[tilespmem:s23], [sflag:$0x1] =	stream.indirect_vreg.gather [hbm4b:s5+s3], $0x80, v4, vm0, $0xb8;
	[tilespmem:$0xD000] =	vst v63  }
0x22a: {  	s24 =	simm.s32 $0x2000;
	v3 =	vadd.s32 v1, v3  }
0x22b: {  	[tilespmem:s24], [sflag:$0x1] =	stream.indirect_vreg.gather [hbm4b:s6+s3], $0x80, v4, vm0, $0xb8;
	[tilespmem:$0xD000] =	vst v63  }
0x22c: {  	s20 =	simm.s32 $0x2800  }
0x22d: {  	[tilespmem:s20], [sflag:$0x1] =	stream.indirect_vreg.gather [hbm4b:s7+s3], $0x80, v4, vm0, $0xb8;
	[tilespmem:$0xD000] =	vst v63  }
0x22e: {  	s24 =	simm.s32 $0x3000  }
0x22f: {  	[tilespmem:s24], [sflag:$0x1] =	stream.indirect_vreg.gather [hbm4b:s2+s3], $0x80, v3, vm0, $0xb8;
	[tilespmem:$0xD000] =	vst v63  }
0x230: {  	s15 =	simm.s32 $0x3800  }
0x231: {  	[tilespmem:s15], [sflag:$0x1] =	stream.indirect_vreg.gather [hbm4b:s5+s3], $0x80, v3, vm0, $0xb8;
	[tilespmem:$0xD000] =	vst v63  }
0x232: {  	s16 =	simm.s32 $0x4000  }
0x233: {  	[tilespmem:s16], [sflag:$0x1] =	stream.indirect_vreg.gather [hbm4b:s6+s3], $0x80, v3, vm0, $0xb8;
	[tilespmem:$0xD000] =	vst v63  }
0x234: {  	s17 =	simm.s32 $0x4800  }
0x235: {  	[tilespmem:s17], [sflag:$0x1] =	stream.indirect_vreg.gather [hbm4b:s7+s3], $0x80, v3, vm0, $0xb8;
	[tilespmem:$0xD000] =	vst v63  }
0x236: {  	v3 =	vld.msk [tilespmem:$0x610], $0xf;
	_ =	sdelay $0x4  }
0x237: {  	v25 =	vshll.u32 v3, $0x3  }
0x238: {  	v3 =	vand.u32 $0x7, v3;
	v4 =	vand.u32 $0xFFFFFFC0, v25  }
0x239: {  	v3 =	vor.u32 v3, v4  }
0x23a: {  	v3 =	vperm.xlane v3, v0;
	_ =	sdelay $0x1  }
0x23b: {  	v3 =	vadd.s32 v1, v3;
	_ =	sdelay $0x3  }
0x23c: {  	s21 =	simm.s32 $0x5000  }
0x23d: {  	[tilespmem:s21], [sflag:$0x1] =	stream.indirect_vreg.gather [hbm4b:s2+s3], $0x80, v3, vm1, $0xb8;
	[tilespmem:$0xD000] =	vst v63  }
0x23e: {  	s20 =	simm.s32 $0x5800  }
0x23f: {  	[tilespmem:s20], [sflag:$0x1] =	stream.indirect_vreg.gather [hbm4b:s5+s3], $0x80, v3, vm1, $0xb8;
	[tilespmem:$0xD000] =	vst v63  }
0x240: {  	s29 =	simm.s32 $0x6000  }
0x241: {  	[tilespmem:s29], [sflag:$0x1] =	stream.indirect_vreg.gather [hbm4b:s6+s3], $0x80, v3, vm1, $0xb8;
	[tilespmem:$0xD000] =	vst v63  }
0x242: {  	s29 =	simm.s32 $0x6800  }
0x243: {  	[tilespmem:s29], [sflag:$0x1] =	stream.indirect_vreg.gather [hbm4b:s7+s3], $0x80, v3, vm1, $0xb8;
	[tilespmem:$0xD000] =	vst v63  }
0x244: {  	_ =	swait.ge [sflag:s11], $0x5000  }
0x245: {  	[sflag:s11] =	ssyncset.done $0x0  }
0x246: {  	s29 =	rddreg [dreg:$0xe];
	[sflag:s11] =	ssyncadd.s32 $0xFFFFB000  }
0x247: {  	[hbm4b:s29+s3] =	stream.linear.scatter [tilespmem:s22], [sflag:$0x4], $0x6000, $0x38;
	[tilespmem:$0xD000] =	vst v63  }
0x248: {  	_ =	swait.ge [sflag:s12], $0x6000  }
0x249: {  	[sflag:s12] =	ssyncset.done $0x0  }
0x24a: {  	[sflag:s12] =	ssyncadd.s32 $0xFFFFA000  }
0x24b: {  	v3 =	vld [tilespmem:$0x680];
	_ =	sdelay $0x4  }
0x24c: {  	v26 =	vshll.u32 v3, $0x3  }
0x24d: {  	v3 =	vand.u32 $0x7, v3;
	v4 =	vand.u32 $0xFFFFFFC0, v26  }
0x24e: {  	v3 =	vor.u32 v3, v4  }
0x24f: {  	v4 =	vperm.xlane v3, v0;
	_ =	sdelay $0x1  }
0x250: {  	v4 =	vadd.s32 v1, v4;
	_ =	sdelay $0x4  }
0x251: {  	[tilespmem:s22], [sflag:$0x2] =	stream.indirect_vreg.gather [hbm4b:s2+s3], $0x80, v4, vm0, $0xb8;
	[tilespmem:$0xD000] =	vst v63  }
0x252: {  	s30 =	simm.s32 $0x7800;
	v3 =	vperm.xlane v3, v2  }
0x253: {  	[tilespmem:s30], [sflag:$0x2] =	stream.indirect_vreg.gather [hbm4b:s5+s3], $0x80, v4, vm0, $0xb8;
	[tilespmem:$0xD000] =	vst v63  }
0x254: {  	s28 =	simm.s32 $0x8000;
	v3 =	vadd.s32 v1, v3  }
0x255: {  	[tilespmem:s28], [sflag:$0x2] =	stream.indirect_vreg.gather [hbm4b:s6+s3], $0x80, v4, vm0, $0xb8;
	[tilespmem:$0xD000] =	vst v63  }
0x256: {  	s1 =	simm.s32 $0x8800  }
0x257: {  	[tilespmem:s1], [sflag:$0x2] =	stream.indirect_vreg.gather [hbm4b:s7+s3], $0x80, v4, vm0, $0xb8;
	[tilespmem:$0xD000] =	vst v63  }
0x258: {  	s26 =	simm.s32 $0x9000  }
0x259: {  	[tilespmem:s26], [sflag:$0x2] =	stream.indirect_vreg.gather [hbm4b:s2+s3], $0x80, v3, vm0, $0xb8;
	[tilespmem:$0xD000] =	vst v63  }
0x25a: {  	s18 =	simm.s32 $0x9800  }
0x25b: {  	[tilespmem:s18], [sflag:$0x2] =	stream.indirect_vreg.gather [hbm4b:s5+s3], $0x80, v3, vm0, $0xb8;
	[tilespmem:$0xD000] =	vst v63  }
0x25c: {  	s0 =	simm.s32 $0xA000  }
0x25d: {  	[tilespmem:s0], [sflag:$0x2] =	stream.indirect_vreg.gather [hbm4b:s6+s3], $0x80, v3, vm0, $0xb8;
	[tilespmem:$0xD000] =	vst v63  }
0x25e: {  	s4 =	simm.s32 $0xA800  }
0x25f: {  	[tilespmem:s4], [sflag:$0x2] =	stream.indirect_vreg.gather [hbm4b:s7+s3], $0x80, v3, vm0, $0xb8;
	[tilespmem:$0xD000] =	vst v63  }
0x260: {  	v3 =	vld.msk [tilespmem:$0x690], $0xf;
	_ =	sdelay $0x4  }
0x261: {  	v27 =	vshll.u32 v3, $0x3  }
0x262: {  	v3 =	vand.u32 $0x7, v3;
	v4 =	vand.u32 $0xFFFFFFC0, v27  }
0x263: {  	v3 =	vor.u32 v3, v4  }
0x264: {  	v3 =	vperm.xlane v3, v0;
	_ =	sdelay $0x1  }
0x265: {  	v3 =	vadd.s32 v1, v3;
	_ =	sdelay $0x3  }
0x266: {  	s10 =	simm.s32 $0xB000  }
0x267: {  	[tilespmem:s10], [sflag:$0x2] =	stream.indirect_vreg.gather [hbm4b:s2+s3], $0x80, v3, vm1, $0xb8;
	[tilespmem:$0xD000] =	vst v63  }
0x268: {  	s25 =	simm.s32 $0xB800  }
0x269: {  	[tilespmem:s25], [sflag:$0x2] =	stream.indirect_vreg.gather [hbm4b:s5+s3], $0x80, v3, vm1, $0xb8;
	[tilespmem:$0xD000] =	vst v63  }
0x26a: {  	s19 =	simm.s32 $0xC000  }
0x26b: {  	[tilespmem:s19], [sflag:$0x2] =	stream.indirect_vreg.gather [hbm4b:s6+s3], $0x80, v3, vm1, $0xb8;
	[tilespmem:$0xD000] =	vst v63  }
0x26c: {  	s14 =	simm.s32 $0xC800  }
0x26d: {  	[tilespmem:s14], [sflag:$0x2] =	stream.indirect_vreg.gather [hbm4b:s7+s3], $0x80, v3, vm1, $0xb8;
	[tilespmem:$0xD000] =	vst v63  }
0x26e: {  	_ =	swait.ge [sflag:s9], $0x5000  }
0x26f: {  	[sflag:s9] =	ssyncset.done $0x0  }
0x270: {  	s14 =	rddreg [dreg:$0xf];
	[sflag:s9] =	ssyncadd.s32 $0xFFFFB000  }
0x271: {  	[hbm4b:s14+s3] =	stream.linear.scatter [tilespmem:s31], [sflag:$0x3], $0x6000, $0x38;
	[tilespmem:$0xD000] =	vst v63  }
0x272: {  	_ =	swait.ge [sflag:s8], $0x6000  }
0x273: {  	[sflag:s8] =	ssyncset.done $0x0  }
0x274: {  	[sflag:s8] =	ssyncadd.s32 $0xFFFFA000  }
0x275: {  	v3 =	vld [tilespmem:$0x700];
	_ =	sdelay $0x4  }
0x276: {  	v28 =	vshll.u32 v3, $0x3  }
0x277: {  	v3 =	vand.u32 $0x7, v3;
	v4 =	vand.u32 $0xFFFFFFC0, v28  }
0x278: {  	v3 =	vor.u32 v3, v4  }
0x279: {  	v4 =	vperm.xlane v3, v0;
	_ =	sdelay $0x1  }
0x27a: {  	v4 =	vadd.s32 v1, v4;
	_ =	sdelay $0x4  }
0x27b: {  	[tilespmem:s31], [sflag:$0x1] =	stream.indirect_vreg.gather [hbm4b:s2+s3], $0x80, v4, vm0, $0xb8;
	[tilespmem:$0xD000] =	vst v63  }
0x27c: {  	s23 =	simm.s32 $0x1800;
	v3 =	vperm.xlane v3, v2  }
0x27d: {  	[tilespmem:s23], [sflag:$0x1] =	stream.indirect_vreg.gather [hbm4b:s5+s3], $0x80, v4, vm0, $0xb8;
	[tilespmem:$0xD000] =	vst v63  }
0x27e: {  	s26 =	simm.s32 $0x2000;
	v3 =	vadd.s32 v1, v3  }
0x27f: {  	[tilespmem:s26], [sflag:$0x1] =	stream.indirect_vreg.gather [hbm4b:s6+s3], $0x80, v4, vm0, $0xb8;
	[tilespmem:$0xD000] =	vst v63  }
0x280: {  	s23 =	simm.s32 $0x2800  }
0x281: {  	[tilespmem:s23], [sflag:$0x1] =	stream.indirect_vreg.gather [hbm4b:s7+s3], $0x80, v4, vm0, $0xb8;
	[tilespmem:$0xD000] =	vst v63  }
0x282: {  	s26 =	simm.s32 $0x3000  }
0x283: {  	[tilespmem:s26], [sflag:$0x1] =	stream.indirect_vreg.gather [hbm4b:s2+s3], $0x80, v3, vm0, $0xb8;
	[tilespmem:$0xD000] =	vst v63  }
0x284: {  	s24 =	simm.s32 $0x3800  }
0x285: {  	[tilespmem:s24], [sflag:$0x1] =	stream.indirect_vreg.gather [hbm4b:s5+s3], $0x80, v3, vm0, $0xb8;
	[tilespmem:$0xD000] =	vst v63  }
0x286: {  	s16 =	simm.s32 $0x4000  }
0x287: {  	[tilespmem:s16], [sflag:$0x1] =	stream.indirect_vreg.gather [hbm4b:s6+s3], $0x80, v3, vm0, $0xb8;
	[tilespmem:$0xD000] =	vst v63  }
0x288: {  	s17 =	simm.s32 $0x4800  }
0x289: {  	[tilespmem:s17], [sflag:$0x1] =	stream.indirect_vreg.gather [hbm4b:s7+s3], $0x80, v3, vm0, $0xb8;
	[tilespmem:$0xD000] =	vst v63  }
0x28a: {  	v3 =	vld.msk [tilespmem:$0x710], $0xf;
	_ =	sdelay $0x4  }
0x28b: {  	v29 =	vshll.u32 v3, $0x3  }
0x28c: {  	v3 =	vand.u32 $0x7, v3;
	v4 =	vand.u32 $0xFFFFFFC0, v29  }
0x28d: {  	v3 =	vor.u32 v3, v4  }
0x28e: {  	v3 =	vperm.xlane v3, v0;
	_ =	sdelay $0x1  }
0x28f: {  	v3 =	vadd.s32 v1, v3;
	_ =	sdelay $0x3  }
0x290: {  	s21 =	simm.s32 $0x5000  }
0x291: {  	[tilespmem:s21], [sflag:$0x1] =	stream.indirect_vreg.gather [hbm4b:s2+s3], $0x80, v3, vm1, $0xb8;
	[tilespmem:$0xD000] =	vst v63  }
0x292: {  	s15 =	simm.s32 $0x5800  }
0x293: {  	[tilespmem:s15], [sflag:$0x1] =	stream.indirect_vreg.gather [hbm4b:s5+s3], $0x80, v3, vm1, $0xb8;
	[tilespmem:$0xD000] =	vst v63  }
0x294: {  	s20 =	simm.s32 $0x6000  }
0x295: {  	[tilespmem:s20], [sflag:$0x1] =	stream.indirect_vreg.gather [hbm4b:s6+s3], $0x80, v3, vm1, $0xb8;
	[tilespmem:$0xD000] =	vst v63  }
0x296: {  	s21 =	simm.s32 $0x6800  }
0x297: {  	[tilespmem:s21], [sflag:$0x1] =	stream.indirect_vreg.gather [hbm4b:s7+s3], $0x80, v3, vm1, $0xb8;
	[tilespmem:$0xD000] =	vst v63  }
0x298: {  	_ =	swait.ge [sflag:s11], $0x5000  }
0x299: {  	[sflag:s11] =	ssyncset.done $0x0  }
0x29a: {  	s20 =	rddreg [dreg:$0x10];
	[sflag:s11] =	ssyncadd.s32 $0xFFFFB000  }
0x29b: {  	[hbm4b:s20+s3] =	stream.linear.scatter [tilespmem:s22], [sflag:$0x4], $0x6000, $0x38;
	[tilespmem:$0xD000] =	vst v63  }
0x29c: {  	_ =	swait.ge [sflag:s12], $0x6000  }
0x29d: {  	[sflag:s12] =	ssyncset.done $0x0  }
0x29e: {  	[sflag:s12] =	ssyncadd.s32 $0xFFFFA000  }
0x29f: {  	v3 =	vld [tilespmem:$0x780];
	_ =	sdelay $0x4  }
0x2a0: {  	v30 =	vshll.u32 v3, $0x3  }
0x2a1: {  	v3 =	vand.u32 $0x7, v3;
	v4 =	vand.u32 $0xFFFFFFC0, v30  }
0x2a2: {  	v3 =	vor.u32 v3, v4  }
0x2a3: {  	v4 =	vperm.xlane v3, v0;
	_ =	sdelay $0x1  }
0x2a4: {  	v4 =	vadd.s32 v1, v4;
	_ =	sdelay $0x4  }
0x2a5: {  	[tilespmem:s22], [sflag:$0x2] =	stream.indirect_vreg.gather [hbm4b:s2+s3], $0x80, v4, vm0, $0xb8;
	[tilespmem:$0xD000] =	vst v63  }
0x2a6: {  	s21 =	simm.s32 $0x7800;
	v3 =	vperm.xlane v3, v2  }
0x2a7: {  	[tilespmem:s21], [sflag:$0x2] =	stream.indirect_vreg.gather [hbm4b:s5+s3], $0x80, v4, vm0, $0xb8;
	[tilespmem:$0xD000] =	vst v63  }
0x2a8: {  	s30 =	simm.s32 $0x8000;
	v3 =	vadd.s32 v1, v3  }
0x2a9: {  	[tilespmem:s30], [sflag:$0x2] =	stream.indirect_vreg.gather [hbm4b:s6+s3], $0x80, v4, vm0, $0xb8;
	[tilespmem:$0xD000] =	vst v63  }
0x2aa: {  	s28 =	simm.s32 $0x8800  }
0x2ab: {  	[tilespmem:s28], [sflag:$0x2] =	stream.indirect_vreg.gather [hbm4b:s7+s3], $0x80, v4, vm0, $0xb8;
	[tilespmem:$0xD000] =	vst v63  }
0x2ac: {  	s29 =	simm.s32 $0x9000  }
0x2ad: {  	[tilespmem:s29], [sflag:$0x2] =	stream.indirect_vreg.gather [hbm4b:s2+s3], $0x80, v3, vm0, $0xb8;
	[tilespmem:$0xD000] =	vst v63  }
0x2ae: {  	s18 =	simm.s32 $0x9800  }
0x2af: {  	[tilespmem:s18], [sflag:$0x2] =	stream.indirect_vreg.gather [hbm4b:s5+s3], $0x80, v3, vm0, $0xb8;
	[tilespmem:$0xD000] =	vst v63  }
0x2b0: {  	s1 =	simm.s32 $0xA000  }
0x2b1: {  	[tilespmem:s1], [sflag:$0x2] =	stream.indirect_vreg.gather [hbm4b:s6+s3], $0x80, v3, vm0, $0xb8;
	[tilespmem:$0xD000] =	vst v63  }
0x2b2: {  	s0 =	simm.s32 $0xA800  }
0x2b3: {  	[tilespmem:s0], [sflag:$0x2] =	stream.indirect_vreg.gather [hbm4b:s7+s3], $0x80, v3, vm0, $0xb8;
	[tilespmem:$0xD000] =	vst v63  }
0x2b4: {  	v3 =	vld.msk [tilespmem:$0x790], $0xf;
	_ =	sdelay $0x4  }
0x2b5: {  	v31 =	vshll.u32 v3, $0x3  }
0x2b6: {  	v3 =	vand.u32 $0x7, v3;
	v4 =	vand.u32 $0xFFFFFFC0, v31  }
0x2b7: {  	v3 =	vor.u32 v3, v4  }
0x2b8: {  	v3 =	vperm.xlane v3, v0;
	_ =	sdelay $0x1  }
0x2b9: {  	v3 =	vadd.s32 v1, v3;
	_ =	sdelay $0x3  }
0x2ba: {  	s4 =	simm.s32 $0xB000  }
0x2bb: {  	[tilespmem:s4], [sflag:$0x2] =	stream.indirect_vreg.gather [hbm4b:s2+s3], $0x80, v3, vm1, $0xb8;
	[tilespmem:$0xD000] =	vst v63  }
0x2bc: {  	s25 =	simm.s32 $0xB800  }
0x2bd: {  	[tilespmem:s25], [sflag:$0x2] =	stream.indirect_vreg.gather [hbm4b:s5+s3], $0x80, v3, vm1, $0xb8;
	[tilespmem:$0xD000] =	vst v63  }
0x2be: {  	s19 =	simm.s32 $0xC000  }
0x2bf: {  	[tilespmem:s19], [sflag:$0x2] =	stream.indirect_vreg.gather [hbm4b:s6+s3], $0x80, v3, vm1, $0xb8;
	[tilespmem:$0xD000] =	vst v63  }
0x2c0: {  	s10 =	simm.s32 $0xC800  }
0x2c1: {  	[tilespmem:s10], [sflag:$0x2] =	stream.indirect_vreg.gather [hbm4b:s7+s3], $0x80, v3, vm1, $0xb8;
	[tilespmem:$0xD000] =	vst v63  }
0x2c2: {  	_ =	swait.ge [sflag:s9], $0x5000  }
0x2c3: {  	[sflag:s9] =	ssyncset.done $0x0  }
0x2c4: {  	s25 =	rddreg [dreg:$0x11];
	[sflag:s9] =	ssyncadd.s32 $0xFFFFB000  }
0x2c5: {  	[hbm4b:s25+s3] =	stream.linear.scatter [tilespmem:s31], [sflag:$0x3], $0x6000, $0x38;
	[tilespmem:$0xD000] =	vst v63  }
0x2c6: {  	_ =	swait.ge [sflag:s8], $0x6000  }
0x2c7: {  	[sflag:s8] =	ssyncset.done $0x0  }
0x2c8: {  	[sflag:s8] =	ssyncadd.s32 $0xFFFFA000  }
0x2c9: {  	v3 =	vld [tilespmem:$0x800];
	_ =	sdelay $0x4  }
0x2ca: {  	v32 =	vshll.u32 v3, $0x3  }
0x2cb: {  	v3 =	vand.u32 $0x7, v3;
	v4 =	vand.u32 $0xFFFFFFC0, v32  }
0x2cc: {  	v3 =	vor.u32 v3, v4  }
0x2cd: {  	v4 =	vperm.xlane v3, v0;
	_ =	sdelay $0x1  }
0x2ce: {  	v4 =	vadd.s32 v1, v4;
	_ =	sdelay $0x4  }
0x2cf: {  	[tilespmem:s31], [sflag:$0x1] =	stream.indirect_vreg.gather [hbm4b:s2+s3], $0x80, v4, vm0, $0xb8;
	[tilespmem:$0xD000] =	vst v63  }
0x2d0: {  	s14 =	simm.s32 $0x1800;
	v3 =	vperm.xlane v3, v2  }
0x2d1: {  	[tilespmem:s14], [sflag:$0x1] =	stream.indirect_vreg.gather [hbm4b:s5+s3], $0x80, v4, vm0, $0xb8;
	[tilespmem:$0xD000] =	vst v63  }
0x2d2: {  	s25 =	simm.s32 $0x2000;
	v3 =	vadd.s32 v1, v3  }
0x2d3: {  	[tilespmem:s25], [sflag:$0x1] =	stream.indirect_vreg.gather [hbm4b:s6+s3], $0x80, v4, vm0, $0xb8;
	[tilespmem:$0xD000] =	vst v63  }
0x2d4: {  	s25 =	simm.s32 $0x2800  }
0x2d5: {  	[tilespmem:s25], [sflag:$0x1] =	stream.indirect_vreg.gather [hbm4b:s7+s3], $0x80, v4, vm0, $0xb8;
	[tilespmem:$0xD000] =	vst v63  }
0x2d6: {  	s25 =	simm.s32 $0x3000  }
0x2d7: {  	[tilespmem:s25], [sflag:$0x1] =	stream.indirect_vreg.gather [hbm4b:s2+s3], $0x80, v3, vm0, $0xb8;
	[tilespmem:$0xD000] =	vst v63  }
0x2d8: {  	s23 =	simm.s32 $0x3800  }
0x2d9: {  	[tilespmem:s23], [sflag:$0x1] =	stream.indirect_vreg.gather [hbm4b:s5+s3], $0x80, v3, vm0, $0xb8;
	[tilespmem:$0xD000] =	vst v63  }
0x2da: {  	s26 =	simm.s32 $0x4000  }
0x2db: {  	[tilespmem:s26], [sflag:$0x1] =	stream.indirect_vreg.gather [hbm4b:s6+s3], $0x80, v3, vm0, $0xb8;
	[tilespmem:$0xD000] =	vst v63  }
0x2dc: {  	s17 =	simm.s32 $0x4800  }
0x2dd: {  	[tilespmem:s17], [sflag:$0x1] =	stream.indirect_vreg.gather [hbm4b:s7+s3], $0x80, v3, vm0, $0xb8;
	[tilespmem:$0xD000] =	vst v63  }
0x2de: {  	v3 =	vld.msk [tilespmem:$0x810], $0xf;
	_ =	sdelay $0x4  }
0x2df: {  	v33 =	vshll.u32 v3, $0x3  }
0x2e0: {  	v3 =	vand.u32 $0x7, v3;
	v4 =	vand.u32 $0xFFFFFFC0, v33  }
0x2e1: {  	v3 =	vor.u32 v3, v4  }
0x2e2: {  	v3 =	vperm.xlane v3, v0;
	_ =	sdelay $0x1  }
0x2e3: {  	v3 =	vadd.s32 v1, v3;
	_ =	sdelay $0x3  }
0x2e4: {  	s24 =	simm.s32 $0x5000  }
0x2e5: {  	[tilespmem:s24], [sflag:$0x1] =	stream.indirect_vreg.gather [hbm4b:s2+s3], $0x80, v3, vm1, $0xb8;
	[tilespmem:$0xD000] =	vst v63  }
0x2e6: {  	s15 =	simm.s32 $0x5800  }
0x2e7: {  	[tilespmem:s15], [sflag:$0x1] =	stream.indirect_vreg.gather [hbm4b:s5+s3], $0x80, v3, vm1, $0xb8;
	[tilespmem:$0xD000] =	vst v63  }
0x2e8: {  	s16 =	simm.s32 $0x6000  }
0x2e9: {  	[tilespmem:s16], [sflag:$0x1] =	stream.indirect_vreg.gather [hbm4b:s6+s3], $0x80, v3, vm1, $0xb8;
	[tilespmem:$0xD000] =	vst v63  }
0x2ea: {  	s24 =	simm.s32 $0x6800  }
0x2eb: {  	[tilespmem:s24], [sflag:$0x1] =	stream.indirect_vreg.gather [hbm4b:s7+s3], $0x80, v3, vm1, $0xb8;
	[tilespmem:$0xD000] =	vst v63  }
0x2ec: {  	_ =	swait.ge [sflag:s11], $0x5000  }
0x2ed: {  	[sflag:s11] =	ssyncset.done $0x0  }
0x2ee: {  	s24 =	rddreg [dreg:$0x12];
	[sflag:s11] =	ssyncadd.s32 $0xFFFFB000  }
0x2ef: {  	[hbm4b:s24+s3] =	stream.linear.scatter [tilespmem:s22], [sflag:$0x4], $0x6000, $0x38;
	[tilespmem:$0xD000] =	vst v63  }
0x2f0: {  	_ =	swait.ge [sflag:s12], $0x6000  }
0x2f1: {  	[sflag:s12] =	ssyncset.done $0x0  }
0x2f2: {  	[sflag:s12] =	ssyncadd.s32 $0xFFFFA000  }
0x2f3: {  	v3 =	vld [tilespmem:$0x880];
	_ =	sdelay $0x4  }
0x2f4: {  	v34 =	vshll.u32 v3, $0x3  }
0x2f5: {  	v3 =	vand.u32 $0x7, v3;
	v4 =	vand.u32 $0xFFFFFFC0, v34  }
0x2f6: {  	v3 =	vor.u32 v3, v4  }
0x2f7: {  	v4 =	vperm.xlane v3, v0;
	_ =	sdelay $0x1  }
0x2f8: {  	v4 =	vadd.s32 v1, v4;
	_ =	sdelay $0x4  }
0x2f9: {  	[tilespmem:s22], [sflag:$0x2] =	stream.indirect_vreg.gather [hbm4b:s2+s3], $0x80, v4, vm0, $0xb8;
	[tilespmem:$0xD000] =	vst v63  }
0x2fa: {  	s21 =	simm.s32 $0x7800;
	v3 =	vperm.xlane v3, v2  }
0x2fb: {  	[tilespmem:s21], [sflag:$0x2] =	stream.indirect_vreg.gather [hbm4b:s5+s3], $0x80, v4, vm0, $0xb8;
	[tilespmem:$0xD000] =	vst v63  }
0x2fc: {  	s30 =	simm.s32 $0x8000;
	v3 =	vadd.s32 v1, v3  }
0x2fd: {  	[tilespmem:s30], [sflag:$0x2] =	stream.indirect_vreg.gather [hbm4b:s6+s3], $0x80, v4, vm0, $0xb8;
	[tilespmem:$0xD000] =	vst v63  }
0x2fe: {  	s20 =	simm.s32 $0x8800  }
0x2ff: {  	[tilespmem:s20], [sflag:$0x2] =	stream.indirect_vreg.gather [hbm4b:s7+s3], $0x80, v4, vm0, $0xb8;
	[tilespmem:$0xD000] =	vst v63  }
0x300: {  	s29 =	simm.s32 $0x9000  }
0x301: {  	[tilespmem:s29], [sflag:$0x2] =	stream.indirect_vreg.gather [hbm4b:s2+s3], $0x80, v3, vm0, $0xb8;
	[tilespmem:$0xD000] =	vst v63  }
0x302: {  	s18 =	simm.s32 $0x9800  }
0x303: {  	[tilespmem:s18], [sflag:$0x2] =	stream.indirect_vreg.gather [hbm4b:s5+s3], $0x80, v3, vm0, $0xb8;
	[tilespmem:$0xD000] =	vst v63  }
0x304: {  	s1 =	simm.s32 $0xA000  }
0x305: {  	[tilespmem:s1], [sflag:$0x2] =	stream.indirect_vreg.gather [hbm4b:s6+s3], $0x80, v3, vm0, $0xb8;
	[tilespmem:$0xD000] =	vst v63  }
0x306: {  	s28 =	simm.s32 $0xA800  }
0x307: {  	[tilespmem:s28], [sflag:$0x2] =	stream.indirect_vreg.gather [hbm4b:s7+s3], $0x80, v3, vm0, $0xb8;
	[tilespmem:$0xD000] =	vst v63  }
0x308: {  	v3 =	vld.msk [tilespmem:$0x890], $0xf;
	_ =	sdelay $0x4  }
0x309: {  	v35 =	vshll.u32 v3, $0x3  }
0x30a: {  	v3 =	vand.u32 $0x7, v3;
	v4 =	vand.u32 $0xFFFFFFC0, v35  }
0x30b: {  	v3 =	vor.u32 v3, v4  }
0x30c: {  	v3 =	vperm.xlane v3, v0;
	_ =	sdelay $0x1  }
0x30d: {  	v3 =	vadd.s32 v1, v3;
	_ =	sdelay $0x3  }
0x30e: {  	s0 =	simm.s32 $0xB000  }
0x30f: {  	[tilespmem:s0], [sflag:$0x2] =	stream.indirect_vreg.gather [hbm4b:s2+s3], $0x80, v3, vm1, $0xb8;
	[tilespmem:$0xD000] =	vst v63  }
0x310: {  	s4 =	simm.s32 $0xB800  }
0x311: {  	[tilespmem:s4], [sflag:$0x2] =	stream.indirect_vreg.gather [hbm4b:s5+s3], $0x80, v3, vm1, $0xb8;
	[tilespmem:$0xD000] =	vst v63  }
0x312: {  	s19 =	simm.s32 $0xC000  }
0x313: {  	[tilespmem:s19], [sflag:$0x2] =	stream.indirect_vreg.gather [hbm4b:s6+s3], $0x80, v3, vm1, $0xb8;
	[tilespmem:$0xD000] =	vst v63  }
0x314: {  	s10 =	simm.s32 $0xC800  }
0x315: {  	[tilespmem:s10], [sflag:$0x2] =	stream.indirect_vreg.gather [hbm4b:s7+s3], $0x80, v3, vm1, $0xb8;
	[tilespmem:$0xD000] =	vst v63  }
0x316: {  	_ =	swait.ge [sflag:s9], $0x5000  }
0x317: {  	[sflag:s9] =	ssyncset.done $0x0  }
0x318: {  	s28 =	rddreg [dreg:$0x13];
	[sflag:s9] =	ssyncadd.s32 $0xFFFFB000  }
0x319: {  	[hbm4b:s28+s3] =	stream.linear.scatter [tilespmem:s31], [sflag:$0x3], $0x6000, $0x38;
	[tilespmem:$0xD000] =	vst v63  }
0x31a: {  	_ =	swait.ge [sflag:s8], $0x6000  }
0x31b: {  	[sflag:s8] =	ssyncset.done $0x0  }
0x31c: {  	[sflag:s8] =	ssyncadd.s32 $0xFFFFA000  }
0x31d: {  	v3 =	vld [tilespmem:$0x900];
	_ =	sdelay $0x4  }
0x31e: {  	v36 =	vshll.u32 v3, $0x3  }
0x31f: {  	v3 =	vand.u32 $0x7, v3;
	v4 =	vand.u32 $0xFFFFFFC0, v36  }
0x320: {  	v3 =	vor.u32 v3, v4  }
0x321: {  	v4 =	vperm.xlane v3, v0;
	_ =	sdelay $0x1  }
0x322: {  	v4 =	vadd.s32 v1, v4;
	_ =	sdelay $0x4  }
0x323: {  	[tilespmem:s31], [sflag:$0x1] =	stream.indirect_vreg.gather [hbm4b:s2+s3], $0x80, v4, vm0, $0xb8;
	[tilespmem:$0xD000] =	vst v63  }
0x324: {  	s14 =	simm.s32 $0x1800;
	v3 =	vperm.xlane v3, v2  }
0x325: {  	[tilespmem:s14], [sflag:$0x1] =	stream.indirect_vreg.gather [hbm4b:s5+s3], $0x80, v4, vm0, $0xb8;
	[tilespmem:$0xD000] =	vst v63  }
0x326: {  	s28 =	simm.s32 $0x2000;
	v3 =	vadd.s32 v1, v3  }
0x327: {  	[tilespmem:s28], [sflag:$0x1] =	stream.indirect_vreg.gather [hbm4b:s6+s3], $0x80, v4, vm0, $0xb8;
	[tilespmem:$0xD000] =	vst v63  }
0x328: {  	s28 =	simm.s32 $0x2800  }
0x329: {  	[tilespmem:s28], [sflag:$0x1] =	stream.indirect_vreg.gather [hbm4b:s7+s3], $0x80, v4, vm0, $0xb8;
	[tilespmem:$0xD000] =	vst v63  }
0x32a: {  	s28 =	simm.s32 $0x3000  }
0x32b: {  	[tilespmem:s28], [sflag:$0x1] =	stream.indirect_vreg.gather [hbm4b:s2+s3], $0x80, v3, vm0, $0xb8;
	[tilespmem:$0xD000] =	vst v63  }
0x32c: {  	s23 =	simm.s32 $0x3800  }
0x32d: {  	[tilespmem:s23], [sflag:$0x1] =	stream.indirect_vreg.gather [hbm4b:s5+s3], $0x80, v3, vm0, $0xb8;
	[tilespmem:$0xD000] =	vst v63  }
0x32e: {  	s25 =	simm.s32 $0x4000  }
0x32f: {  	[tilespmem:s25], [sflag:$0x1] =	stream.indirect_vreg.gather [hbm4b:s6+s3], $0x80, v3, vm0, $0xb8;
	[tilespmem:$0xD000] =	vst v63  }
0x330: {  	s17 =	simm.s32 $0x4800  }
0x331: {  	[tilespmem:s17], [sflag:$0x1] =	stream.indirect_vreg.gather [hbm4b:s7+s3], $0x80, v3, vm0, $0xb8;
	[tilespmem:$0xD000] =	vst v63  }
0x332: {  	v3 =	vld.msk [tilespmem:$0x910], $0xf;
	_ =	sdelay $0x4  }
0x333: {  	v37 =	vshll.u32 v3, $0x3  }
0x334: {  	v3 =	vand.u32 $0x7, v3;
	v4 =	vand.u32 $0xFFFFFFC0, v37  }
0x335: {  	v3 =	vor.u32 v3, v4  }
0x336: {  	v3 =	vperm.xlane v3, v0;
	_ =	sdelay $0x1  }
0x337: {  	v3 =	vadd.s32 v1, v3;
	_ =	sdelay $0x3  }
0x338: {  	s26 =	simm.s32 $0x5000  }
0x339: {  	[tilespmem:s26], [sflag:$0x1] =	stream.indirect_vreg.gather [hbm4b:s2+s3], $0x80, v3, vm1, $0xb8;
	[tilespmem:$0xD000] =	vst v63  }
0x33a: {  	s15 =	simm.s32 $0x5800  }
0x33b: {  	[tilespmem:s15], [sflag:$0x1] =	stream.indirect_vreg.gather [hbm4b:s5+s3], $0x80, v3, vm1, $0xb8;
	[tilespmem:$0xD000] =	vst v63  }
0x33c: {  	s16 =	simm.s32 $0x6000  }
0x33d: {  	[tilespmem:s16], [sflag:$0x1] =	stream.indirect_vreg.gather [hbm4b:s6+s3], $0x80, v3, vm1, $0xb8;
	[tilespmem:$0xD000] =	vst v63  }
0x33e: {  	s23 =	simm.s32 $0x6800  }
0x33f: {  	[tilespmem:s23], [sflag:$0x1] =	stream.indirect_vreg.gather [hbm4b:s7+s3], $0x80, v3, vm1, $0xb8;
	[tilespmem:$0xD000] =	vst v63  }
0x340: {  	_ =	swait.ge [sflag:s11], $0x5000  }
0x341: {  	[sflag:s11] =	ssyncset.done $0x0  }
0x342: {  	s26 =	rddreg [dreg:$0x14];
	[sflag:s11] =	ssyncadd.s32 $0xFFFFB000  }
0x343: {  	[hbm4b:s26+s3] =	stream.linear.scatter [tilespmem:s22], [sflag:$0x4], $0x6000, $0x38;
	[tilespmem:$0xD000] =	vst v63  }
0x344: {  	_ =	swait.ge [sflag:s12], $0x6000  }
0x345: {  	[sflag:s12] =	ssyncset.done $0x0  }
0x346: {  	[sflag:s12] =	ssyncadd.s32 $0xFFFFA000  }
0x347: {  	v3 =	vld [tilespmem:$0x980];
	_ =	sdelay $0x4  }
0x348: {  	v38 =	vshll.u32 v3, $0x3  }
0x349: {  	v3 =	vand.u32 $0x7, v3;
	v4 =	vand.u32 $0xFFFFFFC0, v38  }
0x34a: {  	v3 =	vor.u32 v3, v4  }
0x34b: {  	v4 =	vperm.xlane v3, v0;
	_ =	sdelay $0x1  }
0x34c: {  	v4 =	vadd.s32 v1, v4;
	_ =	sdelay $0x4  }
0x34d: {  	[tilespmem:s22], [sflag:$0x2] =	stream.indirect_vreg.gather [hbm4b:s2+s3], $0x80, v4, vm0, $0xb8;
	[tilespmem:$0xD000] =	vst v63  }
0x34e: {  	s24 =	simm.s32 $0x7800;
	v3 =	vperm.xlane v3, v2  }
0x34f: {  	[tilespmem:s24], [sflag:$0x2] =	stream.indirect_vreg.gather [hbm4b:s5+s3], $0x80, v4, vm0, $0xb8;
	[tilespmem:$0xD000] =	vst v63  }
0x350: {  	s21 =	simm.s32 $0x8000;
	v3 =	vadd.s32 v1, v3  }
0x351: {  	[tilespmem:s21], [sflag:$0x2] =	stream.indirect_vreg.gather [hbm4b:s6+s3], $0x80, v4, vm0, $0xb8;
	[tilespmem:$0xD000] =	vst v63  }
0x352: {  	s30 =	simm.s32 $0x8800  }
0x353: {  	[tilespmem:s30], [sflag:$0x2] =	stream.indirect_vreg.gather [hbm4b:s7+s3], $0x80, v4, vm0, $0xb8;
	[tilespmem:$0xD000] =	vst v63  }
0x354: {  	s20 =	simm.s32 $0x9000  }
0x355: {  	[tilespmem:s20], [sflag:$0x2] =	stream.indirect_vreg.gather [hbm4b:s2+s3], $0x80, v3, vm0, $0xb8;
	[tilespmem:$0xD000] =	vst v63  }
0x356: {  	s18 =	simm.s32 $0x9800  }
0x357: {  	[tilespmem:s18], [sflag:$0x2] =	stream.indirect_vreg.gather [hbm4b:s5+s3], $0x80, v3, vm0, $0xb8;
	[tilespmem:$0xD000] =	vst v63  }
0x358: {  	s29 =	simm.s32 $0xA000  }
0x359: {  	[tilespmem:s29], [sflag:$0x2] =	stream.indirect_vreg.gather [hbm4b:s6+s3], $0x80, v3, vm0, $0xb8;
	[tilespmem:$0xD000] =	vst v63  }
0x35a: {  	s1 =	simm.s32 $0xA800  }
0x35b: {  	[tilespmem:s1], [sflag:$0x2] =	stream.indirect_vreg.gather [hbm4b:s7+s3], $0x80, v3, vm0, $0xb8;
	[tilespmem:$0xD000] =	vst v63  }
0x35c: {  	v3 =	vld.msk [tilespmem:$0x990], $0xf;
	_ =	sdelay $0x4  }
0x35d: {  	v39 =	vshll.u32 v3, $0x3  }
0x35e: {  	v3 =	vand.u32 $0x7, v3;
	v4 =	vand.u32 $0xFFFFFFC0, v39  }
0x35f: {  	v3 =	vor.u32 v3, v4  }
0x360: {  	v3 =	vperm.xlane v3, v0;
	_ =	sdelay $0x1  }
0x361: {  	v3 =	vadd.s32 v1, v3;
	_ =	sdelay $0x3  }
0x362: {  	s0 =	simm.s32 $0xB000  }
0x363: {  	[tilespmem:s0], [sflag:$0x2] =	stream.indirect_vreg.gather [hbm4b:s2+s3], $0x80, v3, vm1, $0xb8;
	[tilespmem:$0xD000] =	vst v63  }
0x364: {  	s4 =	simm.s32 $0xB800  }
0x365: {  	[tilespmem:s4], [sflag:$0x2] =	stream.indirect_vreg.gather [hbm4b:s5+s3], $0x80, v3, vm1, $0xb8;
	[tilespmem:$0xD000] =	vst v63  }
0x366: {  	s19 =	simm.s32 $0xC000  }
0x367: {  	[tilespmem:s19], [sflag:$0x2] =	stream.indirect_vreg.gather [hbm4b:s6+s3], $0x80, v3, vm1, $0xb8;
	[tilespmem:$0xD000] =	vst v63  }
0x368: {  	s10 =	simm.s32 $0xC800  }
0x369: {  	[tilespmem:s10], [sflag:$0x2] =	stream.indirect_vreg.gather [hbm4b:s7+s3], $0x80, v3, vm1, $0xb8;
	[tilespmem:$0xD000] =	vst v63  }
0x36a: {  	_ =	swait.ge [sflag:s9], $0x5000  }
0x36b: {  	[sflag:s9] =	ssyncset.done $0x0  }
0x36c: {  	s29 =	rddreg [dreg:$0x15];
	[sflag:s9] =	ssyncadd.s32 $0xFFFFB000  }
0x36d: {  	[hbm4b:s29+s3] =	stream.linear.scatter [tilespmem:s31], [sflag:$0x3], $0x6000, $0x38;
	[tilespmem:$0xD000] =	vst v63  }
0x36e: {  	_ =	swait.ge [sflag:s8], $0x6000  }
0x36f: {  	[sflag:s8] =	ssyncset.done $0x0  }
0x370: {  	[sflag:s8] =	ssyncadd.s32 $0xFFFFA000  }
0x371: {  	v3 =	vld [tilespmem:$0xA00];
	_ =	sdelay $0x4  }
0x372: {  	v40 =	vshll.u32 v3, $0x3  }
0x373: {  	v3 =	vand.u32 $0x7, v3;
	v4 =	vand.u32 $0xFFFFFFC0, v40  }
0x374: {  	v3 =	vor.u32 v3, v4  }
0x375: {  	v4 =	vperm.xlane v3, v0;
	_ =	sdelay $0x1  }
0x376: {  	v4 =	vadd.s32 v1, v4;
	_ =	sdelay $0x4  }
0x377: {  	[tilespmem:s31], [sflag:$0x1] =	stream.indirect_vreg.gather [hbm4b:s2+s3], $0x80, v4, vm0, $0xb8;
	[tilespmem:$0xD000] =	vst v63  }
0x378: {  	s14 =	simm.s32 $0x1800;
	v3 =	vperm.xlane v3, v2  }
0x379: {  	[tilespmem:s14], [sflag:$0x1] =	stream.indirect_vreg.gather [hbm4b:s5+s3], $0x80, v4, vm0, $0xb8;
	[tilespmem:$0xD000] =	vst v63  }
0x37a: {  	s30 =	simm.s32 $0x2000;
	v3 =	vadd.s32 v1, v3  }
0x37b: {  	[tilespmem:s30], [sflag:$0x1] =	stream.indirect_vreg.gather [hbm4b:s6+s3], $0x80, v4, vm0, $0xb8;
	[tilespmem:$0xD000] =	vst v63  }
0x37c: {  	s19 =	simm.s32 $0x2800  }
0x37d: {  	[tilespmem:s19], [sflag:$0x1] =	stream.indirect_vreg.gather [hbm4b:s7+s3], $0x80, v4, vm0, $0xb8;
	[tilespmem:$0xD000] =	vst v63  }
0x37e: {  	s29 =	simm.s32 $0x3000  }
0x37f: {  	[tilespmem:s29], [sflag:$0x1] =	stream.indirect_vreg.gather [hbm4b:s2+s3], $0x80, v3, vm0, $0xb8;
	[tilespmem:$0xD000] =	vst v63  }
0x380: {  	s30 =	simm.s32 $0x3800  }
0x381: {  	[tilespmem:s30], [sflag:$0x1] =	stream.indirect_vreg.gather [hbm4b:s5+s3], $0x80, v3, vm0, $0xb8;
	[tilespmem:$0xD000] =	vst v63  }
0x382: {  	s28 =	simm.s32 $0x4000  }
0x383: {  	[tilespmem:s28], [sflag:$0x1] =	stream.indirect_vreg.gather [hbm4b:s6+s3], $0x80, v3, vm0, $0xb8;
	[tilespmem:$0xD000] =	vst v63  }
0x384: {  	s25 =	simm.s32 $0x4800  }
0x385: {  	[tilespmem:s25], [sflag:$0x1] =	stream.indirect_vreg.gather [hbm4b:s7+s3], $0x80, v3, vm0, $0xb8;
	[tilespmem:$0xD000] =	vst v63  }
0x386: {  	v3 =	vld.msk [tilespmem:$0xA10], $0xf;
	_ =	sdelay $0x4  }
0x387: {  	v41 =	vshll.u32 v3, $0x3  }
0x388: {  	v3 =	vand.u32 $0x7, v3;
	v4 =	vand.u32 $0xFFFFFFC0, v41  }
0x389: {  	v3 =	vor.u32 v3, v4  }
0x38a: {  	v3 =	vperm.xlane v3, v0;
	_ =	sdelay $0x1  }
0x38b: {  	v3 =	vadd.s32 v1, v3;
	_ =	sdelay $0x3  }
0x38c: {  	s19 =	simm.s32 $0x5000  }
0x38d: {  	[tilespmem:s19], [sflag:$0x1] =	stream.indirect_vreg.gather [hbm4b:s2+s3], $0x80, v3, vm1, $0xb8;
	[tilespmem:$0xD000] =	vst v63  }
0x38e: {  	s15 =	simm.s32 $0x5800  }
0x38f: {  	[tilespmem:s15], [sflag:$0x1] =	stream.indirect_vreg.gather [hbm4b:s5+s3], $0x80, v3, vm1, $0xb8;
	[tilespmem:$0xD000] =	vst v63  }
0x390: {  	s16 =	simm.s32 $0x6000  }
0x391: {  	[tilespmem:s16], [sflag:$0x1] =	stream.indirect_vreg.gather [hbm4b:s6+s3], $0x80, v3, vm1, $0xb8;
	[tilespmem:$0xD000] =	vst v63  }
0x392: {  	s25 =	simm.s32 $0x6800  }
0x393: {  	[tilespmem:s25], [sflag:$0x1] =	stream.indirect_vreg.gather [hbm4b:s7+s3], $0x80, v3, vm1, $0xb8;
	[tilespmem:$0xD000] =	vst v63  }
0x394: {  	_ =	swait.ge [sflag:s11], $0x5000  }
0x395: {  	[sflag:s11] =	ssyncset.done $0x0  }
0x396: {  	s28 =	rddreg [dreg:$0x16];
	[sflag:s11] =	ssyncadd.s32 $0xFFFFB000  }
0x397: {  	[hbm4b:s28+s3] =	stream.linear.scatter [tilespmem:s22], [sflag:$0x4], $0x6000, $0x38;
	[tilespmem:$0xD000] =	vst v63  }
0x398: {  	_ =	swait.ge [sflag:s12], $0x6000  }
0x399: {  	[sflag:s12] =	ssyncset.done $0x0  }
0x39a: {  	[sflag:s12] =	ssyncadd.s32 $0xFFFFA000  }
0x39b: {  	v3 =	vld [tilespmem:$0xA80];
	_ =	sdelay $0x4  }
0x39c: {  	v42 =	vshll.u32 v3, $0x3  }
0x39d: {  	v3 =	vand.u32 $0x7, v3;
	v4 =	vand.u32 $0xFFFFFFC0, v42  }
0x39e: {  	v3 =	vor.u32 v3, v4  }
0x39f: {  	v4 =	vperm.xlane v3, v0;
	_ =	sdelay $0x1  }
0x3a0: {  	v4 =	vadd.s32 v1, v4;
	_ =	sdelay $0x4  }
0x3a1: {  	[tilespmem:s22], [sflag:$0x2] =	stream.indirect_vreg.gather [hbm4b:s2+s3], $0x80, v4, vm0, $0xb8;
	[tilespmem:$0xD000] =	vst v63  }
0x3a2: {  	s23 =	simm.s32 $0x7800;
	v3 =	vperm.xlane v3, v2  }
0x3a3: {  	[tilespmem:s23], [sflag:$0x2] =	stream.indirect_vreg.gather [hbm4b:s5+s3], $0x80, v4, vm0, $0xb8;
	[tilespmem:$0xD000] =	vst v63  }
0x3a4: {  	s17 =	simm.s32 $0x8000;
	v3 =	vadd.s32 v1, v3  }
0x3a5: {  	[tilespmem:s17], [sflag:$0x2] =	stream.indirect_vreg.gather [hbm4b:s6+s3], $0x80, v4, vm0, $0xb8;
	[tilespmem:$0xD000] =	vst v63  }
0x3a6: {  	s26 =	simm.s32 $0x8800  }
0x3a7: {  	[tilespmem:s26], [sflag:$0x2] =	stream.indirect_vreg.gather [hbm4b:s7+s3], $0x80, v4, vm0, $0xb8;
	[tilespmem:$0xD000] =	vst v63  }
0x3a8: {  	s24 =	simm.s32 $0x9000  }
0x3a9: {  	[tilespmem:s24], [sflag:$0x2] =	stream.indirect_vreg.gather [hbm4b:s2+s3], $0x80, v3, vm0, $0xb8;
	[tilespmem:$0xD000] =	vst v63  }
0x3aa: {  	s20 =	simm.s32 $0x9800  }
0x3ab: {  	[tilespmem:s20], [sflag:$0x2] =	stream.indirect_vreg.gather [hbm4b:s5+s3], $0x80, v3, vm0, $0xb8;
	[tilespmem:$0xD000] =	vst v63  }
0x3ac: {  	s21 =	simm.s32 $0xA000  }
0x3ad: {  	[tilespmem:s21], [sflag:$0x2] =	stream.indirect_vreg.gather [hbm4b:s6+s3], $0x80, v3, vm0, $0xb8;
	[tilespmem:$0xD000] =	vst v63  }
0x3ae: {  	s18 =	simm.s32 $0xA800  }
0x3af: {  	[tilespmem:s18], [sflag:$0x2] =	stream.indirect_vreg.gather [hbm4b:s7+s3], $0x80, v3, vm0, $0xb8;
	[tilespmem:$0xD000] =	vst v63  }
0x3b0: {  	v3 =	vld.msk [tilespmem:$0xA90], $0xf;
	_ =	sdelay $0x4  }
0x3b1: {  	v43 =	vshll.u32 v3, $0x3  }
0x3b2: {  	v3 =	vand.u32 $0x7, v3;
	v4 =	vand.u32 $0xFFFFFFC0, v43  }
0x3b3: {  	v3 =	vor.u32 v3, v4  }
0x3b4: {  	v3 =	vperm.xlane v3, v0;
	_ =	sdelay $0x1  }
0x3b5: {  	v3 =	vadd.s32 v1, v3;
	_ =	sdelay $0x3  }
0x3b6: {  	s0 =	simm.s32 $0xB000  }
0x3b7: {  	[tilespmem:s0], [sflag:$0x2] =	stream.indirect_vreg.gather [hbm4b:s2+s3], $0x80, v3, vm1, $0xb8;
	[tilespmem:$0xD000] =	vst v63  }
0x3b8: {  	s1 =	simm.s32 $0xB800  }
0x3b9: {  	[tilespmem:s1], [sflag:$0x2] =	stream.indirect_vreg.gather [hbm4b:s5+s3], $0x80, v3, vm1, $0xb8;
	[tilespmem:$0xD000] =	vst v63  }
0x3ba: {  	s4 =	simm.s32 $0xC000  }
0x3bb: {  	[tilespmem:s4], [sflag:$0x2] =	stream.indirect_vreg.gather [hbm4b:s6+s3], $0x80, v3, vm1, $0xb8;
	[tilespmem:$0xD000] =	vst v63  }
0x3bc: {  	s10 =	simm.s32 $0xC800  }
0x3bd: {  	[tilespmem:s10], [sflag:$0x2] =	stream.indirect_vreg.gather [hbm4b:s7+s3], $0x80, v3, vm1, $0xb8;
	[tilespmem:$0xD000] =	vst v63  }
0x3be: {  	_ =	swait.ge [sflag:s9], $0x5000  }
0x3bf: {  	[sflag:s9] =	ssyncset.done $0x0  }
0x3c0: {  	s10 =	rddreg [dreg:$0x17];
	[sflag:s9] =	ssyncadd.s32 $0xFFFFB000  }
0x3c1: {  	[hbm4b:s10+s3] =	stream.linear.scatter [tilespmem:s31], [sflag:$0x3], $0x6000, $0x38;
	[tilespmem:$0xD000] =	vst v63  }
0x3c2: {  	_ =	swait.ge [sflag:s8], $0x6000  }
0x3c3: {  	[sflag:s8] =	ssyncset.done $0x0  }
0x3c4: {  	[sflag:s8] =	ssyncadd.s32 $0xFFFFA000  }
0x3c5: {  	v3 =	vld [tilespmem:$0xB00];
	_ =	sdelay $0x4  }
0x3c6: {  	v44 =	vshll.u32 v3, $0x3  }
0x3c7: {  	v3 =	vand.u32 $0x7, v3;
	v4 =	vand.u32 $0xFFFFFFC0, v44  }
0x3c8: {  	v3 =	vor.u32 v3, v4  }
0x3c9: {  	v4 =	vperm.xlane v3, v0;
	_ =	sdelay $0x1  }
0x3ca: {  	v4 =	vadd.s32 v1, v4;
	_ =	sdelay $0x4  }
0x3cb: {  	[tilespmem:s31], [sflag:$0x1] =	stream.indirect_vreg.gather [hbm4b:s2+s3], $0x80, v4, vm0, $0xb8;
	[tilespmem:$0xD000] =	vst v63  }
0x3cc: {  	s14 =	simm.s32 $0x1800;
	v3 =	vperm.xlane v3, v2  }
0x3cd: {  	[tilespmem:s14], [sflag:$0x1] =	stream.indirect_vreg.gather [hbm4b:s5+s3], $0x80, v4, vm0, $0xb8;
	[tilespmem:$0xD000] =	vst v63  }
0x3ce: {  	s13 =	simm.s32 $0x2000;
	v3 =	vadd.s32 v1, v3  }
0x3cf: {  	[tilespmem:s13], [sflag:$0x1] =	stream.indirect_vreg.gather [hbm4b:s6+s3], $0x80, v4, vm0, $0xb8;
	[tilespmem:$0xD000] =	vst v63  }
0x3d0: {  	s24 =	simm.s32 $0x2800  }
0x3d1: {  	[tilespmem:s24], [sflag:$0x1] =	stream.indirect_vreg.gather [hbm4b:s7+s3], $0x80, v4, vm0, $0xb8;
	[tilespmem:$0xD000] =	vst v63  }
0x3d2: {  	s13 =	simm.s32 $0x3000  }
0x3d3: {  	[tilespmem:s13], [sflag:$0x1] =	stream.indirect_vreg.gather [hbm4b:s2+s3], $0x80, v3, vm0, $0xb8;
	[tilespmem:$0xD000] =	vst v63  }
0x3d4: {  	s29 =	simm.s32 $0x3800  }
0x3d5: {  	[tilespmem:s29], [sflag:$0x1] =	stream.indirect_vreg.gather [hbm4b:s5+s3], $0x80, v3, vm0, $0xb8;
	[tilespmem:$0xD000] =	vst v63  }
0x3d6: {  	s30 =	simm.s32 $0x4000  }
0x3d7: {  	[tilespmem:s30], [sflag:$0x1] =	stream.indirect_vreg.gather [hbm4b:s6+s3], $0x80, v3, vm0, $0xb8;
	[tilespmem:$0xD000] =	vst v63  }
0x3d8: {  	s24 =	simm.s32 $0x4800  }
0x3d9: {  	[tilespmem:s24], [sflag:$0x1] =	stream.indirect_vreg.gather [hbm4b:s7+s3], $0x80, v3, vm0, $0xb8;
	[tilespmem:$0xD000] =	vst v63  }
0x3da: {  	v3 =	vld.msk [tilespmem:$0xB10], $0xf;
	_ =	sdelay $0x4  }
0x3db: {  	v45 =	vshll.u32 v3, $0x3  }
0x3dc: {  	v3 =	vand.u32 $0x7, v3;
	v4 =	vand.u32 $0xFFFFFFC0, v45  }
0x3dd: {  	v3 =	vor.u32 v3, v4  }
0x3de: {  	v3 =	vperm.xlane v3, v0;
	_ =	sdelay $0x1  }
0x3df: {  	v3 =	vadd.s32 v1, v3;
	_ =	sdelay $0x3  }
0x3e0: {  	s19 =	simm.s32 $0x5000  }
0x3e1: {  	[tilespmem:s19], [sflag:$0x1] =	stream.indirect_vreg.gather [hbm4b:s2+s3], $0x80, v3, vm1, $0xb8;
	[tilespmem:$0xD000] =	vst v63  }
0x3e2: {  	s15 =	simm.s32 $0x5800  }
0x3e3: {  	[tilespmem:s15], [sflag:$0x1] =	stream.indirect_vreg.gather [hbm4b:s5+s3], $0x80, v3, vm1, $0xb8;
	[tilespmem:$0xD000] =	vst v63  }
0x3e4: {  	s16 =	simm.s32 $0x6000  }
0x3e5: {  	[tilespmem:s16], [sflag:$0x1] =	stream.indirect_vreg.gather [hbm4b:s6+s3], $0x80, v3, vm1, $0xb8;
	[tilespmem:$0xD000] =	vst v63  }
0x3e6: {  	s29 =	simm.s32 $0x6800  }
0x3e7: {  	[tilespmem:s29], [sflag:$0x1] =	stream.indirect_vreg.gather [hbm4b:s7+s3], $0x80, v3, vm1, $0xb8;
	[tilespmem:$0xD000] =	vst v63  }
0x3e8: {  	_ =	swait.ge [sflag:s11], $0x5000  }
0x3e9: {  	[sflag:s11] =	ssyncset.done $0x0  }
0x3ea: {  	s19 =	rddreg [dreg:$0x18];
	[sflag:s11] =	ssyncadd.s32 $0xFFFFB000  }
0x3eb: {  	[hbm4b:s19+s3] =	stream.linear.scatter [tilespmem:s22], [sflag:$0x4], $0x6000, $0x38;
	[tilespmem:$0xD000] =	vst v63  }
0x3ec: {  	_ =	swait.ge [sflag:s12], $0x6000  }
0x3ed: {  	[sflag:s12] =	ssyncset.done $0x0  }
0x3ee: {  	[sflag:s12] =	ssyncadd.s32 $0xFFFFA000  }
0x3ef: {  	v3 =	vld [tilespmem:$0xB80];
	_ =	sdelay $0x4  }
0x3f0: {  	v46 =	vshll.u32 v3, $0x3  }
0x3f1: {  	v3 =	vand.u32 $0x7, v3;
	v4 =	vand.u32 $0xFFFFFFC0, v46  }
0x3f2: {  	v3 =	vor.u32 v3, v4  }
0x3f3: {  	v4 =	vperm.xlane v3, v0;
	_ =	sdelay $0x1  }
0x3f4: {  	v4 =	vadd.s32 v1, v4;
	_ =	sdelay $0x4  }
0x3f5: {  	[tilespmem:s22], [sflag:$0x2] =	stream.indirect_vreg.gather [hbm4b:s2+s3], $0x80, v4, vm0, $0xb8;
	[tilespmem:$0xD000] =	vst v63  }
0x3f6: {  	s23 =	simm.s32 $0x7800;
	v3 =	vperm.xlane v3, v2  }
0x3f7: {  	[tilespmem:s23], [sflag:$0x2] =	stream.indirect_vreg.gather [hbm4b:s5+s3], $0x80, v4, vm0, $0xb8;
	[tilespmem:$0xD000] =	vst v63  }
0x3f8: {  	s17 =	simm.s32 $0x8000;
	v3 =	vadd.s32 v1, v3  }
0x3f9: {  	[tilespmem:s17], [sflag:$0x2] =	stream.indirect_vreg.gather [hbm4b:s6+s3], $0x80, v4, vm0, $0xb8;
	[tilespmem:$0xD000] =	vst v63  }
0x3fa: {  	s28 =	simm.s32 $0x8800  }
0x3fb: {  	[tilespmem:s28], [sflag:$0x2] =	stream.indirect_vreg.gather [hbm4b:s7+s3], $0x80, v4, vm0, $0xb8;
	[tilespmem:$0xD000] =	vst v63  }
0x3fc: {  	s25 =	simm.s32 $0x9000  }
0x3fd: {  	[tilespmem:s25], [sflag:$0x2] =	stream.indirect_vreg.gather [hbm4b:s2+s3], $0x80, v3, vm0, $0xb8;
	[tilespmem:$0xD000] =	vst v63  }
0x3fe: {  	s26 =	simm.s32 $0x9800  }
0x3ff: {  	[tilespmem:s26], [sflag:$0x2] =	stream.indirect_vreg.gather [hbm4b:s5+s3], $0x80, v3, vm0, $0xb8;
	[tilespmem:$0xD000] =	vst v63  }
0x400: {  	s21 =	simm.s32 $0xA000  }
0x401: {  	[tilespmem:s21], [sflag:$0x2] =	stream.indirect_vreg.gather [hbm4b:s6+s3], $0x80, v3, vm0, $0xb8;
	[tilespmem:$0xD000] =	vst v63  }
0x402: {  	s18 =	simm.s32 $0xA800  }
0x403: {  	[tilespmem:s18], [sflag:$0x2] =	stream.indirect_vreg.gather [hbm4b:s7+s3], $0x80, v3, vm0, $0xb8;
	[tilespmem:$0xD000] =	vst v63  }
0x404: {  	v3 =	vld.msk [tilespmem:$0xB90], $0xf;
	_ =	sdelay $0x4  }
0x405: {  	v47 =	vshll.u32 v3, $0x3  }
0x406: {  	v3 =	vand.u32 $0x7, v3;
	v4 =	vand.u32 $0xFFFFFFC0, v47  }
0x407: {  	v3 =	vor.u32 v3, v4  }
0x408: {  	v3 =	vperm.xlane v3, v0;
	_ =	sdelay $0x1  }
0x409: {  	v3 =	vadd.s32 v1, v3;
	_ =	sdelay $0x3  }
0x40a: {  	s20 =	simm.s32 $0xB000  }
0x40b: {  	[tilespmem:s20], [sflag:$0x2] =	stream.indirect_vreg.gather [hbm4b:s2+s3], $0x80, v3, vm1, $0xb8;
	[tilespmem:$0xD000] =	vst v63  }
0x40c: {  	s0 =	simm.s32 $0xB800  }
0x40d: {  	[tilespmem:s0], [sflag:$0x2] =	stream.indirect_vreg.gather [hbm4b:s5+s3], $0x80, v3, vm1, $0xb8;
	[tilespmem:$0xD000] =	vst v63  }
0x40e: {  	s1 =	simm.s32 $0xC000  }
0x40f: {  	[tilespmem:s1], [sflag:$0x2] =	stream.indirect_vreg.gather [hbm4b:s6+s3], $0x80, v3, vm1, $0xb8;
	[tilespmem:$0xD000] =	vst v63  }
0x410: {  	s4 =	simm.s32 $0xC800  }
0x411: {  	[tilespmem:s4], [sflag:$0x2] =	stream.indirect_vreg.gather [hbm4b:s7+s3], $0x80, v3, vm1, $0xb8;
	[tilespmem:$0xD000] =	vst v63  }
0x412: {  	_ =	swait.ge [sflag:s9], $0x5000  }
0x413: {  	[sflag:s9] =	ssyncset.done $0x0  }
0x414: {  	s25 =	rddreg [dreg:$0x19];
	[sflag:s9] =	ssyncadd.s32 $0xFFFFB000  }
0x415: {  	[hbm4b:s25+s3] =	stream.linear.scatter [tilespmem:s31], [sflag:$0x3], $0x6000, $0x38;
	[tilespmem:$0xD000] =	vst v63  }
0x416: {  	_ =	swait.ge [sflag:s8], $0x6000  }
0x417: {  	[sflag:s8] =	ssyncset.done $0x0  }
0x418: {  	[sflag:s8] =	ssyncadd.s32 $0xFFFFA000  }
0x419: {  	v3 =	vld [tilespmem:$0xC00];
	_ =	sdelay $0x4  }
0x41a: {  	v48 =	vshll.u32 v3, $0x3  }
0x41b: {  	v3 =	vand.u32 $0x7, v3;
	v4 =	vand.u32 $0xFFFFFFC0, v48  }
0x41c: {  	v3 =	vor.u32 v3, v4  }
0x41d: {  	v4 =	vperm.xlane v3, v0;
	_ =	sdelay $0x1  }
0x41e: {  	v4 =	vadd.s32 v1, v4;
	_ =	sdelay $0x4  }
0x41f: {  	[tilespmem:s31], [sflag:$0x1] =	stream.indirect_vreg.gather [hbm4b:s2+s3], $0x80, v4, vm0, $0xb8;
	[tilespmem:$0xD000] =	vst v63  }
0x420: {  	s14 =	simm.s32 $0x1800;
	v3 =	vperm.xlane v3, v2  }
0x421: {  	[tilespmem:s14], [sflag:$0x1] =	stream.indirect_vreg.gather [hbm4b:s5+s3], $0x80, v4, vm0, $0xb8;
	[tilespmem:$0xD000] =	vst v63  }
0x422: {  	s20 =	simm.s32 $0x2000;
	v3 =	vadd.s32 v1, v3  }
0x423: {  	[tilespmem:s20], [sflag:$0x1] =	stream.indirect_vreg.gather [hbm4b:s6+s3], $0x80, v4, vm0, $0xb8;
	[tilespmem:$0xD000] =	vst v63  }
0x424: {  	s14 =	simm.s32 $0x2800  }
0x425: {  	[tilespmem:s14], [sflag:$0x1] =	stream.indirect_vreg.gather [hbm4b:s7+s3], $0x80, v4, vm0, $0xb8;
	[tilespmem:$0xD000] =	vst v63  }
0x426: {  	s20 =	simm.s32 $0x3000  }
0x427: {  	[tilespmem:s20], [sflag:$0x1] =	stream.indirect_vreg.gather [hbm4b:s2+s3], $0x80, v3, vm0, $0xb8;
	[tilespmem:$0xD000] =	vst v63  }
0x428: {  	s14 =	simm.s32 $0x3800  }
0x429: {  	[tilespmem:s14], [sflag:$0x1] =	stream.indirect_vreg.gather [hbm4b:s5+s3], $0x80, v3, vm0, $0xb8;
	[tilespmem:$0xD000] =	vst v63  }
0x42a: {  	s30 =	simm.s32 $0x4000  }
0x42b: {  	[tilespmem:s30], [sflag:$0x1] =	stream.indirect_vreg.gather [hbm4b:s6+s3], $0x80, v3, vm0, $0xb8;
	[tilespmem:$0xD000] =	vst v63  }
0x42c: {  	s10 =	simm.s32 $0x4800  }
0x42d: {  	[tilespmem:s10], [sflag:$0x1] =	stream.indirect_vreg.gather [hbm4b:s7+s3], $0x80, v3, vm0, $0xb8;
	[tilespmem:$0xD000] =	vst v63  }
0x42e: {  	v3 =	vld.msk [tilespmem:$0xC10], $0xf;
	_ =	sdelay $0x4  }
0x42f: {  	v49 =	vshll.u32 v3, $0x3  }
0x430: {  	v3 =	vand.u32 $0x7, v3;
	v4 =	vand.u32 $0xFFFFFFC0, v49  }
0x431: {  	v3 =	vor.u32 v3, v4  }
0x432: {  	v3 =	vperm.xlane v3, v0;
	_ =	sdelay $0x1  }
0x433: {  	v3 =	vadd.s32 v1, v3;
	_ =	sdelay $0x3  }
0x434: {  	s24 =	simm.s32 $0x5000  }
0x435: {  	[tilespmem:s24], [sflag:$0x1] =	stream.indirect_vreg.gather [hbm4b:s2+s3], $0x80, v3, vm1, $0xb8;
	[tilespmem:$0xD000] =	vst v63  }
0x436: {  	s15 =	simm.s32 $0x5800  }
0x437: {  	[tilespmem:s15], [sflag:$0x1] =	stream.indirect_vreg.gather [hbm4b:s5+s3], $0x80, v3, vm1, $0xb8;
	[tilespmem:$0xD000] =	vst v63  }
0x438: {  	s16 =	simm.s32 $0x6000  }
0x439: {  	[tilespmem:s16], [sflag:$0x1] =	stream.indirect_vreg.gather [hbm4b:s6+s3], $0x80, v3, vm1, $0xb8;
	[tilespmem:$0xD000] =	vst v63  }
0x43a: {  	s16 =	simm.s32 $0x6800  }
0x43b: {  	[tilespmem:s16], [sflag:$0x1] =	stream.indirect_vreg.gather [hbm4b:s7+s3], $0x80, v3, vm1, $0xb8;
	[tilespmem:$0xD000] =	vst v63  }
0x43c: {  	_ =	swait.ge [sflag:s11], $0x5000  }
0x43d: {  	[sflag:s11] =	ssyncset.done $0x0  }
0x43e: {  	s16 =	rddreg [dreg:$0x1a];
	[sflag:s11] =	ssyncadd.s32 $0xFFFFB000  }
0x43f: {  	[hbm4b:s16+s3] =	stream.linear.scatter [tilespmem:s22], [sflag:$0x4], $0x6000, $0x38;
	[tilespmem:$0xD000] =	vst v63  }
0x440: {  	_ =	swait.ge [sflag:s12], $0x6000  }
0x441: {  	[sflag:s12] =	ssyncset.done $0x0  }
0x442: {  	[sflag:s12] =	ssyncadd.s32 $0xFFFFA000  }
0x443: {  	v3 =	vld [tilespmem:$0xC80];
	_ =	sdelay $0x4  }
0x444: {  	v50 =	vshll.u32 v3, $0x3  }
0x445: {  	v3 =	vand.u32 $0x7, v3;
	v4 =	vand.u32 $0xFFFFFFC0, v50  }
0x446: {  	v3 =	vor.u32 v3, v4  }
0x447: {  	v4 =	vperm.xlane v3, v0;
	_ =	sdelay $0x1  }
0x448: {  	v4 =	vadd.s32 v1, v4;
	_ =	sdelay $0x4  }
0x449: {  	[tilespmem:s22], [sflag:$0x2] =	stream.indirect_vreg.gather [hbm4b:s2+s3], $0x80, v4, vm0, $0xb8;
	[tilespmem:$0xD000] =	vst v63  }
0x44a: {  	s19 =	simm.s32 $0x7800;
	v3 =	vperm.xlane v3, v2  }
0x44b: {  	[tilespmem:s19], [sflag:$0x2] =	stream.indirect_vreg.gather [hbm4b:s5+s3], $0x80, v4, vm0, $0xb8;
	[tilespmem:$0xD000] =	vst v63  }
0x44c: {  	s17 =	simm.s32 $0x8000;
	v3 =	vadd.s32 v1, v3  }
0x44d: {  	[tilespmem:s17], [sflag:$0x2] =	stream.indirect_vreg.gather [hbm4b:s6+s3], $0x80, v4, vm0, $0xb8;
	[tilespmem:$0xD000] =	vst v63  }
0x44e: {  	s23 =	simm.s32 $0x8800  }
0x44f: {  	[tilespmem:s23], [sflag:$0x2] =	stream.indirect_vreg.gather [hbm4b:s7+s3], $0x80, v4, vm0, $0xb8;
	[tilespmem:$0xD000] =	vst v63  }
0x450: {  	s28 =	simm.s32 $0x9000  }
0x451: {  	[tilespmem:s28], [sflag:$0x2] =	stream.indirect_vreg.gather [hbm4b:s2+s3], $0x80, v3, vm0, $0xb8;
	[tilespmem:$0xD000] =	vst v63  }
0x452: {  	s29 =	simm.s32 $0x9800  }
0x453: {  	[tilespmem:s29], [sflag:$0x2] =	stream.indirect_vreg.gather [hbm4b:s5+s3], $0x80, v3, vm0, $0xb8;
	[tilespmem:$0xD000] =	vst v63  }
0x454: {  	s26 =	simm.s32 $0xA000  }
0x455: {  	[tilespmem:s26], [sflag:$0x2] =	stream.indirect_vreg.gather [hbm4b:s6+s3], $0x80, v3, vm0, $0xb8;
	[tilespmem:$0xD000] =	vst v63  }
0x456: {  	s21 =	simm.s32 $0xA800  }
0x457: {  	[tilespmem:s21], [sflag:$0x2] =	stream.indirect_vreg.gather [hbm4b:s7+s3], $0x80, v3, vm0, $0xb8;
	[tilespmem:$0xD000] =	vst v63  }
0x458: {  	v3 =	vld.msk [tilespmem:$0xC90], $0xf;
	_ =	sdelay $0x4  }
0x459: {  	v51 =	vshll.u32 v3, $0x3  }
0x45a: {  	v3 =	vand.u32 $0x7, v3;
	v4 =	vand.u32 $0xFFFFFFC0, v51  }
0x45b: {  	v3 =	vor.u32 v3, v4  }
0x45c: {  	v3 =	vperm.xlane v3, v0;
	_ =	sdelay $0x1  }
0x45d: {  	v3 =	vadd.s32 v1, v3;
	_ =	sdelay $0x3  }
0x45e: {  	s18 =	simm.s32 $0xB000  }
0x45f: {  	[tilespmem:s18], [sflag:$0x2] =	stream.indirect_vreg.gather [hbm4b:s2+s3], $0x80, v3, vm1, $0xb8;
	[tilespmem:$0xD000] =	vst v63  }
0x460: {  	s0 =	simm.s32 $0xB800  }
0x461: {  	[tilespmem:s0], [sflag:$0x2] =	stream.indirect_vreg.gather [hbm4b:s5+s3], $0x80, v3, vm1, $0xb8;
	[tilespmem:$0xD000] =	vst v63  }
0x462: {  	s1 =	simm.s32 $0xC000  }
0x463: {  	[tilespmem:s1], [sflag:$0x2] =	stream.indirect_vreg.gather [hbm4b:s6+s3], $0x80, v3, vm1, $0xb8;
	[tilespmem:$0xD000] =	vst v63  }
0x464: {  	s4 =	simm.s32 $0xC800  }
0x465: {  	[tilespmem:s4], [sflag:$0x2] =	stream.indirect_vreg.gather [hbm4b:s7+s3], $0x80, v3, vm1, $0xb8;
	[tilespmem:$0xD000] =	vst v63  }
0x466: {  	_ =	swait.ge [sflag:s9], $0x5000  }
0x467: {  	[sflag:s9] =	ssyncset.done $0x0  }
0x468: {  	s21 =	rddreg [dreg:$0x1b];
	[sflag:s9] =	ssyncadd.s32 $0xFFFFB000  }
0x469: {  	[hbm4b:s21+s3] =	stream.linear.scatter [tilespmem:s31], [sflag:$0x3], $0x6000, $0x38;
	[tilespmem:$0xD000] =	vst v63  }
0x46a: {  	_ =	swait.ge [sflag:s8], $0x6000  }
0x46b: {  	[sflag:s8] =	ssyncset.done $0x0  }
0x46c: {  	[sflag:s8] =	ssyncadd.s32 $0xFFFFA000  }
0x46d: {  	v3 =	vld [tilespmem:$0xD00];
	_ =	sdelay $0x4  }
0x46e: {  	v52 =	vshll.u32 v3, $0x3  }
0x46f: {  	v3 =	vand.u32 $0x7, v3;
	v4 =	vand.u32 $0xFFFFFFC0, v52  }
0x470: {  	v3 =	vor.u32 v3, v4  }
0x471: {  	v4 =	vperm.xlane v3, v0;
	_ =	sdelay $0x1  }
0x472: {  	v4 =	vadd.s32 v1, v4;
	_ =	sdelay $0x4  }
0x473: {  	[tilespmem:s31], [sflag:$0x1] =	stream.indirect_vreg.gather [hbm4b:s2+s3], $0x80, v4, vm0, $0xb8;
	[tilespmem:$0xD000] =	vst v63  }
0x474: {  	s25 =	simm.s32 $0x1800;
	v3 =	vperm.xlane v3, v2  }
0x475: {  	[tilespmem:s25], [sflag:$0x1] =	stream.indirect_vreg.gather [hbm4b:s5+s3], $0x80, v4, vm0, $0xb8;
	[tilespmem:$0xD000] =	vst v63  }
0x476: {  	v3 =	vadd.s32 v1, v3;
	s25 =	simm.s32 $0x2000  }
0x477: {  	[tilespmem:s25], [sflag:$0x1] =	stream.indirect_vreg.gather [hbm4b:s6+s3], $0x80, v4, vm0, $0xb8;
	[tilespmem:$0xD000] =	vst v63  }
0x478: {  	s25 =	simm.s32 $0x2800  }
0x479: {  	[tilespmem:s25], [sflag:$0x1] =	stream.indirect_vreg.gather [hbm4b:s7+s3], $0x80, v4, vm0, $0xb8;
	[tilespmem:$0xD000] =	vst v63  }
0x47a: {  	s25 =	simm.s32 $0x3000  }
0x47b: {  	[tilespmem:s25], [sflag:$0x1] =	stream.indirect_vreg.gather [hbm4b:s2+s3], $0x80, v3, vm0, $0xb8;
	[tilespmem:$0xD000] =	vst v63  }
0x47c: {  	s20 =	simm.s32 $0x3800  }
0x47d: {  	[tilespmem:s20], [sflag:$0x1] =	stream.indirect_vreg.gather [hbm4b:s5+s3], $0x80, v3, vm0, $0xb8;
	[tilespmem:$0xD000] =	vst v63  }
0x47e: {  	s30 =	simm.s32 $0x4000  }
0x47f: {  	[tilespmem:s30], [sflag:$0x1] =	stream.indirect_vreg.gather [hbm4b:s6+s3], $0x80, v3, vm0, $0xb8;
	[tilespmem:$0xD000] =	vst v63  }
0x480: {  	s10 =	simm.s32 $0x4800  }
0x481: {  	[tilespmem:s10], [sflag:$0x1] =	stream.indirect_vreg.gather [hbm4b:s7+s3], $0x80, v3, vm0, $0xb8;
	[tilespmem:$0xD000] =	vst v63  }
0x482: {  	v3 =	vld.msk [tilespmem:$0xD10], $0xf;
	_ =	sdelay $0x4  }
0x483: {  	v53 =	vshll.u32 v3, $0x3  }
0x484: {  	v3 =	vand.u32 $0x7, v3;
	v4 =	vand.u32 $0xFFFFFFC0, v53  }
0x485: {  	v3 =	vor.u32 v3, v4  }
0x486: {  	v3 =	vperm.xlane v3, v0;
	_ =	sdelay $0x1  }
0x487: {  	v3 =	vadd.s32 v1, v3;
	_ =	sdelay $0x3  }
0x488: {  	s24 =	simm.s32 $0x5000  }
0x489: {  	[tilespmem:s24], [sflag:$0x1] =	stream.indirect_vreg.gather [hbm4b:s2+s3], $0x80, v3, vm1, $0xb8;
	[tilespmem:$0xD000] =	vst v63  }
0x48a: {  	s14 =	simm.s32 $0x5800  }
0x48b: {  	[tilespmem:s14], [sflag:$0x1] =	stream.indirect_vreg.gather [hbm4b:s5+s3], $0x80, v3, vm1, $0xb8;
	[tilespmem:$0xD000] =	vst v63  }
0x48c: {  	s15 =	simm.s32 $0x6000  }
0x48d: {  	[tilespmem:s15], [sflag:$0x1] =	stream.indirect_vreg.gather [hbm4b:s6+s3], $0x80, v3, vm1, $0xb8;
	[tilespmem:$0xD000] =	vst v63  }
0x48e: {  	s24 =	simm.s32 $0x6800  }
0x48f: {  	[tilespmem:s24], [sflag:$0x1] =	stream.indirect_vreg.gather [hbm4b:s7+s3], $0x80, v3, vm1, $0xb8;
	[tilespmem:$0xD000] =	vst v63  }
0x490: {  	_ =	swait.ge [sflag:s11], $0x5000  }
0x491: {  	[sflag:s11] =	ssyncset.done $0x0  }
0x492: {  	s25 =	rddreg [dreg:$0x1c];
	[sflag:s11] =	ssyncadd.s32 $0xFFFFB000  }
0x493: {  	[hbm4b:s25+s3] =	stream.linear.scatter [tilespmem:s22], [sflag:$0x4], $0x6000, $0x38;
	[tilespmem:$0xD000] =	vst v63  }
0x494: {  	_ =	swait.ge [sflag:s12], $0x6000  }
0x495: {  	[sflag:s12] =	ssyncset.done $0x0  }
0x496: {  	[sflag:s12] =	ssyncadd.s32 $0xFFFFA000  }
0x497: {  	v3 =	vld [tilespmem:$0xD80];
	_ =	sdelay $0x4  }
0x498: {  	v54 =	vshll.u32 v3, $0x3  }
0x499: {  	v3 =	vand.u32 $0x7, v3;
	v4 =	vand.u32 $0xFFFFFFC0, v54  }
0x49a: {  	v3 =	vor.u32 v3, v4  }
0x49b: {  	v4 =	vperm.xlane v3, v0;
	_ =	sdelay $0x1  }
0x49c: {  	v4 =	vadd.s32 v1, v4;
	_ =	sdelay $0x4  }
0x49d: {  	[tilespmem:s22], [sflag:$0x2] =	stream.indirect_vreg.gather [hbm4b:s2+s3], $0x80, v4, vm0, $0xb8;
	[tilespmem:$0xD000] =	vst v63  }
0x49e: {  	s19 =	simm.s32 $0x7800;
	v3 =	vperm.xlane v3, v2  }
0x49f: {  	[tilespmem:s19], [sflag:$0x2] =	stream.indirect_vreg.gather [hbm4b:s5+s3], $0x80, v4, vm0, $0xb8;
	[tilespmem:$0xD000] =	vst v63  }
0x4a0: {  	s16 =	simm.s32 $0x8000;
	v3 =	vadd.s32 v1, v3  }
0x4a1: {  	[tilespmem:s16], [sflag:$0x2] =	stream.indirect_vreg.gather [hbm4b:s6+s3], $0x80, v4, vm0, $0xb8;
	[tilespmem:$0xD000] =	vst v63  }
0x4a2: {  	s23 =	simm.s32 $0x8800  }
0x4a3: {  	[tilespmem:s23], [sflag:$0x2] =	stream.indirect_vreg.gather [hbm4b:s7+s3], $0x80, v4, vm0, $0xb8;
	[tilespmem:$0xD000] =	vst v63  }
0x4a4: {  	s28 =	simm.s32 $0x9000  }
0x4a5: {  	[tilespmem:s28], [sflag:$0x2] =	stream.indirect_vreg.gather [hbm4b:s2+s3], $0x80, v3, vm0, $0xb8;
	[tilespmem:$0xD000] =	vst v63  }
0x4a6: {  	s29 =	simm.s32 $0x9800  }
0x4a7: {  	[tilespmem:s29], [sflag:$0x2] =	stream.indirect_vreg.gather [hbm4b:s5+s3], $0x80, v3, vm0, $0xb8;
	[tilespmem:$0xD000] =	vst v63  }
0x4a8: {  	s26 =	simm.s32 $0xA000  }
0x4a9: {  	[tilespmem:s26], [sflag:$0x2] =	stream.indirect_vreg.gather [hbm4b:s6+s3], $0x80, v3, vm0, $0xb8;
	[tilespmem:$0xD000] =	vst v63  }
0x4aa: {  	s17 =	simm.s32 $0xA800  }
0x4ab: {  	[tilespmem:s17], [sflag:$0x2] =	stream.indirect_vreg.gather [hbm4b:s7+s3], $0x80, v3, vm0, $0xb8;
	[tilespmem:$0xD000] =	vst v63  }
0x4ac: {  	v3 =	vld.msk [tilespmem:$0xD90], $0xf;
	_ =	sdelay $0x4  }
0x4ad: {  	v55 =	vshll.u32 v3, $0x3  }
0x4ae: {  	v3 =	vand.u32 $0x7, v3;
	v4 =	vand.u32 $0xFFFFFFC0, v55  }
0x4af: {  	v3 =	vor.u32 v3, v4  }
0x4b0: {  	v3 =	vperm.xlane v3, v0;
	_ =	sdelay $0x1  }
0x4b1: {  	v3 =	vadd.s32 v1, v3;
	_ =	sdelay $0x3  }
0x4b2: {  	s18 =	simm.s32 $0xB000  }
0x4b3: {  	[tilespmem:s18], [sflag:$0x2] =	stream.indirect_vreg.gather [hbm4b:s2+s3], $0x80, v3, vm1, $0xb8;
	[tilespmem:$0xD000] =	vst v63  }
0x4b4: {  	s0 =	simm.s32 $0xB800  }
0x4b5: {  	[tilespmem:s0], [sflag:$0x2] =	stream.indirect_vreg.gather [hbm4b:s5+s3], $0x80, v3, vm1, $0xb8;
	[tilespmem:$0xD000] =	vst v63  }
0x4b6: {  	s1 =	simm.s32 $0xC000  }
0x4b7: {  	[tilespmem:s1], [sflag:$0x2] =	stream.indirect_vreg.gather [hbm4b:s6+s3], $0x80, v3, vm1, $0xb8;
	[tilespmem:$0xD000] =	vst v63  }
0x4b8: {  	s4 =	simm.s32 $0xC800  }
0x4b9: {  	[tilespmem:s4], [sflag:$0x2] =	stream.indirect_vreg.gather [hbm4b:s7+s3], $0x80, v3, vm1, $0xb8;
	[tilespmem:$0xD000] =	vst v63  }
0x4ba: {  	_ =	swait.ge [sflag:s9], $0x5000  }
0x4bb: {  	[sflag:s9] =	ssyncset.done $0x0  }
0x4bc: {  	s4 =	rddreg [dreg:$0x1d];
	[sflag:s9] =	ssyncadd.s32 $0xFFFFB000  }
0x4bd: {  	[hbm4b:s4+s3] =	stream.linear.scatter [tilespmem:s31], [sflag:$0x3], $0x6000, $0x38;
	[tilespmem:$0xD000] =	vst v63  }
0x4be: {  	_ =	swait.ge [sflag:s8], $0x6000  }
0x4bf: {  	[sflag:s8] =	ssyncset.done $0x0  }
0x4c0: {  	[sflag:s8] =	ssyncadd.s32 $0xFFFFA000  }
0x4c1: {  	v3 =	vld [tilespmem:$0xE00];
	_ =	sdelay $0x4  }
0x4c2: {  	v56 =	vshll.u32 v3, $0x3  }
0x4c3: {  	v3 =	vand.u32 $0x7, v3;
	v4 =	vand.u32 $0xFFFFFFC0, v56  }
0x4c4: {  	v3 =	vor.u32 v3, v4  }
0x4c5: {  	v4 =	vperm.xlane v3, v0;
	_ =	sdelay $0x1  }
0x4c6: {  	v4 =	vadd.s32 v1, v4;
	_ =	sdelay $0x4  }
0x4c7: {  	[tilespmem:s31], [sflag:$0x1] =	stream.indirect_vreg.gather [hbm4b:s2+s3], $0x80, v4, vm0, $0xb8;
	[tilespmem:$0xD000] =	vst v63  }
0x4c8: {  	s21 =	simm.s32 $0x1800;
	v3 =	vperm.xlane v3, v2  }
0x4c9: {  	[tilespmem:s21], [sflag:$0x1] =	stream.indirect_vreg.gather [hbm4b:s5+s3], $0x80, v4, vm0, $0xb8;
	[tilespmem:$0xD000] =	vst v63  }
0x4ca: {  	s13 =	simm.s32 $0x2000;
	v3 =	vadd.s32 v1, v3  }
0x4cb: {  	[tilespmem:s13], [sflag:$0x1] =	stream.indirect_vreg.gather [hbm4b:s6+s3], $0x80, v4, vm0, $0xb8;
	[tilespmem:$0xD000] =	vst v63  }
0x4cc: {  	s21 =	simm.s32 $0x2800  }
0x4cd: {  	[tilespmem:s21], [sflag:$0x1] =	stream.indirect_vreg.gather [hbm4b:s7+s3], $0x80, v4, vm0, $0xb8;
	[tilespmem:$0xD000] =	vst v63  }
0x4ce: {  	s29 =	simm.s32 $0x3000  }
0x4cf: {  	[tilespmem:s29], [sflag:$0x1] =	stream.indirect_vreg.gather [hbm4b:s2+s3], $0x80, v3, vm0, $0xb8;
	[tilespmem:$0xD000] =	vst v63  }
0x4d0: {  	s20 =	simm.s32 $0x3800  }
0x4d1: {  	[tilespmem:s20], [sflag:$0x1] =	stream.indirect_vreg.gather [hbm4b:s5+s3], $0x80, v3, vm0, $0xb8;
	[tilespmem:$0xD000] =	vst v63  }
0x4d2: {  	s1 =	simm.s32 $0x4000  }
0x4d3: {  	[tilespmem:s1], [sflag:$0x1] =	stream.indirect_vreg.gather [hbm4b:s6+s3], $0x80, v3, vm0, $0xb8;
	[tilespmem:$0xD000] =	vst v63  }
0x4d4: {  	s30 =	simm.s32 $0x4800  }
0x4d5: {  	[tilespmem:s30], [sflag:$0x1] =	stream.indirect_vreg.gather [hbm4b:s7+s3], $0x80, v3, vm0, $0xb8;
	[tilespmem:$0xD000] =	vst v63  }
0x4d6: {  	v3 =	vld.msk [tilespmem:$0xE10], $0xf;
	_ =	sdelay $0x4  }
0x4d7: {  	v57 =	vshll.u32 v3, $0x3  }
0x4d8: {  	v3 =	vand.u32 $0x7, v3;
	v4 =	vand.u32 $0xFFFFFFC0, v57  }
0x4d9: {  	v3 =	vor.u32 v3, v4  }
0x4da: {  	v3 =	vperm.xlane v3, v0;
	_ =	sdelay $0x1  }
0x4db: {  	v3 =	vadd.s32 v1, v3;
	_ =	sdelay $0x3  }
0x4dc: {  	s10 =	simm.s32 $0x5000  }
0x4dd: {  	[tilespmem:s10], [sflag:$0x1] =	stream.indirect_vreg.gather [hbm4b:s2+s3], $0x80, v3, vm1, $0xb8;
	[tilespmem:$0xD000] =	vst v63  }
0x4de: {  	s14 =	simm.s32 $0x5800  }
0x4df: {  	[tilespmem:s14], [sflag:$0x1] =	stream.indirect_vreg.gather [hbm4b:s5+s3], $0x80, v3, vm1, $0xb8;
	[tilespmem:$0xD000] =	vst v63  }
0x4e0: {  	s15 =	simm.s32 $0x6000  }
0x4e1: {  	[tilespmem:s15], [sflag:$0x1] =	stream.indirect_vreg.gather [hbm4b:s6+s3], $0x80, v3, vm1, $0xb8;
	[tilespmem:$0xD000] =	vst v63  }
0x4e2: {  	s13 =	simm.s32 $0x6800  }
0x4e3: {  	[tilespmem:s13], [sflag:$0x1] =	stream.indirect_vreg.gather [hbm4b:s7+s3], $0x80, v3, vm1, $0xb8;
	[tilespmem:$0xD000] =	vst v63  }
0x4e4: {  	_ =	swait.ge [sflag:s11], $0x5000  }
0x4e5: {  	[sflag:s11] =	ssyncset.done $0x0  }
0x4e6: {  	s15 =	rddreg [dreg:$0x1e];
	[sflag:s11] =	ssyncadd.s32 $0xFFFFB000  }
0x4e7: {  	[hbm4b:s15+s3] =	stream.linear.scatter [tilespmem:s22], [sflag:$0x4], $0x6000, $0x38;
	[tilespmem:$0xD000] =	vst v63  }
0x4e8: {  	_ =	swait.ge [sflag:s12], $0x6000  }
0x4e9: {  	[sflag:s12] =	ssyncset.done $0x0  }
0x4ea: {  	[sflag:s12] =	ssyncadd.s32 $0xFFFFA000  }
0x4eb: {  	v3 =	vld [tilespmem:$0xE80];
	_ =	sdelay $0x4  }
0x4ec: {  	v58 =	vshll.u32 v3, $0x3  }
0x4ed: {  	v3 =	vand.u32 $0x7, v3;
	v4 =	vand.u32 $0xFFFFFFC0, v58  }
0x4ee: {  	v3 =	vor.u32 v3, v4  }
0x4ef: {  	v4 =	vperm.xlane v3, v0;
	_ =	sdelay $0x1  }
0x4f0: {  	v4 =	vadd.s32 v1, v4;
	_ =	sdelay $0x4  }
0x4f1: {  	[tilespmem:s22], [sflag:$0x2] =	stream.indirect_vreg.gather [hbm4b:s2+s3], $0x80, v4, vm0, $0xb8;
	[tilespmem:$0xD000] =	vst v63  }
0x4f2: {  	s25 =	simm.s32 $0x7800;
	v3 =	vperm.xlane v3, v2  }
0x4f3: {  	[tilespmem:s25], [sflag:$0x2] =	stream.indirect_vreg.gather [hbm4b:s5+s3], $0x80, v4, vm0, $0xb8;
	[tilespmem:$0xD000] =	vst v63  }
0x4f4: {  	s16 =	simm.s32 $0x8000;
	v3 =	vadd.s32 v1, v3  }
0x4f5: {  	[tilespmem:s16], [sflag:$0x2] =	stream.indirect_vreg.gather [hbm4b:s6+s3], $0x80, v4, vm0, $0xb8;
	[tilespmem:$0xD000] =	vst v63  }
0x4f6: {  	s23 =	simm.s32 $0x8800  }
0x4f7: {  	[tilespmem:s23], [sflag:$0x2] =	stream.indirect_vreg.gather [hbm4b:s7+s3], $0x80, v4, vm0, $0xb8;
	[tilespmem:$0xD000] =	vst v63  }
0x4f8: {  	s19 =	simm.s32 $0x9000  }
0x4f9: {  	[tilespmem:s19], [sflag:$0x2] =	stream.indirect_vreg.gather [hbm4b:s2+s3], $0x80, v3, vm0, $0xb8;
	[tilespmem:$0xD000] =	vst v63  }
0x4fa: {  	s25 =	simm.s32 $0x9800  }
0x4fb: {  	[tilespmem:s25], [sflag:$0x2] =	stream.indirect_vreg.gather [hbm4b:s5+s3], $0x80, v3, vm0, $0xb8;
	[tilespmem:$0xD000] =	vst v63  }
0x4fc: {  	s24 =	simm.s32 $0xA000  }
0x4fd: {  	[tilespmem:s24], [sflag:$0x2] =	stream.indirect_vreg.gather [hbm4b:s6+s3], $0x80, v3, vm0, $0xb8;
	[tilespmem:$0xD000] =	vst v63  }
0x4fe: {  	s28 =	simm.s32 $0xA800  }
0x4ff: {  	[tilespmem:s28], [sflag:$0x2] =	stream.indirect_vreg.gather [hbm4b:s7+s3], $0x80, v3, vm0, $0xb8;
	[tilespmem:$0xD000] =	vst v63  }
0x500: {  	v3 =	vld.msk [tilespmem:$0xE90], $0xf;
	_ =	sdelay $0x4  }
0x501: {  	v59 =	vshll.u32 v3, $0x3  }
0x502: {  	v3 =	vand.u32 $0x7, v3;
	v4 =	vand.u32 $0xFFFFFFC0, v59  }
0x503: {  	v3 =	vor.u32 v3, v4  }
0x504: {  	v3 =	vperm.xlane v3, v0;
	_ =	sdelay $0x1  }
0x505: {  	v3 =	vadd.s32 v1, v3;
	_ =	sdelay $0x3  }
0x506: {  	s18 =	simm.s32 $0xB000  }
0x507: {  	[tilespmem:s18], [sflag:$0x2] =	stream.indirect_vreg.gather [hbm4b:s2+s3], $0x80, v3, vm1, $0xb8;
	[tilespmem:$0xD000] =	vst v63  }
0x508: {  	s26 =	simm.s32 $0xB800  }
0x509: {  	[tilespmem:s26], [sflag:$0x2] =	stream.indirect_vreg.gather [hbm4b:s5+s3], $0x80, v3, vm1, $0xb8;
	[tilespmem:$0xD000] =	vst v63  }
0x50a: {  	s17 =	simm.s32 $0xC000  }
0x50b: {  	[tilespmem:s17], [sflag:$0x2] =	stream.indirect_vreg.gather [hbm4b:s6+s3], $0x80, v3, vm1, $0xb8;
	[tilespmem:$0xD000] =	vst v63  }
0x50c: {  	s26 =	simm.s32 $0xC800  }
0x50d: {  	[tilespmem:s26], [sflag:$0x2] =	stream.indirect_vreg.gather [hbm4b:s7+s3], $0x80, v3, vm1, $0xb8;
	[tilespmem:$0xD000] =	vst v63  }
0x50e: {  	_ =	swait.ge [sflag:s9], $0x5000  }
0x50f: {  	[sflag:s9] =	ssyncset.done $0x0  }
0x510: {  	s28 =	rddreg [dreg:$0x1f];
	[sflag:s9] =	ssyncadd.s32 $0xFFFFB000  }
0x511: {  	[hbm4b:s28+s3] =	stream.linear.scatter [tilespmem:s31], [sflag:$0x3], $0x6000, $0x38;
	[tilespmem:$0xD000] =	vst v63  }
0x512: {  	_ =	swait.ge [sflag:s8], $0x6000  }
0x513: {  	[sflag:s8] =	ssyncset.done $0x0  }
0x514: {  	[sflag:s8] =	ssyncadd.s32 $0xFFFFA000  }
0x515: {  	v3 =	vld [tilespmem:$0xF00];
	_ =	sdelay $0x4  }
0x516: {  	v60 =	vshll.u32 v3, $0x3  }
0x517: {  	v3 =	vand.u32 $0x7, v3;
	v4 =	vand.u32 $0xFFFFFFC0, v60  }
0x518: {  	v3 =	vor.u32 v3, v4  }
0x519: {  	v4 =	vperm.xlane v3, v0;
	_ =	sdelay $0x1  }
0x51a: {  	v4 =	vadd.s32 v1, v4;
	_ =	sdelay $0x4  }
0x51b: {  	[tilespmem:s31], [sflag:$0x1] =	stream.indirect_vreg.gather [hbm4b:s2+s3], $0x80, v4, vm0, $0xb8;
	[tilespmem:$0xD000] =	vst v63  }
0x51c: {  	s4 =	simm.s32 $0x1800;
	v3 =	vperm.xlane v3, v2  }
0x51d: {  	[tilespmem:s4], [sflag:$0x1] =	stream.indirect_vreg.gather [hbm4b:s5+s3], $0x80, v4, vm0, $0xb8;
	[tilespmem:$0xD000] =	vst v63  }
0x51e: {  	s13 =	simm.s32 $0x2000;
	v3 =	vadd.s32 v1, v3  }
0x51f: {  	[tilespmem:s13], [sflag:$0x1] =	stream.indirect_vreg.gather [hbm4b:s6+s3], $0x80, v4, vm0, $0xb8;
	[tilespmem:$0xD000] =	vst v63  }
0x520: {  	s26 =	simm.s32 $0x2800  }
0x521: {  	[tilespmem:s26], [sflag:$0x1] =	stream.indirect_vreg.gather [hbm4b:s7+s3], $0x80, v4, vm0, $0xb8;
	[tilespmem:$0xD000] =	vst v63  }
0x522: {  	s28 =	simm.s32 $0x3000  }
0x523: {  	[tilespmem:s28], [sflag:$0x1] =	stream.indirect_vreg.gather [hbm4b:s2+s3], $0x80, v3, vm0, $0xb8;
	[tilespmem:$0xD000] =	vst v63  }
0x524: {  	s21 =	simm.s32 $0x3800  }
0x525: {  	[tilespmem:s21], [sflag:$0x1] =	stream.indirect_vreg.gather [hbm4b:s5+s3], $0x80, v3, vm0, $0xb8;
	[tilespmem:$0xD000] =	vst v63  }
0x526: {  	s13 =	simm.s32 $0x4000  }
0x527: {  	[tilespmem:s13], [sflag:$0x1] =	stream.indirect_vreg.gather [hbm4b:s6+s3], $0x80, v3, vm0, $0xb8;
	[tilespmem:$0xD000] =	vst v63  }
0x528: {  	s1 =	simm.s32 $0x4800  }
0x529: {  	[tilespmem:s1], [sflag:$0x1] =	stream.indirect_vreg.gather [hbm4b:s7+s3], $0x80, v3, vm0, $0xb8;
	[tilespmem:$0xD000] =	vst v63  }
0x52a: {  	v3 =	vld.msk [tilespmem:$0xF10], $0xf;
	_ =	sdelay $0x4  }
0x52b: {  	v61 =	vshll.u32 v3, $0x3  }
0x52c: {  	v3 =	vand.u32 $0x7, v3;
	v4 =	vand.u32 $0xFFFFFFC0, v61  }
0x52d: {  	v3 =	vor.u32 v3, v4  }
0x52e: {  	v3 =	vperm.xlane v3, v0;
	_ =	sdelay $0x1  }
0x52f: {  	v3 =	vadd.s32 v1, v3;
	_ =	sdelay $0x3  }
0x530: {  	s20 =	simm.s32 $0x5000  }
0x531: {  	[tilespmem:s20], [sflag:$0x1] =	stream.indirect_vreg.gather [hbm4b:s2+s3], $0x80, v3, vm1, $0xb8;
	[tilespmem:$0xD000] =	vst v63  }
0x532: {  	s10 =	simm.s32 $0x5800  }
0x533: {  	[tilespmem:s10], [sflag:$0x1] =	stream.indirect_vreg.gather [hbm4b:s5+s3], $0x80, v3, vm1, $0xb8;
	[tilespmem:$0xD000] =	vst v63  }
0x534: {  	s14 =	simm.s32 $0x6000  }
0x535: {  	[tilespmem:s14], [sflag:$0x1] =	stream.indirect_vreg.gather [hbm4b:s6+s3], $0x80, v3, vm1, $0xb8;
	[tilespmem:$0xD000] =	vst v63  }
0x536: {  	s21 =	simm.s32 $0x6800  }
0x537: {  	[tilespmem:s21], [sflag:$0x1] =	stream.indirect_vreg.gather [hbm4b:s7+s3], $0x80, v3, vm1, $0xb8;
	[tilespmem:$0xD000] =	vst v63  }
0x538: {  	_ =	swait.ge [sflag:s11], $0x5000  }
0x539: {  	s26 =	sld [smem:$0x7FB]  }
0x53a: {  	[sflag:s11] =	ssyncset.done $0x0  }
0x53b: {  	[sflag:s11] =	ssyncadd.s32 $0xFFFFB000  }
0x53c: {  	[hbm4b:s26+s3] =	stream.linear.scatter [tilespmem:s22], [sflag:$0x4], $0x6000, $0x38;
	[tilespmem:$0xD000] =	vst v63  }
0x53d: {  	_ =	swait.ge [sflag:s12], $0x6000  }
0x53e: {  	[sflag:s12] =	ssyncset.done $0x0  }
0x53f: {  	[sflag:s12] =	ssyncadd.s32 $0xFFFFA000  }
0x540: {  	v3 =	vld [tilespmem:$0xF80];
	_ =	sdelay $0x4  }
0x541: {  	v62 =	vshll.u32 v3, $0x3  }
0x542: {  	v3 =	vand.u32 $0x7, v3;
	v4 =	vand.u32 $0xFFFFFFC0, v62  }
0x543: {  	v3 =	vor.u32 v3, v4  }
0x544: {  	v4 =	vperm.xlane v3, v0;
	_ =	sdelay $0x1  }
0x545: {  	v4 =	vadd.s32 v1, v4;
	_ =	sdelay $0x4  }
0x546: {  	[tilespmem:s22], [sflag:$0x2] =	stream.indirect_vreg.gather [hbm4b:s2+s3], $0x80, v4, vm0, $0xb8;
	[tilespmem:$0xD000] =	vst v63  }
0x547: {  	s0 =	simm.s32 $0x7800;
	v3 =	vperm.xlane v3, v2  }
0x548: {  	[tilespmem:s0], [sflag:$0x2] =	stream.indirect_vreg.gather [hbm4b:s5+s3], $0x80, v4, vm0, $0xb8;
	[tilespmem:$0xD000] =	vst v63  }
0x549: {  	s15 =	simm.s32 $0x8000;
	v3 =	vadd.s32 v1, v3  }
0x54a: {  	[tilespmem:s15], [sflag:$0x2] =	stream.indirect_vreg.gather [hbm4b:s6+s3], $0x80, v4, vm0, $0xb8;
	[tilespmem:$0xD000] =	vst v63  }
0x54b: {  	s29 =	simm.s32 $0x8800  }
0x54c: {  	[tilespmem:s29], [sflag:$0x2] =	stream.indirect_vreg.gather [hbm4b:s7+s3], $0x80, v4, vm0, $0xb8;
	[tilespmem:$0xD000] =	vst v63  }
0x54d: {  	s16 =	simm.s32 $0x9000  }
0x54e: {  	[tilespmem:s16], [sflag:$0x2] =	stream.indirect_vreg.gather [hbm4b:s2+s3], $0x80, v3, vm0, $0xb8;
	[tilespmem:$0xD000] =	vst v63  }
0x54f: {  	s30 =	simm.s32 $0x9800  }
0x550: {  	[tilespmem:s30], [sflag:$0x2] =	stream.indirect_vreg.gather [hbm4b:s5+s3], $0x80, v3, vm0, $0xb8;
	[tilespmem:$0xD000] =	vst v63  }
0x551: {  	s19 =	simm.s32 $0xA000  }
0x552: {  	[tilespmem:s19], [sflag:$0x2] =	stream.indirect_vreg.gather [hbm4b:s6+s3], $0x80, v3, vm0, $0xb8;
	[tilespmem:$0xD000] =	vst v63  }
0x553: {  	s25 =	simm.s32 $0xA800  }
0x554: {  	[tilespmem:s25], [sflag:$0x2] =	stream.indirect_vreg.gather [hbm4b:s7+s3], $0x80, v3, vm0, $0xb8;
	[tilespmem:$0xD000] =	vst v63  }
0x555: {  	v3 =	vld.msk [tilespmem:$0xF90], $0xf;
	_ =	sdelay $0x4  }
0x556: {  	v63 =	vshll.u32 v3, $0x3  }
0x557: {  	v3 =	vand.u32 $0x7, v3;
	v4 =	vand.u32 $0xFFFFFFC0, v63  }
0x558: {  	v3 =	vor.u32 v3, v4  }
0x559: {  	v3 =	vperm.xlane v3, v0;
	_ =	sdelay $0x1  }
0x55a: {  	v3 =	vadd.s32 v1, v3;
	_ =	sdelay $0x3  }
0x55b: {  	s24 =	simm.s32 $0xB000  }
0x55c: {  	[tilespmem:s24], [sflag:$0x2] =	stream.indirect_vreg.gather [hbm4b:s2+s3], $0x80, v3, vm1, $0xb8;
	[tilespmem:$0xD000] =	vst v63  }
0x55d: {  	s18 =	simm.s32 $0xB800  }
0x55e: {  	[tilespmem:s18], [sflag:$0x2] =	stream.indirect_vreg.gather [hbm4b:s5+s3], $0x80, v3, vm1, $0xb8;
	[tilespmem:$0xD000] =	vst v63  }
0x55f: {  	s23 =	simm.s32 $0xC000  }
0x560: {  	[tilespmem:s23], [sflag:$0x2] =	stream.indirect_vreg.gather [hbm4b:s6+s3], $0x80, v3, vm1, $0xb8;
	[tilespmem:$0xD000] =	vst v63  }
0x561: {  	s17 =	simm.s32 $0xC800  }
0x562: {  	[tilespmem:s17], [sflag:$0x2] =	stream.indirect_vreg.gather [hbm4b:s7+s3], $0x80, v3, vm1, $0xb8;
	[tilespmem:$0xD000] =	vst v63  }
0x563: {  	_ =	swait.ge [sflag:s9], $0x5000  }
0x564: {  	s28 =	sld [smem:$0x7FC]  }
0x565: {  	[sflag:s9] =	ssyncset.done $0x0  }
0x566: {  	[sflag:s9] =	ssyncadd.s32 $0xFFFFB000  }
0x567: {  	[hbm4b:s28+s3] =	stream.linear.scatter [tilespmem:s31], [sflag:$0x3], $0x6000, $0x38;
	[tilespmem:$0xD000] =	vst v63  }
0x568: {  	_ =	swait.ge [sflag:s11], $0x5000  }
0x569: {  	s29 =	sld [smem:$0x7FD]  }
0x56a: {  	[sflag:s11] =	ssyncset.done $0x0;
	s30 =	sld [smem:$0x7F9]  }
0x56b: {  	[sflag:s11] =	ssyncadd.s32 $0xFFFFB000  }
0x56c: {  	[hbm4b:s29+s3] =	stream.linear.scatter [tilespmem:s22], [sflag:$0x4], $0x6000, $0x38;
	[tilespmem:$0xD000] =	vst v63  }
0x56d: {  	p0 =	sne.s32 s30, $0x1;
	_ =	swait.ge [sflag:s8], $0x6000  }
.Ltmp0:
0x56e: {  	[sflag:s8] =	ssyncset.done $0x0;
	(pc) =	sbr.rel @p0 .LBB2_1-.Ltmp0, $4  }
0x56f: {  	[sflag:s8] =	ssyncadd.s32 $0xFFFFA000  }
0x570: {  	_ =	swait.ge [sflag:s12], $0x6000  }
0x571: {  	[sflag:s12] =	ssyncset.done $0x0  }
0x572: {  	s13 =	sadd.s32 $0xFFFFFFFF, s30;
	[sflag:s12] =	ssyncadd.s32 $0xFFFFA000  }
0x573: {  	_ =	sfence.sel $0x180000  }
0x574: {  	[bflag:$0x0] =	sbarrier.arrive $0xFFFF  }
0x575: {  	_ =	strace $0x90000047  }
0x576: {  	s0 =	stileid.u32;
	[bflag:$0x2] =	sbarrier.arrive $0xFFFF  }
0x577: {  	p0 =	sne.s32 s0, $0x0;
	s0 =	rddreg [dreg:$0x2]  }
0x578: {  	s0 =	sadd.s32 @!p0 $0x100000, s0  }
0x579: {  	[sflag:s0] =	ssyncadd.tile.s32 @!p0 $0x1;
	_ =	shalt  }
.Lfunc_end2:
_tile_overlayer_lowered:
.L_overlay_start_2:
0x57a: {  	(tag) =	ssettag $0x2  }
0x57b: {  	s0 =	rddreg [dreg:$0x0];
	s2 =	stileid.u32  }
0x57c: {  	s1 =	rddreg [dreg:$0x1];
	p0 =	sne.s32 s2, $0x0  }
0x57d: {  	s3 =	rddreg [dreg:$0x2];
	[bflag:$0x3] =	sbarrier.arrive $0xFFFF;
	s2 =	simm.s32 @!p0 $0x1C05  }
0x57e: {  	[timem:s3], [sflag:s2] =	dma.local @!p0 [hbm:s0], s1  }
0x57f: {  	s0 =	simm.s32 @!p0 $0x5  }
0x580: {  	_ =	swait.ge @!p0 [sflag:s0], s1  }
0x581: {  	s1 =	ssub.s32 @!p0 $0x0, s1;
	[sflag:s0] =	ssyncset.done @!p0 $0x0  }
0x582: {  	[sflag:s0] =	ssyncadd.s32 @!p0 s1  }
0x583: {  	[bflag:$0x3] =	sbarrier.arrive $0xFFFF  }
0x584: {  	_ =	shalt  }

// kernel: sparse-core-data-format-call.cloned.1.call-start
scs
called_computation_lowered:
.L_overlay_start_0:
0x0: {  	s2 =	sld [smem:$0x3FD9]  }
0x1: {  	s3 =	sld [smem:$0x3FFE];
	_ =	sdelay $0x1  }
0x2: {  	s1 =	srdreg.scid  }
0x3: {  	s0 =	sand.u32 $0x1, s1  }
0x4: {  	s18 =	sshll.u32 s0, $0xA;
	s2 =	sadd.s32 s3, s2  }
0x5: {  	s2 =	sadd.s32 s2, s18  }
0x6: {  	[smem:$0x3FC6] =	sst s2  }
0x7: {  	_ = 	snop  }
0x8: {  	s2 =	sld [smem:$0x3FD0];
	(tm) =	ssettm $0x1  }
0x9: {  	s19 =	sld [smem:$0x3FFB];
	_ =	sdelay $0x3  }
0xa: {  	_ =	strace s19  }
0xb: {  	s3 =	sld [smem:$0x3FFC];
	_ =	sdelay $0x3  }
0xc: {  	_ =	strace s3  }
0xd: {  	s3 =	sld [smem:$0x3FFD];
	_ =	sdelay $0x3  }
0xe: {  	_ =	strace s3  }
0xf: {  	_ =	strace $0x8FFFFFFF  }
0x10: {  	s20 =	sld [smem:$0x3FDB];
	_ =	sdelay $0x1  }
0x11: {  	s4 =	simm.s32 $_scs_section_size  }
0x12: {  	s5 =	simm.s32 $_size__tile_overlayer_lowered;
	s6 =	simm.s32 $_tile_overlayer_lowered  }
0x13: {  	s23 =	simm.s32 $0x1BFF;
	s22 =	sshll.u32 s6, $0x1;
	s3 =	sadd.s32 s4, s20  }
0x14: {  	s7 =	simm.s32 $0x0;
	s21 =	sshll.u32 s5, $0x1;
	s5 =	sadd.s32 s22, s3  }
0x15: {  	[timem:s7], [sflag:s23] =	dma.local [hbm:s5], s21  }
0x16: {  	_ =	swait.ge [sflag:s23], s21  }
0x17: {  	s4 =	ssub.s32 $0x0, s21;
	[sflag:s23] =	ssyncset.done $0x0  }
0x18: {  	[sflag:s23] =	ssyncadd.s32 s4;
	_ =	sdelay $0x1  }
0x19: {  	s24 =	simm.s32 $0x1B8B  }
0x1a: {  	_ =	swait.ge [sflag:s24], $0x1  }
0x1b: {  	[sflag:s24] =	ssyncset.done $0x0  }
0x1c: {  	s26 =	simm.s32 $0x1B8E;
	s25 =	sld [smem:$0x3FFE];
	[sflag:s24] =	ssyncadd.s32 $0xFFFFFFFF  }
0x1d: {  	s27 =	simm.s32 $execute0_lowered;
	[smem:$0x3FD2] =	sst s26  }
0x1e: {  	s5 =	sshll.u32 s27, $0x1;
	_ =	strace $0x80000049;
	[dreg:$0x1] =	wrdreg $0xFFFFFFFF  }
0x1f: {  	s28 =	simm.s32 $_size_execute0_lowered;
	s3 =	sadd.s32 s3, s5;
	[dreg:$0x0] =	wrdreg $0x0  }
0x20: {  	s5 =	sshll.u32 s28, $0x1;
	[dreg:$0x2] =	wrdreg s3  }
0x21: {  	[dreg:$0x3] =	wrdreg s5  }
0x22: {  	[dreg:$0x4] =	wrdreg $0xC0  }
0x23: {  	_ =	task [dreg:s7], $0x5FFFF  }
0x24: {  	[dreg:$0x1] =	wrdreg $0xFFFFFFFF  }
0x25: {  	[dreg:$0x0] =	wrdreg $0x60  }
0x26: {  	[dreg:$0x2] =	wrdreg s25  }
0x27: {  	[dreg:$0x3] =	wrdreg s2  }
0x28: {  	[dreg:$0x4] =	wrdreg $0x9  }
0x29: {  	_ =	task.clear_ibuf [dreg:s7], $0x5FFFF;
	_ =	strace $0x90000049  }
0x2a: {  	s29 =	simm.s32 $0x9;
	_ =	strace $0x8000004B  }
0x2b: {  	_ =	swait.ge [sflag:s29], $0x1  }
0x2c: {  	[sflag:s29] =	ssyncadd.s32 $0xFFFFFFFF  }
0x2d: {  	_ =	strace $0x9000004B  }
0x2e: {  	_ =	sfence  }
0x2f: {  	s30 =	sld [smem:$0x0];
	_ =	sdelay $0x2  }
0x30: {  	s31 =	sshll.u32 s1, $0xD;
	s1 =	sshrl.u32 s1, $0x2  }
0x31: {  	s3 =	sand.u32 $0x4000, s31;
	s1 =	sadd.s32 s1, s30  }
0x32: {  	s0 =	sor.u32 s3, s0;
	s1 =	sshll.u32 s1, $0x11  }
0x33: {  	s0 =	sor.u32 s1, s0  }
0x34: {  	s0 =	sadd.s32 $0x8F2B, s0  }
0x35: {  	[sflag:s0] =	ssyncadd.remote.s32 $0x1  }
0x36: {  	_ =	sfence.sel $0xFFFF  }
0x37: {  	[dreg:$0x0] =	wrdreg $0xFFFFFFFF;
	(pc) =	sbr.abs _section_cstart, $3  }
0x38: {  	[dreg:$0x1] =	wrdreg $0xFFFFFFFF  }
0x39: {  	_ =	task.clear_ibuf [dreg:s7], $0x2FFFF;
	_ =	strace $0x9FFFFFFF  }
0x3a: {  	(tm) =	ssettm $0x7FFFFFFF  }
0x3b: {  	_ =	shalt  }
tec
execute0_lowered:
.L_overlay_start_1:
0x0: {  	(tag) =	ssettag $0x1  }
0x1: {  	s4 =	rddreg [dreg:$0x0]  }
0x2: {  	s0 =	stileid.u32;
	s2 =	rddreg [dreg:$0x1]  }
0x3: {  	s7 =	srdreg.scid;
	s31 =	simm.s32 $0x2;
	s17 =	simm.s32 $0x0  }
0x4: {  	s9 =	simm.s32 $0x2000;
	s19 =	simm.s32 $0x0;
	s18 =	simm.s32 $0x0  }
0x5: {  	s10 =	simm.s32 $0x0;
	s11 =	simm.s32 $0x0;
	s1 =	sshll.u32 s0, $0x7  }
0x6: {  	s12 =	simm.s32 $0x0;
	s14 =	simm.s32 $0x0;
	s3 =	sand.u32 $0x380, s1  }
0x7: {  	s16 =	simm.s32 $0x0;
	s4 =	sadd.s32 $0x4800, s4;
	s5 =	ssub.s32 $0x400, s3  }
0x8: {  	s8 =	sshll.u32 s0, $0x4;
	s7 =	sshll.u32 s7, $0x8;
	s6 =	sand.u32 $0x380, s5  }
0x9: {  	s1 =	rddreg [dreg:$0x2];
	p0 =	sne.s32 s6, $0x0;
	s6 =	simm.s32 $0x1  }
.Ltmp0:
0xa: {  	s5 =	sshrl.u32 s5, $0xA;
	s6 =	simm.s32 @!p0 $0x0;
	(pc) =	sbr.rel .LBB1_1-.Ltmp0, $4  }
0xb: {  	_ =	strace $0x8000004A;
	s7 =	sor.u32 s8, s7;
	s6 =	sadd.s32 s6, s5  }
0xc: {  	s7 =	sand.u32 $0x180, s7;
	s5 =	simm.s32 $0x1;
	s6 =	smul.u32 $0x28, s6  }
0xd: {  	s15 =	smov.u32 s3;
	s13 =	smov.u32 s7;
	[sflag:s5] =	ssyncpa.u1 $0x0  }
0xe: {  	p0 =	por $0x0, $0x0;
	[sflag:s31] =	ssyncpa.u1 $0x0;
	s8 =	sor.u32 $0x1, s6  }
.LBB1_4:
0xf: {  	s25 =	sshll.u32 s10, $0xA;
	s24 =	sshra.s32 s24, $0x2;
	s26 =	sshll.u32 s12, $0x3  }
0x10: {  	p1 =	sgt.s32 s11, $0x13;
	s27 =	smov.u32 s11;
	s28 =	sshra.s32 s11, $0x1F  }
0x11: {  	p2 =	sgt.s32 s12, $0x380;
	s31 =	sshra.s32 s12, $0x1F;
	s25 =	sand.u32 $0xFFFFE000, s25  }
0x12: {  	s26 =	sand.u32 $0xFFFFFC00, s26;
	s27 =	simm.s32 @!p1 $0x13;
	s28 =	sand.u32 s28, s11  }
0x13: {  	[tilespmem:s22+$0x2040 ss:$0x81] =	vst.msk $0xffff, v4;
	s23 =	sadd.s32 s24, s23;
	s29 =	sadd.s32 s26, s25;
	s25 =	ssub.s32 s27, s28  }
0x14: {  	[tilespmem:s22+$0x2850 ss:$0x81] =	vst.msk $0xffff, v3;
	s27 =	smov.u32 s12;
	s28 =	smov.u32 s10;
	s26 =	sand.u32 s31, s12  }
0x15: {  	[tilespmem:s22+$0x3060 ss:$0x81] =	vst.msk $0xffff, v2;
	s24 =	sshrl.u32 s29, $0xA;
	s30 =	sadd.s32 $0xFFFFFFED, s25;
	s27 =	simm.s32 @!p2 $0x380  }
0x16: {  	v5 =	vld [tilespmem:s21+$0xFFFFFFD0];
	[tilespmem:s22+$0x0 ss:$0x81] =	vst.msk $0xffff, v1;
	p2 =	sgt.s32 s10, $0x368;
	s29 =	sshra.s32 s10, $0x1F;
	s22 =	ssub.s32 $0x14, s25  }
0x17: {  	v58 =	vld [tilespmem:s21+$0xFFFFFFE0];
	p1 =	sgt.s32 s30, $0x0;
	s28 =	simm.s32 @!p2 $0x368;
	s29 =	sand.u32 s29, s10  }
0x18: {  	v59 =	vld [tilespmem:s21+$0xFFFFFFF0];
	s26 =	ssub.s32 s27, s26;
	s27 =	smulhi.u32 $0x418938, s24;
	s28 =	ssub.s32 s28, s29  }
0x19: {  	v60 =	vld [tilespmem:s21+$0x0];
	s30 =	sadd.s32 $0xFFFFFC80, s26;
	s25 =	ssub.s32 $0x400, s26;
	s22 =	simm.s32 @p1 $0x0  }
0x1a: {  	v61 =	vld [tilespmem:s21+$0x10];
	[tilespmem:s23+$0x3870 ss:$0x81] =	vst.msk $0xffff, v0;
	s29 =	sand.u32 $0x78, s12;
	p2 =	sgt.s32 s30, $0x7F;
	s31 =	sadd.s32 $0xFFFFFC98, s28  }
0x1b: {  	v62 =	vld [tilespmem:s21+$0x20];
	[tilespmem:s23+$0x810 ss:$0x81] =	vst.msk $0xffff, v5;
	s27 =	smul.u32 $0x3E8, s27;
	s30 =	sshll.u32 s10, $0x7;
	s28 =	ssub.s32 $0x3E8, s28  }
0x1c: {  	v63 =	vld [tilespmem:s21+$0xFFFFFFC0];
	[tilespmem:s23+$0x1020 ss:$0x81] =	vst.msk $0xffff, v58;
	s25 =	simm.s32 @p2 $0x0;
	p1 =	sgt.s32 s31, $0x7F;
	s31 =	smul.u32 $0x1F400, s11  }
0x1d: {  	[tilespmem:s23+$0x1830 ss:$0x81] =	vst.msk $0xffff, v59;
	s21 =	sand.u32 $0x380, s30;
	s22 =	smul.u32 s25, s22;
	s28 =	simm.s32 @p1 $0x0  }
0x1e: {  	[tilespmem:s23+$0x2040 ss:$0x81] =	vst.msk $0xffff, v60;
	s21 =	sor.u32 s29, s21;
	s24 =	ssub.s32 s24, s27;
	s29 =	sand.u32 $0x7, s12  }
0x1f: {  	[tilespmem:s23+$0x2850 ss:$0x81] =	vst.msk $0xffff, v61;
	s21 =	sshrl.u32 s21, $0x3;
	s25 =	sadd.s32 s2, s31;
	s22 =	smul.u32 s28, s22  }
0x20: {  	[tilespmem:s23+$0x3060 ss:$0x81] =	vst.msk $0xffff, v62;
	s24 =	sshll.u32 s24, $0x7;
	s30 =	sshll.u32 s29, $0x12;
	s21 =	sadd.s32 s21, s25  }
0x21: {  	[tilespmem:s23+$0x0 ss:$0x81] =	vst.msk $0xffff, v63;
	s31 =	sor.u32 $0x400, s30;
	s21 =	sadd.s32 s24, s21;
	s22 =	sand.u32 $0x3FFFFFFF, s22  }
0x22: {  	[hbm4b:s21+s31] =	stream.strided.scatter [tilespmem:s20], [sflag:$0x2], s22, s9, s31, $0x20;
	[tilespmem:$0x10100] =	vst v63  }
.LBB1_5:
0x23: {  	p1 =	slt.u32 s16, $0x2  }
0x24: {  	p2 =	sgt.s32 @!p1 s19, $0x13  }
0x25: {  	s20 =	smov.u32 s19;
	s21 =	sshra.s32 @!p1 s19, $0x1F;
	p2 =	por !p2, p1  }
0x26: {  	s19 =	sand.u32 @!p1 s21, s19;
	s20 =	simm.s32 @p2 $0x13  }
0x27: {  	p3 =	sgt.s32 @!p1 s17, $0x368;
	s19 =	ssub.s32 @!p1 s20, s19  }
0x28: {  	p4 =	sgt.s32 @!p1 s18, $0x380;
	s22 =	sshra.s32 @!p1 s18, $0x1F;
	s20 =	sadd.s32 @!p1 $0xFFFFFFED, s19  }
0x29: {  	s21 =	smov.u32 s17;
	p2 =	sgt.s32 @!p1 s20, $0x0;
	s20 =	sshra.s32 @!p1 s17, $0x1F  }
0x2a: {  	p4 =	por !p4, p1;
	s17 =	sand.u32 @!p1 s20, s17;
	s20 =	smov.u32 s18  }
0x2b: {  	p3 =	por !p3, p1;
	s18 =	sand.u32 @!p1 s22, s18;
	s20 =	simm.s32 @p4 $0x380  }
0x2c: {  	s21 =	simm.s32 @p3 $0x368;
	s19 =	ssub.s32 @!p1 $0x14, s19;
	s18 =	ssub.s32 @!p1 s20, s18  }
0x2d: {  	p2 =	por !p2, p1;
	s17 =	ssub.s32 @!p1 s21, s17;
	s21 =	sadd.s32 @!p1 $0xFFFFFC80, s18  }
0x2e: {  	s19 =	simm.s32 @!p2 $0x0;
	p3 =	sgt.s32 @!p1 s21, $0x7F  }
0x2f: {  	s20 =	sadd.s32 @!p1 $0xFFFFFC98, s17;
	s18 =	ssub.s32 @!p1 $0x400, s18;
	p3 =	por !p3, p1  }
0x30: {  	p2 =	sgt.s32 @!p1 s20, $0x7F;
	s20 =	sadd.s32 $0x200, s13;
	s18 =	simm.s32 @!p3 $0x0  }
0x31: {  	p3 =	sgt.s32 s20, $0x3E7;
	s18 =	smul.u32 @!p1 s18, s19;
	s19 =	simm.s32 $0x1  }
0x32: {  	s17 =	ssub.s32 @!p1 $0x3E8, s17;
	p2 =	por !p2, p1;
	s19 =	simm.s32 @!p3 $0x0  }
0x33: {  	s22 =	smov.u32 s15;
	s17 =	simm.s32 @!p2 $0x0;
	s21 =	sadd.s32 s19, s14  }
0x34: {  	s17 =	smul.u32 @!p1 s17, s18;
	s18 =	sadd.s32 $0x400, s15;
	p2 =	sgt.s32 s21, $0x13  }
0x35: {  	p0 =	por !p0, !p0;
	s23 =	simm.s32 @!p1 $0x2;
	s22 =	smov.u32 @p2 s18  }
0x36: {  	s20 =	smov.u32 @p3 s7;
	s21 =	simm.s32 @p2 $0x0;
	p2 =	sgt.s32 s22, $0x3FF  }
0x37: {  	s19 =	smov.u32 s11;
	s22 =	smov.u32 @p2 s3;
	p2 =	sne.s32 s16, s8  }
.Ltmp1:
0x38: {  	s11 =	smov.u32 s14;
	s17 =	sand.u32 @!p1 $0x3FFFFFFF, s17;
	(pc) =	sbr.rel @!p2 .LBB1_6-.Ltmp1, $4  }
0x39: {  	s18 =	smov.u32 s12;
	s12 =	smov.u32 s15;
	_ =	swait.ge @!p1 [sflag:s23], s17  }
0x3a: {  	s24 =	ssub.s32 @!p1 $0x0, s17;
	s17 =	smov.u32 s10;
	s10 =	smov.u32 s13  }
0x3b: {  	s13 =	smov.u32 s20;
	s14 =	smov.u32 s21;
	[sflag:s23] =	ssyncset.done @!p1 $0x0  }
0x3c: {  	s16 =	sadd.s32 $0x1, s16;
	[sflag:s23] =	ssyncadd.s32 @!p1 s24;
	s15 =	smov.u32 s22  }
.LBB1_1:
0x3d: {  	p1 =	sge.u32 s16, s6  }
0x3e: {  	s20 =	sshll.u32 @!p1 s14, $0xA  }
0x3f: {  	s21 =	sshll.u32 @!p1 s13, $0x3;
	s20 =	sand.u32 @!p1 $0xFFFFE000, s20  }
0x40: {  	s20 =	sadd.s32 @!p1 s20, s21  }
0x41: {  	s20 =	sshrl.u32 @!p1 s20, $0xA  }
0x42: {  	s21 =	smulhi.u32 @!p1 $0xAAAAAAB, s20  }
0x43: {  	s22 =	sshll.u32 @!p1 s14, $0x7;
	s24 =	smul.u32 @!p1 $0xC00, s15  }
0x44: {  	s23 =	sand.u32 @!p1 $0x78, s13;
	s22 =	sand.u32 @!p1 $0x380, s22;
	s21 =	smul.u32 @!p1 $0x18, s21  }
0x45: {  	s31 =	sadd.s32 $0xFFFFFFFF, s16;
	s22 =	sor.u32 @!p1 s23, s22;
	s23 =	sadd.s32 @!p1 s4, s24  }
0x46: {  	s22 =	sshrl.u32 @!p1 s22, $0x3;
	s20 =	ssub.s32 @!p1 s20, s21;
	s21 =	sxor.u32 @!p1 $0xFFFFFFFF, s16  }
0x47: {  	s22 =	sadd.s32 @!p1 s22, s23;
	s23 =	sand.u32 @!p1 $0x7, s13;
	s21 =	sshll.u32 @!p1 s21, $0xE  }
0x48: {  	s23 =	sshll.u32 @!p1 s23, $0x12;
	s20 =	sshll.u32 @!p1 s20, $0x7;
	s21 =	sand.u32 @!p1 $0x4000, s21  }
0x49: {  	s20 =	sadd.s32 @!p1 s20, s22;
	s22 =	sor.u32 @!p1 $0x80, s23;
	s23 =	simm.s32 @!p1 $0x6000  }
0x4a: {  	[tilespmem:s21], [sflag:$0x1] =	stream.strided.gather @!p1 [hbm4b:s20+s22], $0x4000, s23, s22, $0x38;
	[tilespmem:$0x10100] =	vst v63  }
0x4b: {  	p1 =	sge.u32 s31, s6  }
.Ltmp2:
0x4c: {  	_ = 	snop;
	(pc) =	sbr.rel @p1 .LBB1_5-.Ltmp2, $1  }
0x4d: {  	_ =	sdelay $0x3  }
0x4e: {  	s20 =	simm.s32 $0x1  }
0x4f: {  	_ =	swait.ge [sflag:s5], $0x4000;
	s20 =	simm.s32 @!p0 $0x0  }
0x50: {  	[sflag:s5] =	ssyncset.done $0x0;
	s21 =	sshll.u32 s20, $0xE  }
0x51: {  	[sflag:s5] =	ssyncadd.s32 $0xFFFFC000;
	s21 =	sor.u32 $0x40, s21  }
0x52: {  	s20 =	smul.u32 $0x10200, s20;
	v0 =	vld [tilespmem:s21+$0x30]  }
0x53: {  	v1 =	vld [tilespmem:s21+$0xFFFFFFD0]  }
0x54: {  	s20 =	sshrl.u32 s20, $0x2;
	v5 =	vld [tilespmem:s21+$0xFFFFFFE0]  }
0x55: {  	v6 =	vld [tilespmem:s21+$0xFFFFFFF0];
	s23 =	sor.u32 $0x8000, s20  }
0x56: {  	s31 =	sand.u32 $0x1, s16;
	v4 =	vld [tilespmem:s21+$0x0];
	s22 =	sadd.s32 $0x0, s23  }
0x57: {  	v3 =	vld [tilespmem:s21+$0x10];
	s20 =	smul.u32 $0x10200, s31;
	[tilespmem:s22+$0x3870 ss:$0x81] =	vst.msk $0xffff, v0  }
0x58: {  	v2 =	vld [tilespmem:s21+$0x20];
	[tilespmem:s22+$0x810 ss:$0x81] =	vst.msk $0xffff, v1  }
0x59: {  	s20 =	sshrl.u32 s20, $0x2;
	v1 =	vld [tilespmem:s21+$0xFFFFFFC0];
	[tilespmem:s22+$0x1020 ss:$0x81] =	vst.msk $0xffff, v5;
	s21 =	sadd.s32 $0x80, s21  }
0x5a: {  	s24 =	simm.s32 $0x4;
	s25 =	simm.s32 $0x8;
	s20 =	sor.u32 $0x8000, s20;
	[tilespmem:s22+$0x1830 ss:$0x81] =	vst.msk $0xffff, v6;
	v0 =	vld [tilespmem:s21+$0x30]  }
.LBB1_3:
0x5b: {  	p1 =	sne.s32 s25, $0x1FC;
	v5 =	vld [tilespmem:s21+$0xFFFFFFD0];
	[tilespmem:s22+$0x2040 ss:$0x81] =	vst.msk $0xffff, v4  }
0x5c: {  	v6 =	vld [tilespmem:s21+$0xFFFFFFE0];
	[tilespmem:s22+$0x2850 ss:$0x81] =	vst.msk $0xffff, v3  }
0x5d: {  	s26 =	sshra.s32 s24, $0x2;
	s24 =	smov.u32 s25;
	v7 =	vld [tilespmem:s21+$0xFFFFFFF0];
	[tilespmem:s22+$0x3060 ss:$0x81] =	vst.msk $0xffff, v2  }
.Ltmp3:
0x5e: {  	v4 =	vld [tilespmem:s21+$0x0];
	[tilespmem:s22+$0x0 ss:$0x81] =	vst.msk $0xffff, v1;
	s22 =	sadd.s32 s26, s23;
	(pc) =	sbr.rel @p1 .LBB1_3-.Ltmp3, $4  }
0x5f: {  	v3 =	vld [tilespmem:s21+$0x10];
	[tilespmem:s22+$0x3870 ss:$0x81] =	vst.msk $0xffff, v0  }
0x60: {  	[tilespmem:s22+$0x810 ss:$0x81] =	vst.msk $0xffff, v5;
	v2 =	vld [tilespmem:s21+$0x20]  }
0x61: {  	v1 =	vld [tilespmem:s21+$0xFFFFFFC0];
	[tilespmem:s22+$0x1020 ss:$0x81] =	vst.msk $0xffff, v6;
	s21 =	sadd.s32 $0x80, s21  }
0x62: {  	s25 =	sadd.s32 $0x4, s25;
	v0 =	vld [tilespmem:s21+$0x30];
	[tilespmem:s22+$0x1830 ss:$0x81] =	vst.msk $0xffff, v7  }
.Ltmp4:
0x63: {  	_ = 	snop;
	(pc) =	sbr.rel .LBB1_4-.Ltmp4, $1  }
0x64: {  	_ =	sdelay $0x3  }
.LBB1_6:
0x65: {  	_ =	sfence.sel $0x180000  }
0x66: {  	s2 =	simm.s32 $0x1;
	[bflag:$0x0] =	sbarrier.arrive $0xFFFF  }
0x67: {  	s31 =	simm.s32 $0x2;
	[sflag:s2] =	ssyncpa.u1 $0x1  }
0x68: {  	[sflag:s31] =	ssyncpa.u1 $0x1  }
0x69: {  	p0 =	sne.s32 s0, $0x0;
	_ =	strace $0x9000004A  }
0x6a: {  	s0 =	sadd.s32 @!p0 $0x100000, s1;
	[bflag:$0x2] =	sbarrier.arrive $0xFFFF  }
0x6b: {  	[sflag:s0] =	ssyncadd.tile.s32 @!p0 $0x1;
	_ =	shalt  }
.Lfunc_end1:
_tile_overlayer_lowered:
.L_overlay_start_2:
0x6c: {  	(tag) =	ssettag $0x2  }
0x6d: {  	s0 =	rddreg [dreg:$0x0];
	s2 =	stileid.u32  }
0x6e: {  	s1 =	rddreg [dreg:$0x1];
	p0 =	sne.s32 s2, $0x0  }
0x6f: {  	s3 =	rddreg [dreg:$0x2];
	[bflag:$0x3] =	sbarrier.arrive $0xFFFF;
	s2 =	simm.s32 @!p0 $0x1C01  }
0x70: {  	[timem:s3], [sflag:s2] =	dma.local @!p0 [hbm:s0], s1  }
0x71: {  	s0 =	simm.s32 @!p0 $0x1  }
0x72: {  	_ =	swait.ge @!p0 [sflag:s0], s1  }
0x73: {  	s1 =	ssub.s32 @!p0 $0x0, s1;
	[sflag:s0] =	ssyncset.done @!p0 $0x0  }
0x74: {  	[sflag:s0] =	ssyncadd.s32 @!p0 s1  }
0x75: {  	[bflag:$0x3] =	sbarrier.arrive $0xFFFF  }
0x76: {  	_ =	shalt  }

</sc_bundles>
